<compile_context>
chip_gen: v7x
topology: tpu7x:2x2x1
jax: 0.10.2.dev20260603
libtpu: 0.0.44.dev20260713+nightly
codegen_flags: <defaults>
</compile_context>

<pallas_src>
import functools

import jax
import jax.numpy as jnp
from jax import lax
from jax.experimental import pallas as pl
from jax.experimental.pallas import tpu as pltpu
from jax.experimental.pallas import tpu_sc as plsc

_N = 10000
_H = 128
_C = 40
_L = 3
_E = 320000

_NC = 2
_NS = 16
_CH = 128
_G = 40
_NG = 2
_NCH = _NG * _G
_EPW = _NCH * _CH
_EPAD = _NC * _NS * _EPW
_NPAD = 10240
_RPT = _NPAD // _NS


def _seg_sum_partials(h, src, dst):
    mesh = plsc.VectorSubcoreMesh(core_axis_name="c", subcore_axis_name="s")

    @functools.partial(
        pl.kernel,
        mesh=mesh,
        out_type=jax.ShapeDtypeStruct((_NC, _NPAD, _H), jnp.float32),
        scratch_types=[
            pltpu.VMEM((_G * _CH,), jnp.int32),
            pltpu.VMEM((_G, _CH), jnp.int32),
            pltpu.VMEM((_CH, _H), jnp.float32),
            pltpu.VMEM((_CH, _H), jnp.float32),
            pltpu.VMEM_SHARED((_NPAD, _H), jnp.float32),
            pltpu.SemaphoreType.DMA,
            pltpu.SemaphoreType.DMA,
        ],
    )
    def seg(h_hbm, src_hbm, dst_hbm, out_hbm, src_v, dst_v, b0, b1,
            acc, g0, g1):
        c = lax.axis_index("c")
        s = lax.axis_index("s")
        bufs = (b0, b1)
        gsem = (g0, g1)

        def zf(i, carry):
            b0[i // 8, pl.ds((i % 8) * 16, 16)] = jnp.zeros((16,), jnp.float32)
            return carry

        lax.fori_loop(0, _CH * 8, zf, 0)

        row0 = s * _RPT
        for k in range(_RPT // _CH):
            pltpu.sync_copy(b0, acc.at[pl.ds(row0 + k * _CH, _CH)])

        plsc.subcore_barrier()

        def sidx(j):
            return src_v.at[pl.ds(j * _CH, _CH)]

        def gather(j, i):
            pltpu.async_copy(h_hbm.at[sidx(j)], bufs[i], gsem[i])

        def gwait(j, i):
            pltpu.make_async_copy(h_hbm.at[sidx(j)], bufs[i], gsem[i]).wait()

        def scat(j, i):
            pltpu.sync_copy(bufs[i], acc.at[dst_v.at[j]], add=True)

        for g in range(_NG):
            pltpu.sync_copy(src_hbm.at[c, s, g], src_v)
            pltpu.sync_copy(dst_hbm.at[c, s, g], dst_v)

            gather(0, 0)
            gather(1, 1)

            def body(k, carry):
                j = 2 * k
                gwait(j, 0)
                scat(j, 0)
                gather(j + 2, 0)
                gwait(j + 1, 1)
                scat(j + 1, 1)
                gather(j + 3, 1)
                return carry

            lax.fori_loop(0, _G // 2 - 1, body, 0)
            gwait(_G - 2, 0)
            scat(_G - 2, 0)
            gwait(_G - 1, 1)
            scat(_G - 1, 1)

        plsc.subcore_barrier()
        pltpu.sync_copy(acc.at[pl.ds(row0, _RPT)], out_hbm.at[c, pl.ds(row0, _RPT)])

    return seg(h, src, dst)


def _mlp_body(h_ref, p_ref, eps_ref, w1_ref, b1_ref, g1_ref, be1_ref,
              w2_ref, b2_ref, g2_ref, be2_ref, o_ref):
    u = (1.0 + eps_ref[0, 0]) * h_ref[...] + p_ref[0, :_N] + p_ref[1, :_N]
    h1 = jnp.dot(u, w1_ref[...], preferred_element_type=jnp.float32) + b1_ref[...]
    h1 = jnp.maximum(h1, 0.0)
    mu = jnp.mean(h1, axis=0, keepdims=True)
    var = jnp.mean((h1 - mu) ** 2, axis=0, keepdims=True)
    h1 = g1_ref[...] * (h1 - mu) * lax.rsqrt(var + 1e-5) + be1_ref[...]
    h2 = jnp.dot(h1, w2_ref[...], preferred_element_type=jnp.float32) + b2_ref[...]
    h2 = jnp.maximum(h2, 0.0)
    mu2 = jnp.mean(h2, axis=0, keepdims=True)
    var2 = jnp.mean((h2 - mu2) ** 2, axis=0, keepdims=True)
    o_ref[...] = g2_ref[...] * (h2 - mu2) * lax.rsqrt(var2 + 1e-5) + be2_ref[...]


def _mlp_tc(h, parts, eps, w1, b1, g1, be1, w2, b2, g2, be2):
    return pl.pallas_call(
        _mlp_body,
        out_shape=jax.ShapeDtypeStruct((_N, _H), jnp.float32),
    )(h, parts, eps.reshape(1, 1), w1, b1.reshape(1, _H), g1.reshape(1, _H),
      be1.reshape(1, _H), w2, b2.reshape(1, _H), g2.reshape(1, _H),
      be2.reshape(1, _H))


def _head_body(h_ref, w1_ref, b1_ref, w2_ref, b2_ref, o_ref):
    z = jnp.dot(h_ref[...], w1_ref[...], preferred_element_type=jnp.float32)
    z = jnp.maximum(z + b1_ref[...], 0.0)
    z = jnp.dot(z, w2_ref[...], preferred_element_type=jnp.float32) + b2_ref[...]
    m = jnp.max(z, axis=-1, keepdims=True)
    e = z - m
    o_ref[...] = e - jnp.log(jnp.sum(jnp.exp(e), axis=-1, keepdims=True))


def _head_tc(h, w1, b1, w2, b2):
    return pl.pallas_call(
        _head_body,
        out_shape=jax.ShapeDtypeStruct((_N, _C), jnp.float32),
    )(h, w1, b1.reshape(1, _H), w2, b2.reshape(1, _C))


def kernel(x, edge_index, params):
    pad_i = jnp.arange(_EPAD - _E, dtype=jnp.int32)
    src = jnp.concatenate([edge_index[0].astype(jnp.int32), pad_i % _N])
    dst = jnp.concatenate([edge_index[1].astype(jnp.int32),
                           _N + pad_i % (_NPAD - _N)])
    src = src.reshape(_NC, _NS, _NG, _G * _CH)
    dst = dst.reshape(_NC, _NS, _NG, _G, _CH)
    h = x
    for l in range(_L):
        pre = "conv%d" % l
        parts = _seg_sum_partials(h, src, dst)
        h = _mlp_tc(
            h, parts, params[pre + "_eps"],
            params[pre + "_W1"], params[pre + "_b1"],
            params[pre + "_g1"], params[pre + "_be1"],
            params[pre + "_W2"], params[pre + "_b2"],
            params[pre + "_g2"], params[pre + "_be2"],
        )
    return _head_tc(h, params["lin1_W"], params["lin1_b"],
                    params["lin2_W"], params["lin2_b"])

# --- scband reference (transcript-rebuilt; emitter-appended) ---
"""Pipeline reference for scband-gin-30227979829562 (READ-ONLY COPY).

The authoritative reference and input builder live on the scoring server;
editing this copy changes nothing except your own understanding.
"""

import jax, jax.numpy as jnp
import numpy as np

N = 10000
E = 320000
D = 128
H = 128
C = 40
L = 3

def _bn(h, g, b):
    mu = h.mean(axis=0)
    var = h.var(axis=0)
    return g * (h - mu) * jax.lax.rsqrt(var + 1e-5) + b

def _mlp(h, p, pre):
    h = h @ p[pre + "_W1"] + p[pre + "_b1"]
    h = jax.nn.relu(h)
    h = _bn(h, p[pre + "_g1"], p[pre + "_be1"])
    h = h @ p[pre + "_W2"] + p[pre + "_b2"]
    h = jax.nn.relu(h)
    h = _bn(h, p[pre + "_g2"], p[pre + "_be2"])
    return h

def _forward(x, params, edge_index):
    h = x
    for l in range(L):
        pre = "conv%d" % l
        # GINConv: aggregate neighbor features (sum over incoming edges at dst)
        agg = jax.ops.segment_sum(h[edge_index[0]], edge_index[1], num_segments=N)
        h = (1.0 + params[pre + "_eps"]) * h + agg
        h = _mlp(h, params, pre)
    h = jax.nn.relu(h @ params["lin1_W"] + params["lin1_b"])
    # dropout p=0.5 omitted (deterministic / eval-mode reference)
    h = h @ params["lin2_W"] + params["lin2_b"]
    return jax.nn.log_softmax(h, axis=-1)

def setup_inputs(seed: int = 0):
    key = jax.random.key(seed)
    kx, ks, kd, kp = jax.random.split(key, 4)
    x = jax.random.normal(kx, (N, D), jnp.float32)
    src = jax.random.randint(ks, (E,), 0, N)
    dst = jax.random.randint(kd, (E,), 0, N)
    edge_index = jnp.stack([src, dst]).astype(jnp.int64)
    params = {}
    i = [0]
    def nk():
        i[0] += 1
        return jax.random.fold_in(kp, i[0])
    for l in range(L):
        din = D if l == 0 else H
        pre = "conv%d" % l
        params[pre + "_eps"] = jnp.zeros((), jnp.float32)
        params[pre + "_W1"] = jax.random.normal(nk(), (din, H), jnp.float32) / np.sqrt(din)
        params[pre + "_b1"] = jnp.zeros((H,), jnp.float32)
        params[pre + "_g1"] = jnp.ones((H,), jnp.float32)
        params[pre + "_be1"] = jnp.zeros((H,), jnp.float32)
        params[pre + "_W2"] = jax.random.normal(nk(), (H, H), jnp.float32) / np.sqrt(H)
        params[pre + "_b2"] = jnp.zeros((H,), jnp.float32)
        params[pre + "_g2"] = jnp.ones((H,), jnp.float32)
        params[pre + "_be2"] = jnp.zeros((H,), jnp.float32)
    params["lin1_W"] = jax.random.normal(nk(), (H, H), jnp.float32) / np.sqrt(H)
    params["lin1_b"] = jnp.zeros((H,), jnp.float32)
    params["lin2_W"] = jax.random.normal(nk(), (H, C), jnp.float32) / np.sqrt(H)
    params["lin2_b"] = jnp.zeros((C,), jnp.float32)
    return {"x": x, "edge_index": edge_index, "params": params}

def reference(x, edge_index, params):
    return _forward(x, params, edge_index)

if __name__ == "__main__":
    import jax
    _d = setup_inputs()
    print(jax.jit(kernel)(*tuple(_d.values())))

</pallas_src>

<mosaic_0001>
#map = affine_map<(d0, d1) -> (0, 0)>
#map1 = affine_map<(d0, d1) -> (0, 0, 0, 0)>
#map2 = affine_map<(d0, d1) -> (0, 0, 0, 0, 0)>
#map3 = affine_map<(d0, d1) -> (0, 0, 0)>
module attributes {stable_mosaic.version = 14 : i64} {
  func.func @seg(%arg0: i32, %arg1: i32, %arg2: memref<10000x128xf32, #tpu.memory_space<hbm>>, %arg3: memref<2x16x2x5120xi32, #tpu.memory_space<hbm>>, %arg4: memref<2x16x2x40x128xi32, #tpu.memory_space<hbm>>, %arg5: memref<2x10240x128xf32, #tpu.memory_space<hbm>>, %arg6: memref<5120xi32, #tpu.memory_space<vmem>>, %arg7: memref<40x128xi32, #tpu.memory_space<vmem>>, %arg8: memref<128x128xf32, #tpu.memory_space<vmem>>, %arg9: memref<128x128xf32, #tpu.memory_space<vmem>>, %arg10: memref<10240x128xf32, #tpu.memory_space<vmem_shared>>, %arg11: memref<!tpu.dma_semaphore, #tpu.memory_space<semaphore_mem>>, %arg12: memref<!tpu.dma_semaphore, #tpu.memory_space<semaphore_mem>>) attributes {dimension_semantics = [#tpu.dimension_semantics<core_parallel>, #tpu.dimension_semantics<subcore_parallel>], iteration_bounds = array<i64: 2, 16>, scalar_prefetch = 0 : i64, scratch_operands = 7 : i64, tpu.core_type = #tpu.core_type<sc_vector_subcore>, window_params = [{transform_indices = #map}, {transform_indices = #map1}, {transform_indices = #map2}, {transform_indices = #map3}]} {
    %scan3A = arith.constant 0 : i32
    %scan3A_0 = arith.constant 0 : i32
    %scan3A_1 = arith.constant 1024 : i32
    %scan3A_2 = arith.addi %scan3A_0, %scan3A_1 : i32
    %scan3A_3 = arith.constant 1 : i32
    scf.for %scan3A_73 = %scan3A_0 to %scan3A_2 step %scan3A_3  : i32 {
      %broadcast_in_dim3A = arith.constant 0.000000e+00 : f32
      %broadcast_in_dim3A_74 = vector.broadcast %broadcast_in_dim3A : f32 to vector<16xf32>
      %jit3A = arith.constant 8 : i32
      %div3A = arith.divsi %scan3A_73, %jit3A : i32
      %sign3A = arith.constant 0 : i32
      %sign3A_75 = arith.cmpi sgt, %scan3A_73, %sign3A : i32
      %sign3A_76 = arith.extui %sign3A_75 : i1 to i32
      %sign3A_77 = arith.constant 0 : i32
      %sign3A_78 = arith.cmpi slt, %scan3A_73, %sign3A_77 : i32
      %sign3A_79 = arith.extui %sign3A_78 : i1 to i32
      %sign3A_80 = arith.subi %sign3A_76, %sign3A_79 : i32
      %sign3A_81 = arith.constant 0 : i32
      %sign3A_82 = arith.cmpi sgt, %jit3A, %sign3A_81 : i32
      %sign3A_83 = arith.extui %sign3A_82 : i1 to i32
      %sign3A_84 = arith.constant 0 : i32
      %sign3A_85 = arith.cmpi slt, %jit3A, %sign3A_84 : i32
      %sign3A_86 = arith.extui %sign3A_85 : i1 to i32
      %sign3A_87 = arith.subi %sign3A_83, %sign3A_86 : i32
      %ne3A = arith.cmpi ne, %sign3A_80, %sign3A_87 : i32
      %rem3A = arith.remsi %scan3A_73, %jit3A : i32
      %ne3A_88 = arith.constant 0 : i32
      %ne3A_89 = arith.cmpi ne, %rem3A, %ne3A_88 : i32
      %and3A = arith.andi %ne3A, %ne3A_89 : i1
      %sub3A = arith.constant 1 : i32
      %sub3A_90 = arith.subi %div3A, %sub3A : i32
      %select_n3A = arith.select %and3A, %sub3A_90, %div3A : i32
      %jit3A_91 = arith.constant 8 : i32
      %eq3A = arith.constant 0 : i32
      %eq3A_92 = arith.cmpi eq, %jit3A_91, %eq3A : i32
      %jit3A_93 = arith.constant 1 : i32
      %select_n3A_94 = arith.select %eq3A_92, %jit3A_93, %jit3A_91 : i32
      %rem3A_95 = arith.remsi %scan3A_73, %select_n3A_94 : i32
      %ne3A_96 = arith.constant 0 : i32
      %ne3A_97 = arith.cmpi ne, %rem3A_95, %ne3A_96 : i32
      %lt3A = arith.constant 0 : i32
      %lt3A_98 = arith.cmpi slt, %rem3A_95, %lt3A : i32
      %lt3A_99 = arith.constant 0 : i32
      %lt3A_100 = arith.cmpi slt, %select_n3A_94, %lt3A_99 : i32
      %ne3A_101 = arith.xori %lt3A_98, %lt3A_100 : i1
      %and3A_102 = arith.andi %ne3A_101, %ne3A_97 : i1
      %add3A_103 = arith.addi %rem3A_95, %select_n3A_94 : i32
      %select_n3A_104 = arith.select %and3A_102, %add3A_103, %rem3A_95 : i32
      %mul3A_105 = arith.constant 16 : i32
      %mul3A_106 = arith.muli %select_n3A_104, %mul3A_105 : i32
      %swap3A = arith.index_cast %select_n3A : i32 to index
      %swap3A_107 = arith.index_cast %mul3A_106 : i32 to index
      %swap3A_108 = tpu.vector_load %arg8[%swap3A, %swap3A_107] {strides = array<i32>} : memref<128x128xf32, #tpu.memory_space<vmem>>, vector<1x16xf32>,
      %swap3A_109 = vector.shape_cast %swap3A_108 : vector<1x16xf32> to vector<16xf32>
      %swap3A_110 = vector.shape_cast %broadcast_in_dim3A_74 : vector<16xf32> to vector<1x16xf32>
      tpu.vector_store %arg8[%swap3A, %swap3A_107], %swap3A_110 {strides = array<i32>} : memref<128x128xf32, #tpu.memory_space<vmem>>, vector<1x16xf32>,
    }
    %scan3A_4 = arith.constant 1024 : i32
    %mul3A = arith.constant 640 : i32
    %mul3A_5 = arith.muli %arg1, %mul3A : i32
    %add3A = arith.constant 0 : i32
    %add3A_6 = arith.addi %mul3A_5, %add3A : i32
    "tpu.region"() ({
      %run_scoped3A_73 = tpu.sem_alloc : memref<!tpu.dma_semaphore, #tpu.memory_space<semaphore_mem>>
      %dma_start3A_74 = arith.constant 0 : i32
      %dma_start3A_75 = tpu.memref_slice %arg10[%add3A_6, %dma_start3A_74] : memref<10240x128xf32, #tpu.memory_space<vmem_shared>> -> memref<128x128xf32, #tpu.memory_space<vmem_shared>>
      %dma_start3A_76 = arith.constant 0 : i32
      %dma_start3A_77 = tpu.memref_slice %arg10[%add3A_6, %dma_start3A_76] : memref<10240x128xf32, #tpu.memory_space<vmem_shared>> -> memref<128x128xf32, #tpu.memory_space<vmem_shared>>
      tpu.enqueue_dma source(%arg8 : memref<128x128xf32, #tpu.memory_space<vmem>>) target(%dma_start3A_77 : memref<128x128xf32, #tpu.memory_space<vmem_shared>>) target_semaphore(%run_scoped3A_73 : memref<!tpu.dma_semaphore, #tpu.memory_space<semaphore_mem>>)
      %dma_wait3A_78 = arith.constant 0 : i32
      %dma_wait3A_79 = tpu.memref_slice %arg10[%add3A_6, %dma_wait3A_78] : memref<10240x128xf32, #tpu.memory_space<vmem_shared>> -> memref<128x128xf32, #tpu.memory_space<vmem_shared>>
      %dma_wait3A_80 = arith.constant 0 : i32
      %dma_wait3A_81 = tpu.memref_slice %arg10[%add3A_6, %dma_wait3A_80] : memref<10240x128xf32, #tpu.memory_space<vmem_shared>> -> memref<128x128xf32, #tpu.memory_space<vmem_shared>>
      tpu.wait_dma2 semaphore(%run_scoped3A_73 : memref<!tpu.dma_semaphore, #tpu.memory_space<semaphore_mem>>) src(%arg8 : memref<128x128xf32, #tpu.memory_space<vmem>>) dst(%dma_wait3A_81 : memref<128x128xf32, #tpu.memory_space<vmem_shared>>)
      tpu.yield
    }) : () -> ()
    %add3A_7 = arith.constant 128 : i32
    %add3A_8 = arith.addi %mul3A_5, %add3A_7 : i32
    "tpu.region"() ({
      %run_scoped3A_73 = tpu.sem_alloc : memref<!tpu.dma_semaphore, #tpu.memory_space<semaphore_mem>>
      %dma_start3A_74 = arith.constant 0 : i32
      %dma_start3A_75 = tpu.memref_slice %arg10[%add3A_8, %dma_start3A_74] : memref<10240x128xf32, #tpu.memory_space<vmem_shared>> -> memref<128x128xf32, #tpu.memory_space<vmem_shared>>
      %dma_start3A_76 = arith.constant 0 : i32
      %dma_start3A_77 = tpu.memref_slice %arg10[%add3A_8, %dma_start3A_76] : memref<10240x128xf32, #tpu.memory_space<vmem_shared>> -> memref<128x128xf32, #tpu.memory_space<vmem_shared>>
      tpu.enqueue_dma source(%arg8 : memref<128x128xf32, #tpu.memory_space<vmem>>) target(%dma_start3A_77 : memref<128x128xf32, #tpu.memory_space<vmem_shared>>) target_semaphore(%run_scoped3A_73 : memref<!tpu.dma_semaphore, #tpu.memory_space<semaphore_mem>>)
      %dma_wait3A_78 = arith.constant 0 : i32
      %dma_wait3A_79 = tpu.memref_slice %arg10[%add3A_8, %dma_wait3A_78] : memref<10240x128xf32, #tpu.memory_space<vmem_shared>> -> memref<128x128xf32, #tpu.memory_space<vmem_shared>>
      %dma_wait3A_80 = arith.constant 0 : i32
      %dma_wait3A_81 = tpu.memref_slice %arg10[%add3A_8, %dma_wait3A_80] : memref<10240x128xf32, #tpu.memory_space<vmem_shared>> -> memref<128x128xf32, #tpu.memory_space<vmem_shared>>
      tpu.wait_dma2 semaphore(%run_scoped3A_73 : memref<!tpu.dma_semaphore, #tpu.memory_space<semaphore_mem>>) src(%arg8 : memref<128x128xf32, #tpu.memory_space<vmem>>) dst(%dma_wait3A_81 : memref<128x128xf32, #tpu.memory_space<vmem_shared>>)
      tpu.yield
    }) : () -> ()
    %add3A_9 = arith.constant 256 : i32
    %add3A_10 = arith.addi %mul3A_5, %add3A_9 : i32
    "tpu.region"() ({
      %run_scoped3A_73 = tpu.sem_alloc : memref<!tpu.dma_semaphore, #tpu.memory_space<semaphore_mem>>
      %dma_start3A_74 = arith.constant 0 : i32
      %dma_start3A_75 = tpu.memref_slice %arg10[%add3A_10, %dma_start3A_74] : memref<10240x128xf32, #tpu.memory_space<vmem_shared>> -> memref<128x128xf32, #tpu.memory_space<vmem_shared>>
      %dma_start3A_76 = arith.constant 0 : i32
      %dma_start3A_77 = tpu.memref_slice %arg10[%add3A_10, %dma_start3A_76] : memref<10240x128xf32, #tpu.memory_space<vmem_shared>> -> memref<128x128xf32, #tpu.memory_space<vmem_shared>>
      tpu.enqueue_dma source(%arg8 : memref<128x128xf32, #tpu.memory_space<vmem>>) target(%dma_start3A_77 : memref<128x128xf32, #tpu.memory_space<vmem_shared>>) target_semaphore(%run_scoped3A_73 : memref<!tpu.dma_semaphore, #tpu.memory_space<semaphore_mem>>)
      %dma_wait3A_78 = arith.constant 0 : i32
      %dma_wait3A_79 = tpu.memref_slice %arg10[%add3A_10, %dma_wait3A_78] : memref<10240x128xf32, #tpu.memory_space<vmem_shared>> -> memref<128x128xf32, #tpu.memory_space<vmem_shared>>
      %dma_wait3A_80 = arith.constant 0 : i32
      %dma_wait3A_81 = tpu.memref_slice %arg10[%add3A_10, %dma_wait3A_80] : memref<10240x128xf32, #tpu.memory_space<vmem_shared>> -> memref<128x128xf32, #tpu.memory_space<vmem_shared>>
      tpu.wait_dma2 semaphore(%run_scoped3A_73 : memref<!tpu.dma_semaphore, #tpu.memory_space<semaphore_mem>>) src(%arg8 : memref<128x128xf32, #tpu.memory_space<vmem>>) dst(%dma_wait3A_81 : memref<128x128xf32, #tpu.memory_space<vmem_shared>>)
      tpu.yield
    }) : () -> ()
    %add3A_11 = arith.constant 384 : i32
    %add3A_12 = arith.addi %mul3A_5, %add3A_11 : i32
    "tpu.region"() ({
      %run_scoped3A_73 = tpu.sem_alloc : memref<!tpu.dma_semaphore, #tpu.memory_space<semaphore_mem>>
      %dma_start3A_74 = arith.constant 0 : i32
      %dma_start3A_75 = tpu.memref_slice %arg10[%add3A_12, %dma_start3A_74] : memref<10240x128xf32, #tpu.memory_space<vmem_shared>> -> memref<128x128xf32, #tpu.memory_space<vmem_shared>>
      %dma_start3A_76 = arith.constant 0 : i32
      %dma_start3A_77 = tpu.memref_slice %arg10[%add3A_12, %dma_start3A_76] : memref<10240x128xf32, #tpu.memory_space<vmem_shared>> -> memref<128x128xf32, #tpu.memory_space<vmem_shared>>
      tpu.enqueue_dma source(%arg8 : memref<128x128xf32, #tpu.memory_space<vmem>>) target(%dma_start3A_77 : memref<128x128xf32, #tpu.memory_space<vmem_shared>>) target_semaphore(%run_scoped3A_73 : memref<!tpu.dma_semaphore, #tpu.memory_space<semaphore_mem>>)
      %dma_wait3A_78 = arith.constant 0 : i32
      %dma_wait3A_79 = tpu.memref_slice %arg10[%add3A_12, %dma_wait3A_78] : memref<10240x128xf32, #tpu.memory_space<vmem_shared>> -> memref<128x128xf32, #tpu.memory_space<vmem_shared>>
      %dma_wait3A_80 = arith.constant 0 : i32
      %dma_wait3A_81 = tpu.memref_slice %arg10[%add3A_12, %dma_wait3A_80] : memref<10240x128xf32, #tpu.memory_space<vmem_shared>> -> memref<128x128xf32, #tpu.memory_space<vmem_shared>>
      tpu.wait_dma2 semaphore(%run_scoped3A_73 : memref<!tpu.dma_semaphore, #tpu.memory_space<semaphore_mem>>) src(%arg8 : memref<128x128xf32, #tpu.memory_space<vmem>>) dst(%dma_wait3A_81 : memref<128x128xf32, #tpu.memory_space<vmem_shared>>)
      tpu.yield
    }) : () -> ()
    %add3A_13 = arith.constant 512 : i32
    %add3A_14 = arith.addi %mul3A_5, %add3A_13 : i32
    "tpu.region"() ({
      %run_scoped3A_73 = tpu.sem_alloc : memref<!tpu.dma_semaphore, #tpu.memory_space<semaphore_mem>>
      %dma_start3A_74 = arith.constant 0 : i32
      %dma_start3A_75 = tpu.memref_slice %arg10[%add3A_14, %dma_start3A_74] : memref<10240x128xf32, #tpu.memory_space<vmem_shared>> -> memref<128x128xf32, #tpu.memory_space<vmem_shared>>
      %dma_start3A_76 = arith.constant 0 : i32
      %dma_start3A_77 = tpu.memref_slice %arg10[%add3A_14, %dma_start3A_76] : memref<10240x128xf32, #tpu.memory_space<vmem_shared>> -> memref<128x128xf32, #tpu.memory_space<vmem_shared>>
      tpu.enqueue_dma source(%arg8 : memref<128x128xf32, #tpu.memory_space<vmem>>) target(%dma_start3A_77 : memref<128x128xf32, #tpu.memory_space<vmem_shared>>) target_semaphore(%run_scoped3A_73 : memref<!tpu.dma_semaphore, #tpu.memory_space<semaphore_mem>>)
      %dma_wait3A_78 = arith.constant 0 : i32
      %dma_wait3A_79 = tpu.memref_slice %arg10[%add3A_14, %dma_wait3A_78] : memref<10240x128xf32, #tpu.memory_space<vmem_shared>> -> memref<128x128xf32, #tpu.memory_space<vmem_shared>>
      %dma_wait3A_80 = arith.constant 0 : i32
      %dma_wait3A_81 = tpu.memref_slice %arg10[%add3A_14, %dma_wait3A_80] : memref<10240x128xf32, #tpu.memory_space<vmem_shared>> -> memref<128x128xf32, #tpu.memory_space<vmem_shared>>
      tpu.wait_dma2 semaphore(%run_scoped3A_73 : memref<!tpu.dma_semaphore, #tpu.memory_space<semaphore_mem>>) src(%arg8 : memref<128x128xf32, #tpu.memory_space<vmem>>) dst(%dma_wait3A_81 : memref<128x128xf32, #tpu.memory_space<vmem_shared>>)
      tpu.yield
    }) : () -> ()
    %barrier3A = arith.constant 0 : index
    tpu.barrier barrier_id(%barrier3A)
    %run_scoped3A = arith.constant 0 : i32
    "tpu.region"() ({
      %run_scoped3A_73 = tpu.sem_alloc : memref<!tpu.dma_semaphore, #tpu.memory_space<semaphore_mem>>
      %dma_start3A_74 = arith.constant 0 : i32
      %dma_start3A_75 = tpu.memref_slice %arg3[%arg0, %arg1, %run_scoped3A, %dma_start3A_74] : memref<2x16x2x5120xi32, #tpu.memory_space<hbm>> -> memref<1x1x1x5120xi32, #tpu.memory_space<hbm>>
      %dma_start3A_76 = tpu.memref_squeeze %dma_start3A_75 : memref<1x1x1x5120xi32, #tpu.memory_space<hbm>> -> memref<5120xi32, #tpu.memory_space<hbm>>
      %dma_start3A_77 = arith.constant 0 : i32
      %dma_start3A_78 = tpu.memref_slice %arg3[%arg0, %arg1, %run_scoped3A, %dma_start3A_77] : memref<2x16x2x5120xi32, #tpu.memory_space<hbm>> -> memref<1x1x1x5120xi32, #tpu.memory_space<hbm>>
      %dma_start3A_79 = tpu.memref_squeeze %dma_start3A_78 : memref<1x1x1x5120xi32, #tpu.memory_space<hbm>> -> memref<5120xi32, #tpu.memory_space<hbm>>
      tpu.enqueue_dma source(%dma_start3A_79 : memref<5120xi32, #tpu.memory_space<hbm>>) target(%arg6 : memref<5120xi32, #tpu.memory_space<vmem>>) target_semaphore(%run_scoped3A_73 : memref<!tpu.dma_semaphore, #tpu.memory_space<semaphore_mem>>)
      %dma_wait3A_80 = arith.constant 0 : i32
      %dma_wait3A_81 = tpu.memref_slice %arg3[%arg0, %arg1, %run_scoped3A, %dma_wait3A_80] : memref<2x16x2x5120xi32, #tpu.memory_space<hbm>> -> memref<1x1x1x5120xi32, #tpu.memory_space<hbm>>
      %dma_wait3A_82 = tpu.memref_squeeze %dma_wait3A_81 : memref<1x1x1x5120xi32, #tpu.memory_space<hbm>> -> memref<5120xi32, #tpu.memory_space<hbm>>
      %dma_wait3A_83 = arith.constant 0 : i32
      %dma_wait3A_84 = tpu.memref_slice %arg3[%arg0, %arg1, %run_scoped3A, %dma_wait3A_83] : memref<2x16x2x5120xi32, #tpu.memory_space<hbm>> -> memref<1x1x1x5120xi32, #tpu.memory_space<hbm>>
      %dma_wait3A_85 = tpu.memref_squeeze %dma_wait3A_84 : memref<1x1x1x5120xi32, #tpu.memory_space<hbm>> -> memref<5120xi32, #tpu.memory_space<hbm>>
      tpu.wait_dma2 semaphore(%run_scoped3A_73 : memref<!tpu.dma_semaphore, #tpu.memory_space<semaphore_mem>>) src(%dma_wait3A_85 : memref<5120xi32, #tpu.memory_space<hbm>>) dst(%arg6 : memref<5120xi32, #tpu.memory_space<vmem>>)
      tpu.yield
    }) : () -> ()
    %run_scoped3A_15 = arith.constant 0 : i32
    "tpu.region"() ({
      %run_scoped3A_73 = tpu.sem_alloc : memref<!tpu.dma_semaphore, #tpu.memory_space<semaphore_mem>>
      %dma_start3A_74 = arith.constant 0 : i32
      %dma_start3A_75 = arith.constant 0 : i32
      %dma_start3A_76 = tpu.memref_slice %arg4[%arg0, %arg1, %run_scoped3A_15, %dma_start3A_74, %dma_start3A_75] : memref<2x16x2x40x128xi32, #tpu.memory_space<hbm>> -> memref<1x1x1x40x128xi32, #tpu.memory_space<hbm>>
      %dma_start3A_77 = tpu.memref_squeeze %dma_start3A_76 : memref<1x1x1x40x128xi32, #tpu.memory_space<hbm>> -> memref<40x128xi32, #tpu.memory_space<hbm>>
      %dma_start3A_78 = arith.constant 0 : i32
      %dma_start3A_79 = arith.constant 0 : i32
      %dma_start3A_80 = tpu.memref_slice %arg4[%arg0, %arg1, %run_scoped3A_15, %dma_start3A_78, %dma_start3A_79] : memref<2x16x2x40x128xi32, #tpu.memory_space<hbm>> -> memref<1x1x1x40x128xi32, #tpu.memory_space<hbm>>
      %dma_start3A_81 = tpu.memref_squeeze %dma_start3A_80 : memref<1x1x1x40x128xi32, #tpu.memory_space<hbm>> -> memref<40x128xi32, #tpu.memory_space<hbm>>
      tpu.enqueue_dma source(%dma_start3A_81 : memref<40x128xi32, #tpu.memory_space<hbm>>) target(%arg7 : memref<40x128xi32, #tpu.memory_space<vmem>>) target_semaphore(%run_scoped3A_73 : memref<!tpu.dma_semaphore, #tpu.memory_space<semaphore_mem>>)
      %dma_wait3A_82 = arith.constant 0 : i32
      %dma_wait3A_83 = arith.constant 0 : i32
      %dma_wait3A_84 = tpu.memref_slice %arg4[%arg0, %arg1, %run_scoped3A_15, %dma_wait3A_82, %dma_wait3A_83] : memref<2x16x2x40x128xi32, #tpu.memory_space<hbm>> -> memref<1x1x1x40x128xi32, #tpu.memory_space<hbm>>
      %dma_wait3A_85 = tpu.memref_squeeze %dma_wait3A_84 : memref<1x1x1x40x128xi32, #tpu.memory_space<hbm>> -> memref<40x128xi32, #tpu.memory_space<hbm>>
      %dma_wait3A_86 = arith.constant 0 : i32
      %dma_wait3A_87 = arith.constant 0 : i32
      %dma_wait3A_88 = tpu.memref_slice %arg4[%arg0, %arg1, %run_scoped3A_15, %dma_wait3A_86, %dma_wait3A_87] : memref<2x16x2x40x128xi32, #tpu.memory_space<hbm>> -> memref<1x1x1x40x128xi32, #tpu.memory_space<hbm>>
      %dma_wait3A_89 = tpu.memref_squeeze %dma_wait3A_88 : memref<1x1x1x40x128xi32, #tpu.memory_space<hbm>> -> memref<40x128xi32, #tpu.memory_space<hbm>>
      tpu.wait_dma2 semaphore(%run_scoped3A_73 : memref<!tpu.dma_semaphore, #tpu.memory_space<semaphore_mem>>) src(%dma_wait3A_89 : memref<40x128xi32, #tpu.memory_space<hbm>>) dst(%arg7 : memref<40x128xi32, #tpu.memory_space<vmem>>)
      tpu.yield
    }) : () -> ()
    %dma_start3A = arith.constant 0 : i32
    %dma_start3A_16 = tpu.memref_slice %arg6[%dma_start3A] : memref<5120xi32, #tpu.memory_space<vmem>> -> memref<128xi32, #tpu.memory_space<vmem>>
    %dma_start3A_17 = arith.constant 0 : i32
    %dma_start3A_18 = arith.constant 0 : i32
    %dma_start3A_19 = tpu.memref_slice %arg2[%dma_start3A_17, %dma_start3A_18] : memref<10000x128xf32, #tpu.memory_space<hbm>> -> memref<10000x128xf32, #tpu.memory_space<hbm>>
    tpu.enqueue_indirect_dma source(%dma_start3A_19 : memref<10000x128xf32, #tpu.memory_space<hbm>>) target(%arg8 : memref<128x128xf32, #tpu.memory_space<vmem>>) offsets(%dma_start3A_16 : memref<128xi32, #tpu.memory_space<vmem>>) semaphore(%arg11 : memref<!tpu.dma_semaphore, #tpu.memory_space<semaphore_mem>>)
    %dma_start3A_20 = arith.constant 128 : i32
    %dma_start3A_21 = tpu.memref_slice %arg6[%dma_start3A_20] : memref<5120xi32, #tpu.memory_space<vmem>> -> memref<128xi32, #tpu.memory_space<vmem>>
    %dma_start3A_22 = arith.constant 0 : i32
    %dma_start3A_23 = arith.constant 0 : i32
    %dma_start3A_24 = tpu.memref_slice %arg2[%dma_start3A_22, %dma_start3A_23] : memref<10000x128xf32, #tpu.memory_space<hbm>> -> memref<10000x128xf32, #tpu.memory_space<hbm>>
    tpu.enqueue_indirect_dma source(%dma_start3A_24 : memref<10000x128xf32, #tpu.memory_space<hbm>>) target(%arg9 : memref<128x128xf32, #tpu.memory_space<vmem>>) offsets(%dma_start3A_21 : memref<128xi32, #tpu.memory_space<vmem>>) semaphore(%arg12 : memref<!tpu.dma_semaphore, #tpu.memory_space<semaphore_mem>>)
    %scan3A_25 = arith.constant 0 : i32
    %scan3A_26 = arith.constant 0 : i32
    %scan3A_27 = arith.constant 19 : i32
    %scan3A_28 = arith.addi %scan3A_26, %scan3A_27 : i32
    %scan3A_29 = arith.constant 1 : i32
    scf.for %scan3A_73 = %scan3A_26 to %scan3A_28 step %scan3A_29  : i32 {
      %mul3A_74 = arith.constant 2 : i32
      %mul3A_75 = arith.muli %mul3A_74, %scan3A_73 : i32
      %mul3A_76 = arith.constant 128 : i32
      %mul3A_77 = arith.muli %mul3A_75, %mul3A_76 : i32
      %dma_wait3A_78 = tpu.memref_slice %arg6[%mul3A_77] : memref<5120xi32, #tpu.memory_space<vmem>> -> memref<128xi32, #tpu.memory_space<vmem>>
      %dma_wait3A_79 = arith.constant 0 : i32
      %dma_wait3A_80 = arith.constant 0 : i32
      %dma_wait3A_81 = tpu.memref_slice %arg2[%dma_wait3A_79, %dma_wait3A_80] : memref<10000x128xf32, #tpu.memory_space<hbm>> -> memref<10000x128xf32, #tpu.memory_space<hbm>>
      tpu.wait_indirect_dma semaphore(%arg11 : memref<!tpu.dma_semaphore, #tpu.memory_space<semaphore_mem>>) src(%dma_wait3A_81 : memref<10000x128xf32, #tpu.memory_space<hbm>>) dst(%arg8 : memref<128x128xf32, #tpu.memory_space<vmem>>)
      "tpu.region"() ({
        %run_scoped3A_108 = tpu.sem_alloc : memref<!tpu.dma_semaphore, #tpu.memory_space<semaphore_mem>>
        %dma_start3A_109 = arith.constant 0 : i32
        %dma_start3A_110 = tpu.memref_slice %arg7[%mul3A_75, %dma_start3A_109] : memref<40x128xi32, #tpu.memory_space<vmem>> -> memref<1x128xi32, #tpu.memory_space<vmem>>
        %dma_start3A_111 = tpu.memref_squeeze %dma_start3A_110 : memref<1x128xi32, #tpu.memory_space<vmem>> -> memref<128xi32, #tpu.memory_space<vmem>>
        %dma_start3A_112 = arith.constant 0 : i32
        %dma_start3A_113 = arith.constant 0 : i32
        %dma_start3A_114 = tpu.memref_slice %arg10[%dma_start3A_112, %dma_start3A_113] : memref<10240x128xf32, #tpu.memory_space<vmem_shared>> -> memref<10240x128xf32, #tpu.memory_space<vmem_shared>>
        tpu.enqueue_indirect_dma source(%arg8 : memref<128x128xf32, #tpu.memory_space<vmem>>) target(%dma_start3A_114 : memref<10240x128xf32, #tpu.memory_space<vmem_shared>>) offsets(%dma_start3A_111 : memref<128xi32, #tpu.memory_space<vmem>>) semaphore(%run_scoped3A_108 : memref<!tpu.dma_semaphore, #tpu.memory_space<semaphore_mem>>) {add = true}
        %dma_wait3A_115 = arith.constant 0 : i32
        %dma_wait3A_116 = tpu.memref_slice %arg7[%mul3A_75, %dma_wait3A_115] : memref<40x128xi32, #tpu.memory_space<vmem>> -> memref<1x128xi32, #tpu.memory_space<vmem>>
        %dma_wait3A_117 = tpu.memref_squeeze %dma_wait3A_116 : memref<1x128xi32, #tpu.memory_space<vmem>> -> memref<128xi32, #tpu.memory_space<vmem>>
        %dma_wait3A_118 = arith.constant 0 : i32
        %dma_wait3A_119 = arith.constant 0 : i32
        %dma_wait3A_120 = tpu.memref_slice %arg10[%dma_wait3A_118, %dma_wait3A_119] : memref<10240x128xf32, #tpu.memory_space<vmem_shared>> -> memref<10240x128xf32, #tpu.memory_space<vmem_shared>>
        tpu.wait_indirect_dma semaphore(%run_scoped3A_108 : memref<!tpu.dma_semaphore, #tpu.memory_space<semaphore_mem>>) src(%arg8 : memref<128x128xf32, #tpu.memory_space<vmem>>) dst(%dma_wait3A_120 : memref<10240x128xf32, #tpu.memory_space<vmem_shared>>)
        tpu.yield
      }) : () -> ()
      %add3A_82 = arith.constant 2 : i32
      %add3A_83 = arith.addi %mul3A_75, %add3A_82 : i32
      %mul3A_84 = arith.constant 128 : i32
      %mul3A_85 = arith.muli %add3A_83, %mul3A_84 : i32
      %dma_start3A_86 = tpu.memref_slice %arg6[%mul3A_85] : memref<5120xi32, #tpu.memory_space<vmem>> -> memref<128xi32, #tpu.memory_space<vmem>>
      %dma_start3A_87 = arith.constant 0 : i32
      %dma_start3A_88 = arith.constant 0 : i32
      %dma_start3A_89 = tpu.memref_slice %arg2[%dma_start3A_87, %dma_start3A_88] : memref<10000x128xf32, #tpu.memory_space<hbm>> -> memref<10000x128xf32, #tpu.memory_space<hbm>>
      tpu.enqueue_indirect_dma source(%dma_start3A_89 : memref<10000x128xf32, #tpu.memory_space<hbm>>) target(%arg8 : memref<128x128xf32, #tpu.memory_space<vmem>>) offsets(%dma_start3A_86 : memref<128xi32, #tpu.memory_space<vmem>>) semaphore(%arg11 : memref<!tpu.dma_semaphore, #tpu.memory_space<semaphore_mem>>)
      %add3A_90 = arith.constant 1 : i32
      %add3A_91 = arith.addi %mul3A_75, %add3A_90 : i32
      %mul3A_92 = arith.constant 128 : i32
      %mul3A_93 = arith.muli %add3A_91, %mul3A_92 : i32
      %dma_wait3A_94 = tpu.memref_slice %arg6[%mul3A_93] : memref<5120xi32, #tpu.memory_space<vmem>> -> memref<128xi32, #tpu.memory_space<vmem>>
      %dma_wait3A_95 = arith.constant 0 : i32
      %dma_wait3A_96 = arith.constant 0 : i32
      %dma_wait3A_97 = tpu.memref_slice %arg2[%dma_wait3A_95, %dma_wait3A_96] : memref<10000x128xf32, #tpu.memory_space<hbm>> -> memref<10000x128xf32, #tpu.memory_space<hbm>>
      tpu.wait_indirect_dma semaphore(%arg12 : memref<!tpu.dma_semaphore, #tpu.memory_space<semaphore_mem>>) src(%dma_wait3A_97 : memref<10000x128xf32, #tpu.memory_space<hbm>>) dst(%arg9 : memref<128x128xf32, #tpu.memory_space<vmem>>)
      %add3A_98 = arith.constant 1 : i32
      %add3A_99 = arith.addi %mul3A_75, %add3A_98 : i32
      "tpu.region"() ({
        %run_scoped3A_108 = tpu.sem_alloc : memref<!tpu.dma_semaphore, #tpu.memory_space<semaphore_mem>>
        %dma_start3A_109 = arith.constant 0 : i32
        %dma_start3A_110 = tpu.memref_slice %arg7[%add3A_99, %dma_start3A_109] : memref<40x128xi32, #tpu.memory_space<vmem>> -> memref<1x128xi32, #tpu.memory_space<vmem>>
        %dma_start3A_111 = tpu.memref_squeeze %dma_start3A_110 : memref<1x128xi32, #tpu.memory_space<vmem>> -> memref<128xi32, #tpu.memory_space<vmem>>
        %dma_start3A_112 = arith.constant 0 : i32
        %dma_start3A_113 = arith.constant 0 : i32
        %dma_start3A_114 = tpu.memref_slice %arg10[%dma_start3A_112, %dma_start3A_113] : memref<10240x128xf32, #tpu.memory_space<vmem_shared>> -> memref<10240x128xf32, #tpu.memory_space<vmem_shared>>
        tpu.enqueue_indirect_dma source(%arg9 : memref<128x128xf32, #tpu.memory_space<vmem>>) target(%dma_start3A_114 : memref<10240x128xf32, #tpu.memory_space<vmem_shared>>) offsets(%dma_start3A_111 : memref<128xi32, #tpu.memory_space<vmem>>) semaphore(%run_scoped3A_108 : memref<!tpu.dma_semaphore, #tpu.memory_space<semaphore_mem>>) {add = true}
        %dma_wait3A_115 = arith.constant 0 : i32
        %dma_wait3A_116 = tpu.memref_slice %arg7[%add3A_99, %dma_wait3A_115] : memref<40x128xi32, #tpu.memory_space<vmem>> -> memref<1x128xi32, #tpu.memory_space<vmem>>
        %dma_wait3A_117 = tpu.memref_squeeze %dma_wait3A_116 : memref<1x128xi32, #tpu.memory_space<vmem>> -> memref<128xi32, #tpu.memory_space<vmem>>
        %dma_wait3A_118 = arith.constant 0 : i32
        %dma_wait3A_119 = arith.constant 0 : i32
        %dma_wait3A_120 = tpu.memref_slice %arg10[%dma_wait3A_118, %dma_wait3A_119] : memref<10240x128xf32, #tpu.memory_space<vmem_shared>> -> memref<10240x128xf32, #tpu.memory_space<vmem_shared>>
        tpu.wait_indirect_dma semaphore(%run_scoped3A_108 : memref<!tpu.dma_semaphore, #tpu.memory_space<semaphore_mem>>) src(%arg9 : memref<128x128xf32, #tpu.memory_space<vmem>>) dst(%dma_wait3A_120 : memref<10240x128xf32, #tpu.memory_space<vmem_shared>>)
        tpu.yield
      }) : () -> ()
      %add3A_100 = arith.constant 3 : i32
      %add3A_101 = arith.addi %mul3A_75, %add3A_100 : i32
      %mul3A_102 = arith.constant 128 : i32
      %mul3A_103 = arith.muli %add3A_101, %mul3A_102 : i32
      %dma_start3A_104 = tpu.memref_slice %arg6[%mul3A_103] : memref<5120xi32, #tpu.memory_space<vmem>> -> memref<128xi32, #tpu.memory_space<vmem>>
      %dma_start3A_105 = arith.constant 0 : i32
      %dma_start3A_106 = arith.constant 0 : i32
      %dma_start3A_107 = tpu.memref_slice %arg2[%dma_start3A_105, %dma_start3A_106] : memref<10000x128xf32, #tpu.memory_space<hbm>> -> memref<10000x128xf32, #tpu.memory_space<hbm>>
      tpu.enqueue_indirect_dma source(%dma_start3A_107 : memref<10000x128xf32, #tpu.memory_space<hbm>>) target(%arg9 : memref<128x128xf32, #tpu.memory_space<vmem>>) offsets(%dma_start3A_104 : memref<128xi32, #tpu.memory_space<vmem>>) semaphore(%arg12 : memref<!tpu.dma_semaphore, #tpu.memory_space<semaphore_mem>>)
    }
    %scan3A_30 = arith.constant 19 : i32
    %dma_wait3A = arith.constant 4864 : i32
    %dma_wait3A_31 = tpu.memref_slice %arg6[%dma_wait3A] : memref<5120xi32, #tpu.memory_space<vmem>> -> memref<128xi32, #tpu.memory_space<vmem>>
    %dma_wait3A_32 = arith.constant 0 : i32
    %dma_wait3A_33 = arith.constant 0 : i32
    %dma_wait3A_34 = tpu.memref_slice %arg2[%dma_wait3A_32, %dma_wait3A_33] : memref<10000x128xf32, #tpu.memory_space<hbm>> -> memref<10000x128xf32, #tpu.memory_space<hbm>>
    tpu.wait_indirect_dma semaphore(%arg11 : memref<!tpu.dma_semaphore, #tpu.memory_space<semaphore_mem>>) src(%dma_wait3A_34 : memref<10000x128xf32, #tpu.memory_space<hbm>>) dst(%arg8 : memref<128x128xf32, #tpu.memory_space<vmem>>)
    %run_scoped3A_35 = arith.constant 38 : i32
    "tpu.region"() ({
      %run_scoped3A_73 = tpu.sem_alloc : memref<!tpu.dma_semaphore, #tpu.memory_space<semaphore_mem>>
      %dma_start3A_74 = arith.constant 0 : i32
      %dma_start3A_75 = tpu.memref_slice %arg7[%run_scoped3A_35, %dma_start3A_74] : memref<40x128xi32, #tpu.memory_space<vmem>> -> memref<1x128xi32, #tpu.memory_space<vmem>>
      %dma_start3A_76 = tpu.memref_squeeze %dma_start3A_75 : memref<1x128xi32, #tpu.memory_space<vmem>> -> memref<128xi32, #tpu.memory_space<vmem>>
      %dma_start3A_77 = arith.constant 0 : i32
      %dma_start3A_78 = arith.constant 0 : i32
      %dma_start3A_79 = tpu.memref_slice %arg10[%dma_start3A_77, %dma_start3A_78] : memref<10240x128xf32, #tpu.memory_space<vmem_shared>> -> memref<10240x128xf32, #tpu.memory_space<vmem_shared>>
      tpu.enqueue_indirect_dma source(%arg8 : memref<128x128xf32, #tpu.memory_space<vmem>>) target(%dma_start3A_79 : memref<10240x128xf32, #tpu.memory_space<vmem_shared>>) offsets(%dma_start3A_76 : memref<128xi32, #tpu.memory_space<vmem>>) semaphore(%run_scoped3A_73 : memref<!tpu.dma_semaphore, #tpu.memory_space<semaphore_mem>>) {add = true}
      %dma_wait3A_80 = arith.constant 0 : i32
      %dma_wait3A_81 = tpu.memref_slice %arg7[%run_scoped3A_35, %dma_wait3A_80] : memref<40x128xi32, #tpu.memory_space<vmem>> -> memref<1x128xi32, #tpu.memory_space<vmem>>
      %dma_wait3A_82 = tpu.memref_squeeze %dma_wait3A_81 : memref<1x128xi32, #tpu.memory_space<vmem>> -> memref<128xi32, #tpu.memory_space<vmem>>
      %dma_wait3A_83 = arith.constant 0 : i32
      %dma_wait3A_84 = arith.constant 0 : i32
      %dma_wait3A_85 = tpu.memref_slice %arg10[%dma_wait3A_83, %dma_wait3A_84] : memref<10240x128xf32, #tpu.memory_space<vmem_shared>> -> memref<10240x128xf32, #tpu.memory_space<vmem_shared>>
      tpu.wait_indirect_dma semaphore(%run_scoped3A_73 : memref<!tpu.dma_semaphore, #tpu.memory_space<semaphore_mem>>) src(%arg8 : memref<128x128xf32, #tpu.memory_space<vmem>>) dst(%dma_wait3A_85 : memref<10240x128xf32, #tpu.memory_space<vmem_shared>>)
      tpu.yield
    }) : () -> ()
    %dma_wait3A_36 = arith.constant 4992 : i32
    %dma_wait3A_37 = tpu.memref_slice %arg6[%dma_wait3A_36] : memref<5120xi32, #tpu.memory_space<vmem>> -> memref<128xi32, #tpu.memory_space<vmem>>
    %dma_wait3A_38 = arith.constant 0 : i32
    %dma_wait3A_39 = arith.constant 0 : i32
    %dma_wait3A_40 = tpu.memref_slice %arg2[%dma_wait3A_38, %dma_wait3A_39] : memref<10000x128xf32, #tpu.memory_space<hbm>> -> memref<10000x128xf32, #tpu.memory_space<hbm>>
    tpu.wait_indirect_dma semaphore(%arg12 : memref<!tpu.dma_semaphore, #tpu.memory_space<semaphore_mem>>) src(%dma_wait3A_40 : memref<10000x128xf32, #tpu.memory_space<hbm>>) dst(%arg9 : memref<128x128xf32, #tpu.memory_space<vmem>>)
    %run_scoped3A_41 = arith.constant 39 : i32
    "tpu.region"() ({
      %run_scoped3A_73 = tpu.sem_alloc : memref<!tpu.dma_semaphore, #tpu.memory_space<semaphore_mem>>
      %dma_start3A_74 = arith.constant 0 : i32
      %dma_start3A_75 = tpu.memref_slice %arg7[%run_scoped3A_41, %dma_start3A_74] : memref<40x128xi32, #tpu.memory_space<vmem>> -> memref<1x128xi32, #tpu.memory_space<vmem>>
      %dma_start3A_76 = tpu.memref_squeeze %dma_start3A_75 : memref<1x128xi32, #tpu.memory_space<vmem>> -> memref<128xi32, #tpu.memory_space<vmem>>
      %dma_start3A_77 = arith.constant 0 : i32
      %dma_start3A_78 = arith.constant 0 : i32
      %dma_start3A_79 = tpu.memref_slice %arg10[%dma_start3A_77, %dma_start3A_78] : memref<10240x128xf32, #tpu.memory_space<vmem_shared>> -> memref<10240x128xf32, #tpu.memory_space<vmem_shared>>
      tpu.enqueue_indirect_dma source(%arg9 : memref<128x128xf32, #tpu.memory_space<vmem>>) target(%dma_start3A_79 : memref<10240x128xf32, #tpu.memory_space<vmem_shared>>) offsets(%dma_start3A_76 : memref<128xi32, #tpu.memory_space<vmem>>) semaphore(%run_scoped3A_73 : memref<!tpu.dma_semaphore, #tpu.memory_space<semaphore_mem>>) {add = true}
      %dma_wait3A_80 = arith.constant 0 : i32
      %dma_wait3A_81 = tpu.memref_slice %arg7[%run_scoped3A_41, %dma_wait3A_80] : memref<40x128xi32, #tpu.memory_space<vmem>> -> memref<1x128xi32, #tpu.memory_space<vmem>>
      %dma_wait3A_82 = tpu.memref_squeeze %dma_wait3A_81 : memref<1x128xi32, #tpu.memory_space<vmem>> -> memref<128xi32, #tpu.memory_space<vmem>>
      %dma_wait3A_83 = arith.constant 0 : i32
      %dma_wait3A_84 = arith.constant 0 : i32
      %dma_wait3A_85 = tpu.memref_slice %arg10[%dma_wait3A_83, %dma_wait3A_84] : memref<10240x128xf32, #tpu.memory_space<vmem_shared>> -> memref<10240x128xf32, #tpu.memory_space<vmem_shared>>
      tpu.wait_indirect_dma semaphore(%run_scoped3A_73 : memref<!tpu.dma_semaphore, #tpu.memory_space<semaphore_mem>>) src(%arg9 : memref<128x128xf32, #tpu.memory_space<vmem>>) dst(%dma_wait3A_85 : memref<10240x128xf32, #tpu.memory_space<vmem_shared>>)
      tpu.yield
    }) : () -> ()
    %run_scoped3A_42 = arith.constant 1 : i32
    "tpu.region"() ({
      %run_scoped3A_73 = tpu.sem_alloc : memref<!tpu.dma_semaphore, #tpu.memory_space<semaphore_mem>>
      %dma_start3A_74 = arith.constant 0 : i32
      %dma_start3A_75 = tpu.memref_slice %arg3[%arg0, %arg1, %run_scoped3A_42, %dma_start3A_74] : memref<2x16x2x5120xi32, #tpu.memory_space<hbm>> -> memref<1x1x1x5120xi32, #tpu.memory_space<hbm>>
      %dma_start3A_76 = tpu.memref_squeeze %dma_start3A_75 : memref<1x1x1x5120xi32, #tpu.memory_space<hbm>> -> memref<5120xi32, #tpu.memory_space<hbm>>
      %dma_start3A_77 = arith.constant 0 : i32
      %dma_start3A_78 = tpu.memref_slice %arg3[%arg0, %arg1, %run_scoped3A_42, %dma_start3A_77] : memref<2x16x2x5120xi32, #tpu.memory_space<hbm>> -> memref<1x1x1x5120xi32, #tpu.memory_space<hbm>>
      %dma_start3A_79 = tpu.memref_squeeze %dma_start3A_78 : memref<1x1x1x5120xi32, #tpu.memory_space<hbm>> -> memref<5120xi32, #tpu.memory_space<hbm>>
      tpu.enqueue_dma source(%dma_start3A_79 : memref<5120xi32, #tpu.memory_space<hbm>>) target(%arg6 : memref<5120xi32, #tpu.memory_space<vmem>>) target_semaphore(%run_scoped3A_73 : memref<!tpu.dma_semaphore, #tpu.memory_space<semaphore_mem>>)
      %dma_wait3A_80 = arith.constant 0 : i32
      %dma_wait3A_81 = tpu.memref_slice %arg3[%arg0, %arg1, %run_scoped3A_42, %dma_wait3A_80] : memref<2x16x2x5120xi32, #tpu.memory_space<hbm>> -> memref<1x1x1x5120xi32, #tpu.memory_space<hbm>>
      %dma_wait3A_82 = tpu.memref_squeeze %dma_wait3A_81 : memref<1x1x1x5120xi32, #tpu.memory_space<hbm>> -> memref<5120xi32, #tpu.memory_space<hbm>>
      %dma_wait3A_83 = arith.constant 0 : i32
      %dma_wait3A_84 = tpu.memref_slice %arg3[%arg0, %arg1, %run_scoped3A_42, %dma_wait3A_83] : memref<2x16x2x5120xi32, #tpu.memory_space<hbm>> -> memref<1x1x1x5120xi32, #tpu.memory_space<hbm>>
      %dma_wait3A_85 = tpu.memref_squeeze %dma_wait3A_84 : memref<1x1x1x5120xi32, #tpu.memory_space<hbm>> -> memref<5120xi32, #tpu.memory_space<hbm>>
      tpu.wait_dma2 semaphore(%run_scoped3A_73 : memref<!tpu.dma_semaphore, #tpu.memory_space<semaphore_mem>>) src(%dma_wait3A_85 : memref<5120xi32, #tpu.memory_space<hbm>>) dst(%arg6 : memref<5120xi32, #tpu.memory_space<vmem>>)
      tpu.yield
    }) : () -> ()
    %run_scoped3A_43 = arith.constant 1 : i32
    "tpu.region"() ({
      %run_scoped3A_73 = tpu.sem_alloc : memref<!tpu.dma_semaphore, #tpu.memory_space<semaphore_mem>>
      %dma_start3A_74 = arith.constant 0 : i32
      %dma_start3A_75 = arith.constant 0 : i32
      %dma_start3A_76 = tpu.memref_slice %arg4[%arg0, %arg1, %run_scoped3A_43, %dma_start3A_74, %dma_start3A_75] : memref<2x16x2x40x128xi32, #tpu.memory_space<hbm>> -> memref<1x1x1x40x128xi32, #tpu.memory_space<hbm>>
      %dma_start3A_77 = tpu.memref_squeeze %dma_start3A_76 : memref<1x1x1x40x128xi32, #tpu.memory_space<hbm>> -> memref<40x128xi32, #tpu.memory_space<hbm>>
      %dma_start3A_78 = arith.constant 0 : i32
      %dma_start3A_79 = arith.constant 0 : i32
      %dma_start3A_80 = tpu.memref_slice %arg4[%arg0, %arg1, %run_scoped3A_43, %dma_start3A_78, %dma_start3A_79] : memref<2x16x2x40x128xi32, #tpu.memory_space<hbm>> -> memref<1x1x1x40x128xi32, #tpu.memory_space<hbm>>
      %dma_start3A_81 = tpu.memref_squeeze %dma_start3A_80 : memref<1x1x1x40x128xi32, #tpu.memory_space<hbm>> -> memref<40x128xi32, #tpu.memory_space<hbm>>
      tpu.enqueue_dma source(%dma_start3A_81 : memref<40x128xi32, #tpu.memory_space<hbm>>) target(%arg7 : memref<40x128xi32, #tpu.memory_space<vmem>>) target_semaphore(%run_scoped3A_73 : memref<!tpu.dma_semaphore, #tpu.memory_space<semaphore_mem>>)
      %dma_wait3A_82 = arith.constant 0 : i32
      %dma_wait3A_83 = arith.constant 0 : i32
      %dma_wait3A_84 = tpu.memref_slice %arg4[%arg0, %arg1, %run_scoped3A_43, %dma_wait3A_82, %dma_wait3A_83] : memref<2x16x2x40x128xi32, #tpu.memory_space<hbm>> -> memref<1x1x1x40x128xi32, #tpu.memory_space<hbm>>
      %dma_wait3A_85 = tpu.memref_squeeze %dma_wait3A_84 : memref<1x1x1x40x128xi32, #tpu.memory_space<hbm>> -> memref<40x128xi32, #tpu.memory_space<hbm>>
      %dma_wait3A_86 = arith.constant 0 : i32
      %dma_wait3A_87 = arith.constant 0 : i32
      %dma_wait3A_88 = tpu.memref_slice %arg4[%arg0, %arg1, %run_scoped3A_43, %dma_wait3A_86, %dma_wait3A_87] : memref<2x16x2x40x128xi32, #tpu.memory_space<hbm>> -> memref<1x1x1x40x128xi32, #tpu.memory_space<hbm>>
      %dma_wait3A_89 = tpu.memref_squeeze %dma_wait3A_88 : memref<1x1x1x40x128xi32, #tpu.memory_space<hbm>> -> memref<40x128xi32, #tpu.memory_space<hbm>>
      tpu.wait_dma2 semaphore(%run_scoped3A_73 : memref<!tpu.dma_semaphore, #tpu.memory_space<semaphore_mem>>) src(%dma_wait3A_89 : memref<40x128xi32, #tpu.memory_space<hbm>>) dst(%arg7 : memref<40x128xi32, #tpu.memory_space<vmem>>)
      tpu.yield
    }) : () -> ()
    %dma_start3A_44 = arith.constant 0 : i32
    %dma_start3A_45 = tpu.memref_slice %arg6[%dma_start3A_44] : memref<5120xi32, #tpu.memory_space<vmem>> -> memref<128xi32, #tpu.memory_space<vmem>>
    %dma_start3A_46 = arith.constant 0 : i32
    %dma_start3A_47 = arith.constant 0 : i32
    %dma_start3A_48 = tpu.memref_slice %arg2[%dma_start3A_46, %dma_start3A_47] : memref<10000x128xf32, #tpu.memory_space<hbm>> -> memref<10000x128xf32, #tpu.memory_space<hbm>>
    tpu.enqueue_indirect_dma source(%dma_start3A_48 : memref<10000x128xf32, #tpu.memory_space<hbm>>) target(%arg8 : memref<128x128xf32, #tpu.memory_space<vmem>>) offsets(%dma_start3A_45 : memref<128xi32, #tpu.memory_space<vmem>>) semaphore(%arg11 : memref<!tpu.dma_semaphore, #tpu.memory_space<semaphore_mem>>)
    %dma_start3A_49 = arith.constant 128 : i32
    %dma_start3A_50 = tpu.memref_slice %arg6[%dma_start3A_49] : memref<5120xi32, #tpu.memory_space<vmem>> -> memref<128xi32, #tpu.memory_space<vmem>>
    %dma_start3A_51 = arith.constant 0 : i32
    %dma_start3A_52 = arith.constant 0 : i32
    %dma_start3A_53 = tpu.memref_slice %arg2[%dma_start3A_51, %dma_start3A_52] : memref<10000x128xf32, #tpu.memory_space<hbm>> -> memref<10000x128xf32, #tpu.memory_space<hbm>>
    tpu.enqueue_indirect_dma source(%dma_start3A_53 : memref<10000x128xf32, #tpu.memory_space<hbm>>) target(%arg9 : memref<128x128xf32, #tpu.memory_space<vmem>>) offsets(%dma_start3A_50 : memref<128xi32, #tpu.memory_space<vmem>>) semaphore(%arg12 : memref<!tpu.dma_semaphore, #tpu.memory_space<semaphore_mem>>)
    %scan3A_54 = arith.constant 0 : i32
    %scan3A_55 = arith.constant 0 : i32
    %scan3A_56 = arith.constant 19 : i32
    %scan3A_57 = arith.addi %scan3A_55, %scan3A_56 : i32
    %scan3A_58 = arith.constant 1 : i32
    scf.for %scan3A_73 = %scan3A_55 to %scan3A_57 step %scan3A_58  : i32 {
      %mul3A_74 = arith.constant 2 : i32
      %mul3A_75 = arith.muli %mul3A_74, %scan3A_73 : i32
      %mul3A_76 = arith.constant 128 : i32
      %mul3A_77 = arith.muli %mul3A_75, %mul3A_76 : i32
      %dma_wait3A_78 = tpu.memref_slice %arg6[%mul3A_77] : memref<5120xi32, #tpu.memory_space<vmem>> -> memref<128xi32, #tpu.memory_space<vmem>>
      %dma_wait3A_79 = arith.constant 0 : i32
      %dma_wait3A_80 = arith.constant 0 : i32
      %dma_wait3A_81 = tpu.memref_slice %arg2[%dma_wait3A_79, %dma_wait3A_80] : memref<10000x128xf32, #tpu.memory_space<hbm>> -> memref<10000x128xf32, #tpu.memory_space<hbm>>
      tpu.wait_indirect_dma semaphore(%arg11 : memref<!tpu.dma_semaphore, #tpu.memory_space<semaphore_mem>>) src(%dma_wait3A_81 : memref<10000x128xf32, #tpu.memory_space<hbm>>) dst(%arg8 : memref<128x128xf32, #tpu.memory_space<vmem>>)
      "tpu.region"() ({
        %run_scoped3A_108 = tpu.sem_alloc : memref<!tpu.dma_semaphore, #tpu.memory_space<semaphore_mem>>
        %dma_start3A_109 = arith.constant 0 : i32
        %dma_start3A_110 = tpu.memref_slice %arg7[%mul3A_75, %dma_start3A_109] : memref<40x128xi32, #tpu.memory_space<vmem>> -> memref<1x128xi32, #tpu.memory_space<vmem>>
        %dma_start3A_111 = tpu.memref_squeeze %dma_start3A_110 : memref<1x128xi32, #tpu.memory_space<vmem>> -> memref<128xi32, #tpu.memory_space<vmem>>
        %dma_start3A_112 = arith.constant 0 : i32
        %dma_start3A_113 = arith.constant 0 : i32
        %dma_start3A_114 = tpu.memref_slice %arg10[%dma_start3A_112, %dma_start3A_113] : memref<10240x128xf32, #tpu.memory_space<vmem_shared>> -> memref<10240x128xf32, #tpu.memory_space<vmem_shared>>
        tpu.enqueue_indirect_dma source(%arg8 : memref<128x128xf32, #tpu.memory_space<vmem>>) target(%dma_start3A_114 : memref<10240x128xf32, #tpu.memory_space<vmem_shared>>) offsets(%dma_start3A_111 : memref<128xi32, #tpu.memory_space<vmem>>) semaphore(%run_scoped3A_108 : memref<!tpu.dma_semaphore, #tpu.memory_space<semaphore_mem>>) {add = true}
        %dma_wait3A_115 = arith.constant 0 : i32
        %dma_wait3A_116 = tpu.memref_slice %arg7[%mul3A_75, %dma_wait3A_115] : memref<40x128xi32, #tpu.memory_space<vmem>> -> memref<1x128xi32, #tpu.memory_space<vmem>>
        %dma_wait3A_117 = tpu.memref_squeeze %dma_wait3A_116 : memref<1x128xi32, #tpu.memory_space<vmem>> -> memref<128xi32, #tpu.memory_space<vmem>>
        %dma_wait3A_118 = arith.constant 0 : i32
        %dma_wait3A_119 = arith.constant 0 : i32
        %dma_wait3A_120 = tpu.memref_slice %arg10[%dma_wait3A_118, %dma_wait3A_119] : memref<10240x128xf32, #tpu.memory_space<vmem_shared>> -> memref<10240x128xf32, #tpu.memory_space<vmem_shared>>
        tpu.wait_indirect_dma semaphore(%run_scoped3A_108 : memref<!tpu.dma_semaphore, #tpu.memory_space<semaphore_mem>>) src(%arg8 : memref<128x128xf32, #tpu.memory_space<vmem>>) dst(%dma_wait3A_120 : memref<10240x128xf32, #tpu.memory_space<vmem_shared>>)
        tpu.yield
      }) : () -> ()
      %add3A_82 = arith.constant 2 : i32
      %add3A_83 = arith.addi %mul3A_75, %add3A_82 : i32
      %mul3A_84 = arith.constant 128 : i32
      %mul3A_85 = arith.muli %add3A_83, %mul3A_84 : i32
      %dma_start3A_86 = tpu.memref_slice %arg6[%mul3A_85] : memref<5120xi32, #tpu.memory_space<vmem>> -> memref<128xi32, #tpu.memory_space<vmem>>
      %dma_start3A_87 = arith.constant 0 : i32
      %dma_start3A_88 = arith.constant 0 : i32
      %dma_start3A_89 = tpu.memref_slice %arg2[%dma_start3A_87, %dma_start3A_88] : memref<10000x128xf32, #tpu.memory_space<hbm>> -> memref<10000x128xf32, #tpu.memory_space<hbm>>
      tpu.enqueue_indirect_dma source(%dma_start3A_89 : memref<10000x128xf32, #tpu.memory_space<hbm>>) target(%arg8 : memref<128x128xf32, #tpu.memory_space<vmem>>) offsets(%dma_start3A_86 : memref<128xi32, #tpu.memory_space<vmem>>) semaphore(%arg11 : memref<!tpu.dma_semaphore, #tpu.memory_space<semaphore_mem>>)
      %add3A_90 = arith.constant 1 : i32
      %add3A_91 = arith.addi %mul3A_75, %add3A_90 : i32
      %mul3A_92 = arith.constant 128 : i32
      %mul3A_93 = arith.muli %add3A_91, %mul3A_92 : i32
      %dma_wait3A_94 = tpu.memref_slice %arg6[%mul3A_93] : memref<5120xi32, #tpu.memory_space<vmem>> -> memref<128xi32, #tpu.memory_space<vmem>>
      %dma_wait3A_95 = arith.constant 0 : i32
      %dma_wait3A_96 = arith.constant 0 : i32
      %dma_wait3A_97 = tpu.memref_slice %arg2[%dma_wait3A_95, %dma_wait3A_96] : memref<10000x128xf32, #tpu.memory_space<hbm>> -> memref<10000x128xf32, #tpu.memory_space<hbm>>
      tpu.wait_indirect_dma semaphore(%arg12 : memref<!tpu.dma_semaphore, #tpu.memory_space<semaphore_mem>>) src(%dma_wait3A_97 : memref<10000x128xf32, #tpu.memory_space<hbm>>) dst(%arg9 : memref<128x128xf32, #tpu.memory_space<vmem>>)
      %add3A_98 = arith.constant 1 : i32
      %add3A_99 = arith.addi %mul3A_75, %add3A_98 : i32
      "tpu.region"() ({
        %run_scoped3A_108 = tpu.sem_alloc : memref<!tpu.dma_semaphore, #tpu.memory_space<semaphore_mem>>
        %dma_start3A_109 = arith.constant 0 : i32
        %dma_start3A_110 = tpu.memref_slice %arg7[%add3A_99, %dma_start3A_109] : memref<40x128xi32, #tpu.memory_space<vmem>> -> memref<1x128xi32, #tpu.memory_space<vmem>>
        %dma_start3A_111 = tpu.memref_squeeze %dma_start3A_110 : memref<1x128xi32, #tpu.memory_space<vmem>> -> memref<128xi32, #tpu.memory_space<vmem>>
        %dma_start3A_112 = arith.constant 0 : i32
        %dma_start3A_113 = arith.constant 0 : i32
        %dma_start3A_114 = tpu.memref_slice %arg10[%dma_start3A_112, %dma_start3A_113] : memref<10240x128xf32, #tpu.memory_space<vmem_shared>> -> memref<10240x128xf32, #tpu.memory_space<vmem_shared>>
        tpu.enqueue_indirect_dma source(%arg9 : memref<128x128xf32, #tpu.memory_space<vmem>>) target(%dma_start3A_114 : memref<10240x128xf32, #tpu.memory_space<vmem_shared>>) offsets(%dma_start3A_111 : memref<128xi32, #tpu.memory_space<vmem>>) semaphore(%run_scoped3A_108 : memref<!tpu.dma_semaphore, #tpu.memory_space<semaphore_mem>>) {add = true}
        %dma_wait3A_115 = arith.constant 0 : i32
        %dma_wait3A_116 = tpu.memref_slice %arg7[%add3A_99, %dma_wait3A_115] : memref<40x128xi32, #tpu.memory_space<vmem>> -> memref<1x128xi32, #tpu.memory_space<vmem>>
        %dma_wait3A_117 = tpu.memref_squeeze %dma_wait3A_116 : memref<1x128xi32, #tpu.memory_space<vmem>> -> memref<128xi32, #tpu.memory_space<vmem>>
        %dma_wait3A_118 = arith.constant 0 : i32
        %dma_wait3A_119 = arith.constant 0 : i32
        %dma_wait3A_120 = tpu.memref_slice %arg10[%dma_wait3A_118, %dma_wait3A_119] : memref<10240x128xf32, #tpu.memory_space<vmem_shared>> -> memref<10240x128xf32, #tpu.memory_space<vmem_shared>>
        tpu.wait_indirect_dma semaphore(%run_scoped3A_108 : memref<!tpu.dma_semaphore, #tpu.memory_space<semaphore_mem>>) src(%arg9 : memref<128x128xf32, #tpu.memory_space<vmem>>) dst(%dma_wait3A_120 : memref<10240x128xf32, #tpu.memory_space<vmem_shared>>)
        tpu.yield
      }) : () -> ()
      %add3A_100 = arith.constant 3 : i32
      %add3A_101 = arith.addi %mul3A_75, %add3A_100 : i32
      %mul3A_102 = arith.constant 128 : i32
      %mul3A_103 = arith.muli %add3A_101, %mul3A_102 : i32
      %dma_start3A_104 = tpu.memref_slice %arg6[%mul3A_103] : memref<5120xi32, #tpu.memory_space<vmem>> -> memref<128xi32, #tpu.memory_space<vmem>>
      %dma_start3A_105 = arith.constant 0 : i32
      %dma_start3A_106 = arith.constant 0 : i32
      %dma_start3A_107 = tpu.memref_slice %arg2[%dma_start3A_105, %dma_start3A_106] : memref<10000x128xf32, #tpu.memory_space<hbm>> -> memref<10000x128xf32, #tpu.memory_space<hbm>>
      tpu.enqueue_indirect_dma source(%dma_start3A_107 : memref<10000x128xf32, #tpu.memory_space<hbm>>) target(%arg9 : memref<128x128xf32, #tpu.memory_space<vmem>>) offsets(%dma_start3A_104 : memref<128xi32, #tpu.memory_space<vmem>>) semaphore(%arg12 : memref<!tpu.dma_semaphore, #tpu.memory_space<semaphore_mem>>)
    }
    %scan3A_59 = arith.constant 19 : i32
    %dma_wait3A_60 = arith.constant 4864 : i32
    %dma_wait3A_61 = tpu.memref_slice %arg6[%dma_wait3A_60] : memref<5120xi32, #tpu.memory_space<vmem>> -> memref<128xi32, #tpu.memory_space<vmem>>
    %dma_wait3A_62 = arith.constant 0 : i32
    %dma_wait3A_63 = arith.constant 0 : i32
    %dma_wait3A_64 = tpu.memref_slice %arg2[%dma_wait3A_62, %dma_wait3A_63] : memref<10000x128xf32, #tpu.memory_space<hbm>> -> memref<10000x128xf32, #tpu.memory_space<hbm>>
    tpu.wait_indirect_dma semaphore(%arg11 : memref<!tpu.dma_semaphore, #tpu.memory_space<semaphore_mem>>) src(%dma_wait3A_64 : memref<10000x128xf32, #tpu.memory_space<hbm>>) dst(%arg8 : memref<128x128xf32, #tpu.memory_space<vmem>>)
    %run_scoped3A_65 = arith.constant 38 : i32
    "tpu.region"() ({
      %run_scoped3A_73 = tpu.sem_alloc : memref<!tpu.dma_semaphore, #tpu.memory_space<semaphore_mem>>
      %dma_start3A_74 = arith.constant 0 : i32
      %dma_start3A_75 = tpu.memref_slice %arg7[%run_scoped3A_65, %dma_start3A_74] : memref<40x128xi32, #tpu.memory_space<vmem>> -> memref<1x128xi32, #tpu.memory_space<vmem>>
      %dma_start3A_76 = tpu.memref_squeeze %dma_start3A_75 : memref<1x128xi32, #tpu.memory_space<vmem>> -> memref<128xi32, #tpu.memory_space<vmem>>
      %dma_start3A_77 = arith.constant 0 : i32
      %dma_start3A_78 = arith.constant 0 : i32
      %dma_start3A_79 = tpu.memref_slice %arg10[%dma_start3A_77, %dma_start3A_78] : memref<10240x128xf32, #tpu.memory_space<vmem_shared>> -> memref<10240x128xf32, #tpu.memory_space<vmem_shared>>
      tpu.enqueue_indirect_dma source(%arg8 : memref<128x128xf32, #tpu.memory_space<vmem>>) target(%dma_start3A_79 : memref<10240x128xf32, #tpu.memory_space<vmem_shared>>) offsets(%dma_start3A_76 : memref<128xi32, #tpu.memory_space<vmem>>) semaphore(%run_scoped3A_73 : memref<!tpu.dma_semaphore, #tpu.memory_space<semaphore_mem>>) {add = true}
      %dma_wait3A_80 = arith.constant 0 : i32
      %dma_wait3A_81 = tpu.memref_slice %arg7[%run_scoped3A_65, %dma_wait3A_80] : memref<40x128xi32, #tpu.memory_space<vmem>> -> memref<1x128xi32, #tpu.memory_space<vmem>>
      %dma_wait3A_82 = tpu.memref_squeeze %dma_wait3A_81 : memref<1x128xi32, #tpu.memory_space<vmem>> -> memref<128xi32, #tpu.memory_space<vmem>>
      %dma_wait3A_83 = arith.constant 0 : i32
      %dma_wait3A_84 = arith.constant 0 : i32
      %dma_wait3A_85 = tpu.memref_slice %arg10[%dma_wait3A_83, %dma_wait3A_84] : memref<10240x128xf32, #tpu.memory_space<vmem_shared>> -> memref<10240x128xf32, #tpu.memory_space<vmem_shared>>
      tpu.wait_indirect_dma semaphore(%run_scoped3A_73 : memref<!tpu.dma_semaphore, #tpu.memory_space<semaphore_mem>>) src(%arg8 : memref<128x128xf32, #tpu.memory_space<vmem>>) dst(%dma_wait3A_85 : memref<10240x128xf32, #tpu.memory_space<vmem_shared>>)
      tpu.yield
    }) : () -> ()
    %dma_wait3A_66 = arith.constant 4992 : i32
    %dma_wait3A_67 = tpu.memref_slice %arg6[%dma_wait3A_66] : memref<5120xi32, #tpu.memory_space<vmem>> -> memref<128xi32, #tpu.memory_space<vmem>>
    %dma_wait3A_68 = arith.constant 0 : i32
    %dma_wait3A_69 = arith.constant 0 : i32
    %dma_wait3A_70 = tpu.memref_slice %arg2[%dma_wait3A_68, %dma_wait3A_69] : memref<10000x128xf32, #tpu.memory_space<hbm>> -> memref<10000x128xf32, #tpu.memory_space<hbm>>
    tpu.wait_indirect_dma semaphore(%arg12 : memref<!tpu.dma_semaphore, #tpu.memory_space<semaphore_mem>>) src(%dma_wait3A_70 : memref<10000x128xf32, #tpu.memory_space<hbm>>) dst(%arg9 : memref<128x128xf32, #tpu.memory_space<vmem>>)
    %run_scoped3A_71 = arith.constant 39 : i32
    "tpu.region"() ({
      %run_scoped3A_73 = tpu.sem_alloc : memref<!tpu.dma_semaphore, #tpu.memory_space<semaphore_mem>>
      %dma_start3A_74 = arith.constant 0 : i32
      %dma_start3A_75 = tpu.memref_slice %arg7[%run_scoped3A_71, %dma_start3A_74] : memref<40x128xi32, #tpu.memory_space<vmem>> -> memref<1x128xi32, #tpu.memory_space<vmem>>
      %dma_start3A_76 = tpu.memref_squeeze %dma_start3A_75 : memref<1x128xi32, #tpu.memory_space<vmem>> -> memref<128xi32, #tpu.memory_space<vmem>>
      %dma_start3A_77 = arith.constant 0 : i32
      %dma_start3A_78 = arith.constant 0 : i32
      %dma_start3A_79 = tpu.memref_slice %arg10[%dma_start3A_77, %dma_start3A_78] : memref<10240x128xf32, #tpu.memory_space<vmem_shared>> -> memref<10240x128xf32, #tpu.memory_space<vmem_shared>>
      tpu.enqueue_indirect_dma source(%arg9 : memref<128x128xf32, #tpu.memory_space<vmem>>) target(%dma_start3A_79 : memref<10240x128xf32, #tpu.memory_space<vmem_shared>>) offsets(%dma_start3A_76 : memref<128xi32, #tpu.memory_space<vmem>>) semaphore(%run_scoped3A_73 : memref<!tpu.dma_semaphore, #tpu.memory_space<semaphore_mem>>) {add = true}
      %dma_wait3A_80 = arith.constant 0 : i32
      %dma_wait3A_81 = tpu.memref_slice %arg7[%run_scoped3A_71, %dma_wait3A_80] : memref<40x128xi32, #tpu.memory_space<vmem>> -> memref<1x128xi32, #tpu.memory_space<vmem>>
      %dma_wait3A_82 = tpu.memref_squeeze %dma_wait3A_81 : memref<1x128xi32, #tpu.memory_space<vmem>> -> memref<128xi32, #tpu.memory_space<vmem>>
      %dma_wait3A_83 = arith.constant 0 : i32
      %dma_wait3A_84 = arith.constant 0 : i32
      %dma_wait3A_85 = tpu.memref_slice %arg10[%dma_wait3A_83, %dma_wait3A_84] : memref<10240x128xf32, #tpu.memory_space<vmem_shared>> -> memref<10240x128xf32, #tpu.memory_space<vmem_shared>>
      tpu.wait_indirect_dma semaphore(%run_scoped3A_73 : memref<!tpu.dma_semaphore, #tpu.memory_space<semaphore_mem>>) src(%arg9 : memref<128x128xf32, #tpu.memory_space<vmem>>) dst(%dma_wait3A_85 : memref<10240x128xf32, #tpu.memory_space<vmem_shared>>)
      tpu.yield
    }) : () -> ()
    %barrier3A_72 = arith.constant 0 : index
    tpu.barrier barrier_id(%barrier3A_72)
    "tpu.region"() ({
      %run_scoped3A_73 = tpu.sem_alloc : memref<!tpu.dma_semaphore, #tpu.memory_space<semaphore_mem>>
      %dma_start3A_74 = arith.constant 0 : i32
      %dma_start3A_75 = tpu.memref_slice %arg5[%arg0, %mul3A_5, %dma_start3A_74] : memref<2x10240x128xf32, #tpu.memory_space<hbm>> -> memref<1x640x128xf32, #tpu.memory_space<hbm>>
      %dma_start3A_76 = tpu.memref_squeeze %dma_start3A_75 : memref<1x640x128xf32, #tpu.memory_space<hbm>> -> memref<640x128xf32, #tpu.memory_space<hbm>>
      %dma_start3A_77 = arith.constant 0 : i32
      %dma_start3A_78 = tpu.memref_slice %arg10[%mul3A_5, %dma_start3A_77] : memref<10240x128xf32, #tpu.memory_space<vmem_shared>> -> memref<640x128xf32, #tpu.memory_space<vmem_shared>>
      tpu.enqueue_dma source(%dma_start3A_78 : memref<640x128xf32, #tpu.memory_space<vmem_shared>>) target(%dma_start3A_76 : memref<640x128xf32, #tpu.memory_space<hbm>>) target_semaphore(%run_scoped3A_73 : memref<!tpu.dma_semaphore, #tpu.memory_space<semaphore_mem>>)
      %dma_wait3A_79 = arith.constant 0 : i32
      %dma_wait3A_80 = tpu.memref_slice %arg5[%arg0, %mul3A_5, %dma_wait3A_79] : memref<2x10240x128xf32, #tpu.memory_space<hbm>> -> memref<1x640x128xf32, #tpu.memory_space<hbm>>
      %dma_wait3A_81 = tpu.memref_squeeze %dma_wait3A_80 : memref<1x640x128xf32, #tpu.memory_space<hbm>> -> memref<640x128xf32, #tpu.memory_space<hbm>>
      %dma_wait3A_82 = arith.constant 0 : i32
      %dma_wait3A_83 = tpu.memref_slice %arg10[%mul3A_5, %dma_wait3A_82] : memref<10240x128xf32, #tpu.memory_space<vmem_shared>> -> memref<640x128xf32, #tpu.memory_space<vmem_shared>>
      tpu.wait_dma2 semaphore(%run_scoped3A_73 : memref<!tpu.dma_semaphore, #tpu.memory_space<semaphore_mem>>) src(%dma_wait3A_83 : memref<640x128xf32, #tpu.memory_space<vmem_shared>>) dst(%dma_wait3A_81 : memref<640x128xf32, #tpu.memory_space<hbm>>)
      tpu.yield
    }) : () -> ()
    return
  }
}

#map = affine_map<(d0, d1) -> (0, 0)>
#map1 = affine_map<(d0, d1) -> (0, 0, 0, 0)>
#map2 = affine_map<(d0, d1) -> (0, 0, 0, 0, 0)>
#map3 = affine_map<(d0, d1) -> (0, 0, 0)>
module attributes {stable_mosaic.version = 14 : i64} {
  func.func @seg(%arg0: i32, %arg1: i32, %arg2: memref<10000x128xf32, #tpu.memory_space<hbm>>, %arg3: memref<2x16x2x5120xi32, #tpu.memory_space<hbm>>, %arg4: memref<2x16x2x40x128xi32, #tpu.memory_space<hbm>>, %arg5: memref<2x10240x128xf32, #tpu.memory_space<hbm>>, %arg6: memref<5120xi32, #tpu.memory_space<vmem>>, %arg7: memref<40x128xi32, #tpu.memory_space<vmem>>, %arg8: memref<128x128xf32, #tpu.memory_space<vmem>>, %arg9: memref<128x128xf32, #tpu.memory_space<vmem>>, %arg10: memref<10240x128xf32, #tpu.memory_space<vmem_shared>>, %arg11: memref<!tpu.dma_semaphore, #tpu.memory_space<semaphore_mem>>, %arg12: memref<!tpu.dma_semaphore, #tpu.memory_space<semaphore_mem>>) attributes {dimension_semantics = [#tpu.dimension_semantics<core_parallel>, #tpu.dimension_semantics<subcore_parallel>], iteration_bounds = array<i64: 2, 16>, scalar_prefetch = 0 : i64, scratch_operands = 7 : i64, tpu.core_type = #tpu.core_type<sc_vector_subcore>, window_params = [{transform_indices = #map}, {transform_indices = #map1}, {transform_indices = #map2}, {transform_indices = #map3}]} {
    %scan3A = arith.constant 0 : i32
    %scan3A_0 = arith.constant 0 : i32
    %scan3A_1 = arith.constant 1024 : i32
    %scan3A_2 = arith.addi %scan3A_0, %scan3A_1 : i32
    %scan3A_3 = arith.constant 1 : i32
    scf.for %scan3A_73 = %scan3A_0 to %scan3A_2 step %scan3A_3  : i32 {
      %broadcast_in_dim3A = arith.constant 0.000000e+00 : f32
      %broadcast_in_dim3A_74 = vector.broadcast %broadcast_in_dim3A : f32 to vector<16xf32>
      %jit3A = arith.constant 8 : i32
      %div3A = arith.divsi %scan3A_73, %jit3A : i32
      %sign3A = arith.constant 0 : i32
      %sign3A_75 = arith.cmpi sgt, %scan3A_73, %sign3A : i32
      %sign3A_76 = arith.extui %sign3A_75 : i1 to i32
      %sign3A_77 = arith.constant 0 : i32
      %sign3A_78 = arith.cmpi slt, %scan3A_73, %sign3A_77 : i32
      %sign3A_79 = arith.extui %sign3A_78 : i1 to i32
      %sign3A_80 = arith.subi %sign3A_76, %sign3A_79 : i32
      %sign3A_81 = arith.constant 0 : i32
      %sign3A_82 = arith.cmpi sgt, %jit3A, %sign3A_81 : i32
      %sign3A_83 = arith.extui %sign3A_82 : i1 to i32
      %sign3A_84 = arith.constant 0 : i32
      %sign3A_85 = arith.cmpi slt, %jit3A, %sign3A_84 : i32
      %sign3A_86 = arith.extui %sign3A_85 : i1 to i32
      %sign3A_87 = arith.subi %sign3A_83, %sign3A_86 : i32
      %ne3A = arith.cmpi ne, %sign3A_80, %sign3A_87 : i32
      %rem3A = arith.remsi %scan3A_73, %jit3A : i32
      %ne3A_88 = arith.constant 0 : i32
      %ne3A_89 = arith.cmpi ne, %rem3A, %ne3A_88 : i32
      %and3A = arith.andi %ne3A, %ne3A_89 : i1
      %sub3A = arith.constant 1 : i32
      %sub3A_90 = arith.subi %div3A, %sub3A : i32
      %select_n3A = arith.select %and3A, %sub3A_90, %div3A : i32
      %jit3A_91 = arith.constant 8 : i32
      %eq3A = arith.constant 0 : i32
      %eq3A_92 = arith.cmpi eq, %jit3A_91, %eq3A : i32
      %jit3A_93 = arith.constant 1 : i32
      %select_n3A_94 = arith.select %eq3A_92, %jit3A_93, %jit3A_91 : i32
      %rem3A_95 = arith.remsi %scan3A_73, %select_n3A_94 : i32
      %ne3A_96 = arith.constant 0 : i32
      %ne3A_97 = arith.cmpi ne, %rem3A_95, %ne3A_96 : i32
      %lt3A = arith.constant 0 : i32
      %lt3A_98 = arith.cmpi slt, %rem3A_95, %lt3A : i32
      %lt3A_99 = arith.constant 0 : i32
      %lt3A_100 = arith.cmpi slt, %select_n3A_94, %lt3A_99 : i32
      %ne3A_101 = arith.xori %lt3A_98, %lt3A_100 : i1
      %and3A_102 = arith.andi %ne3A_101, %ne3A_97 : i1
      %add3A_103 = arith.addi %rem3A_95, %select_n3A_94 : i32
      %select_n3A_104 = arith.select %and3A_102, %add3A_103, %rem3A_95 : i32
      %mul3A_105 = arith.constant 16 : i32
      %mul3A_106 = arith.muli %select_n3A_104, %mul3A_105 : i32
      %swap3A = arith.index_cast %select_n3A : i32 to index
      %swap3A_107 = arith.index_cast %mul3A_106 : i32 to index
      %swap3A_108 = tpu.vector_load %arg8[%swap3A, %swap3A_107] {strides = array<i32>} : memref<128x128xf32, #tpu.memory_space<vmem>>, vector<1x16xf32>,
      %swap3A_109 = vector.shape_cast %swap3A_108 : vector<1x16xf32> to vector<16xf32>
      %swap3A_110 = vector.shape_cast %broadcast_in_dim3A_74 : vector<16xf32> to vector<1x16xf32>
      tpu.vector_store %arg8[%swap3A, %swap3A_107], %swap3A_110 {strides = array<i32>} : memref<128x128xf32, #tpu.memory_space<vmem>>, vector<1x16xf32>,
    }
    %scan3A_4 = arith.constant 1024 : i32
    %mul3A = arith.constant 640 : i32
    %mul3A_5 = arith.muli %arg1, %mul3A : i32
    %add3A = arith.constant 0 : i32
    %add3A_6 = arith.addi %mul3A_5, %add3A : i32
    "tpu.region"() ({
      %run_scoped3A_73 = tpu.sem_alloc : memref<!tpu.dma_semaphore, #tpu.memory_space<semaphore_mem>>
      %dma_start3A_74 = arith.constant 0 : i32
      %dma_start3A_75 = tpu.memref_slice %arg10[%add3A_6, %dma_start3A_74] : memref<10240x128xf32, #tpu.memory_space<vmem_shared>> -> memref<128x128xf32, #tpu.memory_space<vmem_shared>>
      %dma_start3A_76 = arith.constant 0 : i32
      %dma_start3A_77 = tpu.memref_slice %arg10[%add3A_6, %dma_start3A_76] : memref<10240x128xf32, #tpu.memory_space<vmem_shared>> -> memref<128x128xf32, #tpu.memory_space<vmem_shared>>
      tpu.enqueue_dma source(%arg8 : memref<128x128xf32, #tpu.memory_space<vmem>>) target(%dma_start3A_77 : memref<128x128xf32, #tpu.memory_space<vmem_shared>>) target_semaphore(%run_scoped3A_73 : memref<!tpu.dma_semaphore, #tpu.memory_space<semaphore_mem>>)
      %dma_wait3A_78 = arith.constant 0 : i32
      %dma_wait3A_79 = tpu.memref_slice %arg10[%add3A_6, %dma_wait3A_78] : memref<10240x128xf32, #tpu.memory_space<vmem_shared>> -> memref<128x128xf32, #tpu.memory_space<vmem_shared>>
      %dma_wait3A_80 = arith.constant 0 : i32
      %dma_wait3A_81 = tpu.memref_slice %arg10[%add3A_6, %dma_wait3A_80] : memref<10240x128xf32, #tpu.memory_space<vmem_shared>> -> memref<128x128xf32, #tpu.memory_space<vmem_shared>>
      tpu.wait_dma2 semaphore(%run_scoped3A_73 : memref<!tpu.dma_semaphore, #tpu.memory_space<semaphore_mem>>) src(%arg8 : memref<128x128xf32, #tpu.memory_space<vmem>>) dst(%dma_wait3A_81 : memref<128x128xf32, #tpu.memory_space<vmem_shared>>)
      tpu.yield
    }) : () -> ()
    %add3A_7 = arith.constant 128 : i32
    %add3A_8 = arith.addi %mul3A_5, %add3A_7 : i32
    "tpu.region"() ({
      %run_scoped3A_73 = tpu.sem_alloc : memref<!tpu.dma_semaphore, #tpu.memory_space<semaphore_mem>>
      %dma_start3A_74 = arith.constant 0 : i32
      %dma_start3A_75 = tpu.memref_slice %arg10[%add3A_8, %dma_start3A_74] : memref<10240x128xf32, #tpu.memory_space<vmem_shared>> -> memref<128x128xf32, #tpu.memory_space<vmem_shared>>
      %dma_start3A_76 = arith.constant 0 : i32
      %dma_start3A_77 = tpu.memref_slice %arg10[%add3A_8, %dma_start3A_76] : memref<10240x128xf32, #tpu.memory_space<vmem_shared>> -> memref<128x128xf32, #tpu.memory_space<vmem_shared>>
      tpu.enqueue_dma source(%arg8 : memref<128x128xf32, #tpu.memory_space<vmem>>) target(%dma_start3A_77 : memref<128x128xf32, #tpu.memory_space<vmem_shared>>) target_semaphore(%run_scoped3A_73 : memref<!tpu.dma_semaphore, #tpu.memory_space<semaphore_mem>>)
      %dma_wait3A_78 = arith.constant 0 : i32
      %dma_wait3A_79 = tpu.memref_slice %arg10[%add3A_8, %dma_wait3A_78] : memref<10240x128xf32, #tpu.memory_space<vmem_shared>> -> memref<128x128xf32, #tpu.memory_space<vmem_shared>>
      %dma_wait3A_80 = arith.constant 0 : i32
      %dma_wait3A_81 = tpu.memref_slice %arg10[%add3A_8, %dma_wait3A_80] : memref<10240x128xf32, #tpu.memory_space<vmem_shared>> -> memref<128x128xf32, #tpu.memory_space<vmem_shared>>
      tpu.wait_dma2 semaphore(%run_scoped3A_73 : memref<!tpu.dma_semaphore, #tpu.memory_space<semaphore_mem>>) src(%arg8 : memref<128x128xf32, #tpu.memory_space<vmem>>) dst(%dma_wait3A_81 : memref<128x128xf32, #tpu.memory_space<vmem_shared>>)
      tpu.yield
    }) : () -> ()
    %add3A_9 = arith.constant 256 : i32
    %add3A_10 = arith.addi %mul3A_5, %add3A_9 : i32
    "tpu.region"() ({
      %run_scoped3A_73 = tpu.sem_alloc : memref<!tpu.dma_semaphore, #tpu.memory_space<semaphore_mem>>
      %dma_start3A_74 = arith.constant 0 : i32
      %dma_start3A_75 = tpu.memref_slice %arg10[%add3A_10, %dma_start3A_74] : memref<10240x128xf32, #tpu.memory_space<vmem_shared>> -> memref<128x128xf32, #tpu.memory_space<vmem_shared>>
      %dma_start3A_76 = arith.constant 0 : i32
      %dma_start3A_77 = tpu.memref_slice %arg10[%add3A_10, %dma_start3A_76] : memref<10240x128xf32, #tpu.memory_space<vmem_shared>> -> memref<128x128xf32, #tpu.memory_space<vmem_shared>>
      tpu.enqueue_dma source(%arg8 : memref<128x128xf32, #tpu.memory_space<vmem>>) target(%dma_start3A_77 : memref<128x128xf32, #tpu.memory_space<vmem_shared>>) target_semaphore(%run_scoped3A_73 : memref<!tpu.dma_semaphore, #tpu.memory_space<semaphore_mem>>)
      %dma_wait3A_78 = arith.constant 0 : i32
      %dma_wait3A_79 = tpu.memref_slice %arg10[%add3A_10, %dma_wait3A_78] : memref<10240x128xf32, #tpu.memory_space<vmem_shared>> -> memref<128x128xf32, #tpu.memory_space<vmem_shared>>
      %dma_wait3A_80 = arith.constant 0 : i32
      %dma_wait3A_81 = tpu.memref_slice %arg10[%add3A_10, %dma_wait3A_80] : memref<10240x128xf32, #tpu.memory_space<vmem_shared>> -> memref<128x128xf32, #tpu.memory_space<vmem_shared>>
      tpu.wait_dma2 semaphore(%run_scoped3A_73 : memref<!tpu.dma_semaphore, #tpu.memory_space<semaphore_mem>>) src(%arg8 : memref<128x128xf32, #tpu.memory_space<vmem>>) dst(%dma_wait3A_81 : memref<128x128xf32, #tpu.memory_space<vmem_shared>>)
      tpu.yield
    }) : () -> ()
    %add3A_11 = arith.constant 384 : i32
    %add3A_12 = arith.addi %mul3A_5, %add3A_11 : i32
    "tpu.region"() ({
      %run_scoped3A_73 = tpu.sem_alloc : memref<!tpu.dma_semaphore, #tpu.memory_space<semaphore_mem>>
      %dma_start3A_74 = arith.constant 0 : i32
      %dma_start3A_75 = tpu.memref_slice %arg10[%add3A_12, %dma_start3A_74] : memref<10240x128xf32, #tpu.memory_space<vmem_shared>> -> memref<128x128xf32, #tpu.memory_space<vmem_shared>>
      %dma_start3A_76 = arith.constant 0 : i32
      %dma_start3A_77 = tpu.memref_slice %arg10[%add3A_12, %dma_start3A_76] : memref<10240x128xf32, #tpu.memory_space<vmem_shared>> -> memref<128x128xf32, #tpu.memory_space<vmem_shared>>
      tpu.enqueue_dma source(%arg8 : memref<128x128xf32, #tpu.memory_space<vmem>>) target(%dma_start3A_77 : memref<128x128xf32, #tpu.memory_space<vmem_shared>>) target_semaphore(%run_scoped3A_73 : memref<!tpu.dma_semaphore, #tpu.memory_space<semaphore_mem>>)
      %dma_wait3A_78 = arith.constant 0 : i32
      %dma_wait3A_79 = tpu.memref_slice %arg10[%add3A_12, %dma_wait3A_78] : memref<10240x128xf32, #tpu.memory_space<vmem_shared>> -> memref<128x128xf32, #tpu.memory_space<vmem_shared>>
      %dma_wait3A_80 = arith.constant 0 : i32
      %dma_wait3A_81 = tpu.memref_slice %arg10[%add3A_12, %dma_wait3A_80] : memref<10240x128xf32, #tpu.memory_space<vmem_shared>> -> memref<128x128xf32, #tpu.memory_space<vmem_shared>>
      tpu.wait_dma2 semaphore(%run_scoped3A_73 : memref<!tpu.dma_semaphore, #tpu.memory_space<semaphore_mem>>) src(%arg8 : memref<128x128xf32, #tpu.memory_space<vmem>>) dst(%dma_wait3A_81 : memref<128x128xf32, #tpu.memory_space<vmem_shared>>)
      tpu.yield
    }) : () -> ()
    %add3A_13 = arith.constant 512 : i32
    %add3A_14 = arith.addi %mul3A_5, %add3A_13 : i32
    "tpu.region"() ({
      %run_scoped3A_73 = tpu.sem_alloc : memref<!tpu.dma_semaphore, #tpu.memory_space<semaphore_mem>>
      %dma_start3A_74 = arith.constant 0 : i32
      %dma_start3A_75 = tpu.memref_slice %arg10[%add3A_14, %dma_start3A_74] : memref<10240x128xf32, #tpu.memory_space<vmem_shared>> -> memref<128x128xf32, #tpu.memory_space<vmem_shared>>
      %dma_start3A_76 = arith.constant 0 : i32
      %dma_start3A_77 = tpu.memref_slice %arg10[%add3A_14, %dma_start3A_76] : memref<10240x128xf32, #tpu.memory_space<vmem_shared>> -> memref<128x128xf32, #tpu.memory_space<vmem_shared>>
      tpu.enqueue_dma source(%arg8 : memref<128x128xf32, #tpu.memory_space<vmem>>) target(%dma_start3A_77 : memref<128x128xf32, #tpu.memory_space<vmem_shared>>) target_semaphore(%run_scoped3A_73 : memref<!tpu.dma_semaphore, #tpu.memory_space<semaphore_mem>>)
      %dma_wait3A_78 = arith.constant 0 : i32
      %dma_wait3A_79 = tpu.memref_slice %arg10[%add3A_14, %dma_wait3A_78] : memref<10240x128xf32, #tpu.memory_space<vmem_shared>> -> memref<128x128xf32, #tpu.memory_space<vmem_shared>>
      %dma_wait3A_80 = arith.constant 0 : i32
      %dma_wait3A_81 = tpu.memref_slice %arg10[%add3A_14, %dma_wait3A_80] : memref<10240x128xf32, #tpu.memory_space<vmem_shared>> -> memref<128x128xf32, #tpu.memory_space<vmem_shared>>
      tpu.wait_dma2 semaphore(%run_scoped3A_73 : memref<!tpu.dma_semaphore, #tpu.memory_space<semaphore_mem>>) src(%arg8 : memref<128x128xf32, #tpu.memory_space<vmem>>) dst(%dma_wait3A_81 : memref<128x128xf32, #tpu.memory_space<vmem_shared>>)
      tpu.yield
    }) : () -> ()
    %barrier3A = arith.constant 0 : index
    tpu.barrier barrier_id(%barrier3A)
    %run_scoped3A = arith.constant 0 : i32
    "tpu.region"() ({
      %run_scoped3A_73 = tpu.sem_alloc : memref<!tpu.dma_semaphore, #tpu.memory_space<semaphore_mem>>
      %dma_start3A_74 = arith.constant 0 : i32
      %dma_start3A_75 = tpu.memref_slice %arg3[%arg0, %arg1, %run_scoped3A, %dma_start3A_74] : memref<2x16x2x5120xi32, #tpu.memory_space<hbm>> -> memref<1x1x1x5120xi32, #tpu.memory_space<hbm>>
      %dma_start3A_76 = tpu.memref_squeeze %dma_start3A_75 : memref<1x1x1x5120xi32, #tpu.memory_space<hbm>> -> memref<5120xi32, #tpu.memory_space<hbm>>
      %dma_start3A_77 = arith.constant 0 : i32
      %dma_start3A_78 = tpu.memref_slice %arg3[%arg0, %arg1, %run_scoped3A, %dma_start3A_77] : memref<2x16x2x5120xi32, #tpu.memory_space<hbm>> -> memref<1x1x1x5120xi32, #tpu.memory_space<hbm>>
      %dma_start3A_79 = tpu.memref_squeeze %dma_start3A_78 : memref<1x1x1x5120xi32, #tpu.memory_space<hbm>> -> memref<5120xi32, #tpu.memory_space<hbm>>
      tpu.enqueue_dma source(%dma_start3A_79 : memref<5120xi32, #tpu.memory_space<hbm>>) target(%arg6 : memref<5120xi32, #tpu.memory_space<vmem>>) target_semaphore(%run_scoped3A_73 : memref<!tpu.dma_semaphore, #tpu.memory_space<semaphore_mem>>)
      %dma_wait3A_80 = arith.constant 0 : i32
      %dma_wait3A_81 = tpu.memref_slice %arg3[%arg0, %arg1, %run_scoped3A, %dma_wait3A_80] : memref<2x16x2x5120xi32, #tpu.memory_space<hbm>> -> memref<1x1x1x5120xi32, #tpu.memory_space<hbm>>
      %dma_wait3A_82 = tpu.memref_squeeze %dma_wait3A_81 : memref<1x1x1x5120xi32, #tpu.memory_space<hbm>> -> memref<5120xi32, #tpu.memory_space<hbm>>
      %dma_wait3A_83 = arith.constant 0 : i32
      %dma_wait3A_84 = tpu.memref_slice %arg3[%arg0, %arg1, %run_scoped3A, %dma_wait3A_83] : memref<2x16x2x5120xi32, #tpu.memory_space<hbm>> -> memref<1x1x1x5120xi32, #tpu.memory_space<hbm>>
      %dma_wait3A_85 = tpu.memref_squeeze %dma_wait3A_84 : memref<1x1x1x5120xi32, #tpu.memory_space<hbm>> -> memref<5120xi32, #tpu.memory_space<hbm>>
      tpu.wait_dma2 semaphore(%run_scoped3A_73 : memref<!tpu.dma_semaphore, #tpu.memory_space<semaphore_mem>>) src(%dma_wait3A_85 : memref<5120xi32, #tpu.memory_space<hbm>>) dst(%arg6 : memref<5120xi32, #tpu.memory_space<vmem>>)
      tpu.yield
    }) : () -> ()
    %run_scoped3A_15 = arith.constant 0 : i32
    "tpu.region"() ({
      %run_scoped3A_73 = tpu.sem_alloc : memref<!tpu.dma_semaphore, #tpu.memory_space<semaphore_mem>>
      %dma_start3A_74 = arith.constant 0 : i32
      %dma_start3A_75 = arith.constant 0 : i32
      %dma_start3A_76 = tpu.memref_slice %arg4[%arg0, %arg1, %run_scoped3A_15, %dma_start3A_74, %dma_start3A_75] : memref<2x16x2x40x128xi32, #tpu.memory_space<hbm>> -> memref<1x1x1x40x128xi32, #tpu.memory_space<hbm>>
      %dma_start3A_77 = tpu.memref_squeeze %dma_start3A_76 : memref<1x1x1x40x128xi32, #tpu.memory_space<hbm>> -> memref<40x128xi32, #tpu.memory_space<hbm>>
      %dma_start3A_78 = arith.constant 0 : i32
      %dma_start3A_79 = arith.constant 0 : i32
      %dma_start3A_80 = tpu.memref_slice %arg4[%arg0, %arg1, %run_scoped3A_15, %dma_start3A_78, %dma_start3A_79] : memref<2x16x2x40x128xi32, #tpu.memory_space<hbm>> -> memref<1x1x1x40x128xi32, #tpu.memory_space<hbm>>
      %dma_start3A_81 = tpu.memref_squeeze %dma_start3A_80 : memref<1x1x1x40x128xi32, #tpu.memory_space<hbm>> -> memref<40x128xi32, #tpu.memory_space<hbm>>
      tpu.enqueue_dma source(%dma_start3A_81 : memref<40x128xi32, #tpu.memory_space<hbm>>) target(%arg7 : memref<40x128xi32, #tpu.memory_space<vmem>>) target_semaphore(%run_scoped3A_73 : memref<!tpu.dma_semaphore, #tpu.memory_space<semaphore_mem>>)
      %dma_wait3A_82 = arith.constant 0 : i32
      %dma_wait3A_83 = arith.constant 0 : i32
      %dma_wait3A_84 = tpu.memref_slice %arg4[%arg0, %arg1, %run_scoped3A_15, %dma_wait3A_82, %dma_wait3A_83] : memref<2x16x2x40x128xi32, #tpu.memory_space<hbm>> -> memref<1x1x1x40x128xi32, #tpu.memory_space<hbm>>
      %dma_wait3A_85 = tpu.memref_squeeze %dma_wait3A_84 : memref<1x1x1x40x128xi32, #tpu.memory_space<hbm>> -> memref<40x128xi32, #tpu.memory_space<hbm>>
      %dma_wait3A_86 = arith.constant 0 : i32
      %dma_wait3A_87 = arith.constant 0 : i32
      %dma_wait3A_88 = tpu.memref_slice %arg4[%arg0, %arg1, %run_scoped3A_15, %dma_wait3A_86, %dma_wait3A_87] : memref<2x16x2x40x128xi32, #tpu.memory_space<hbm>> -> memref<1x1x1x40x128xi32, #tpu.memory_space<hbm>>
      %dma_wait3A_89 = tpu.memref_squeeze %dma_wait3A_88 : memref<1x1x1x40x128xi32, #tpu.memory_space<hbm>> -> memref<40x128xi32, #tpu.memory_space<hbm>>
      tpu.wait_dma2 semaphore(%run_scoped3A_73 : memref<!tpu.dma_semaphore, #tpu.memory_space<semaphore_mem>>) src(%dma_wait3A_89 : memref<40x128xi32, #tpu.memory_space<hbm>>) dst(%arg7 : memref<40x128xi32, #tpu.memory_space<vmem>>)
      tpu.yield
    }) : () -> ()
    %dma_start3A = arith.constant 0 : i32
    %dma_start3A_16 = tpu.memref_slice %arg6[%dma_start3A] : memref<5120xi32, #tpu.memory_space<vmem>> -> memref<128xi32, #tpu.memory_space<vmem>>
    %dma_start3A_17 = arith.constant 0 : i32
    %dma_start3A_18 = arith.constant 0 : i32
    %dma_start3A_19 = tpu.memref_slice %arg2[%dma_start3A_17, %dma_start3A_18] : memref<10000x128xf32, #tpu.memory_space<hbm>> -> memref<10000x128xf32, #tpu.memory_space<hbm>>
    tpu.enqueue_indirect_dma source(%dma_start3A_19 : memref<10000x128xf32, #tpu.memory_space<hbm>>) target(%arg8 : memref<128x128xf32, #tpu.memory_space<vmem>>) offsets(%dma_start3A_16 : memref<128xi32, #tpu.memory_space<vmem>>) semaphore(%arg11 : memref<!tpu.dma_semaphore, #tpu.memory_space<semaphore_mem>>)
    %dma_start3A_20 = arith.constant 128 : i32
    %dma_start3A_21 = tpu.memref_slice %arg6[%dma_start3A_20] : memref<5120xi32, #tpu.memory_space<vmem>> -> memref<128xi32, #tpu.memory_space<vmem>>
    %dma_start3A_22 = arith.constant 0 : i32
    %dma_start3A_23 = arith.constant 0 : i32
    %dma_start3A_24 = tpu.memref_slice %arg2[%dma_start3A_22, %dma_start3A_23] : memref<10000x128xf32, #tpu.memory_space<hbm>> -> memref<10000x128xf32, #tpu.memory_space<hbm>>
    tpu.enqueue_indirect_dma source(%dma_start3A_24 : memref<10000x128xf32, #tpu.memory_space<hbm>>) target(%arg9 : memref<128x128xf32, #tpu.memory_space<vmem>>) offsets(%dma_start3A_21 : memref<128xi32, #tpu.memory_space<vmem>>) semaphore(%arg12 : memref<!tpu.dma_semaphore, #tpu.memory_space<semaphore_mem>>)
    %scan3A_25 = arith.constant 0 : i32
    %scan3A_26 = arith.constant 0 : i32
    %scan3A_27 = arith.constant 19 : i32
    %scan3A_28 = arith.addi %scan3A_26, %scan3A_27 : i32
    %scan3A_29 = arith.constant 1 : i32
    scf.for %scan3A_73 = %scan3A_26 to %scan3A_28 step %scan3A_29  : i32 {
      %mul3A_74 = arith.constant 2 : i32
      %mul3A_75 = arith.muli %mul3A_74, %scan3A_73 : i32
      %mul3A_76 = arith.constant 128 : i32
      %mul3A_77 = arith.muli %mul3A_75, %mul3A_76 : i32
      %dma_wait3A_78 = tpu.memref_slice %arg6[%mul3A_77] : memref<5120xi32, #tpu.memory_space<vmem>> -> memref<128xi32, #tpu.memory_space<vmem>>
      %dma_wait3A_79 = arith.constant 0 : i32
      %dma_wait3A_80 = arith.constant 0 : i32
      %dma_wait3A_81 = tpu.memref_slice %arg2[%dma_wait3A_79, %dma_wait3A_80] : memref<10000x128xf32, #tpu.memory_space<hbm>> -> memref<10000x128xf32, #tpu.memory_space<hbm>>
      tpu.wait_indirect_dma semaphore(%arg11 : memref<!tpu.dma_semaphore, #tpu.memory_space<semaphore_mem>>) src(%dma_wait3A_81 : memref<10000x128xf32, #tpu.memory_space<hbm>>) dst(%arg8 : memref<128x128xf32, #tpu.memory_space<vmem>>)
      "tpu.region"() ({
        %run_scoped3A_108 = tpu.sem_alloc : memref<!tpu.dma_semaphore, #tpu.memory_space<semaphore_mem>>
        %dma_start3A_109 = arith.constant 0 : i32
        %dma_start3A_110 = tpu.memref_slice %arg7[%mul3A_75, %dma_start3A_109] : memref<40x128xi32, #tpu.memory_space<vmem>> -> memref<1x128xi32, #tpu.memory_space<vmem>>
        %dma_start3A_111 = tpu.memref_squeeze %dma_start3A_110 : memref<1x128xi32, #tpu.memory_space<vmem>> -> memref<128xi32, #tpu.memory_space<vmem>>
        %dma_start3A_112 = arith.constant 0 : i32
        %dma_start3A_113 = arith.constant 0 : i32
        %dma_start3A_114 = tpu.memref_slice %arg10[%dma_start3A_112, %dma_start3A_113] : memref<10240x128xf32, #tpu.memory_space<vmem_shared>> -> memref<10240x128xf32, #tpu.memory_space<vmem_shared>>
        tpu.enqueue_indirect_dma source(%arg8 : memref<128x128xf32, #tpu.memory_space<vmem>>) target(%dma_start3A_114 : memref<10240x128xf32, #tpu.memory_space<vmem_shared>>) offsets(%dma_start3A_111 : memref<128xi32, #tpu.memory_space<vmem>>) semaphore(%run_scoped3A_108 : memref<!tpu.dma_semaphore, #tpu.memory_space<semaphore_mem>>) {add = true}
        %dma_wait3A_115 = arith.constant 0 : i32
        %dma_wait3A_116 = tpu.memref_slice %arg7[%mul3A_75, %dma_wait3A_115] : memref<40x128xi32, #tpu.memory_space<vmem>> -> memref<1x128xi32, #tpu.memory_space<vmem>>
        %dma_wait3A_117 = tpu.memref_squeeze %dma_wait3A_116 : memref<1x128xi32, #tpu.memory_space<vmem>> -> memref<128xi32, #tpu.memory_space<vmem>>
        %dma_wait3A_118 = arith.constant 0 : i32
        %dma_wait3A_119 = arith.constant 0 : i32
        %dma_wait3A_120 = tpu.memref_slice %arg10[%dma_wait3A_118, %dma_wait3A_119] : memref<10240x128xf32, #tpu.memory_space<vmem_shared>> -> memref<10240x128xf32, #tpu.memory_space<vmem_shared>>
        tpu.wait_indirect_dma semaphore(%run_scoped3A_108 : memref<!tpu.dma_semaphore, #tpu.memory_space<semaphore_mem>>) src(%arg8 : memref<128x128xf32, #tpu.memory_space<vmem>>) dst(%dma_wait3A_120 : memref<10240x128xf32, #tpu.memory_space<vmem_shared>>)
        tpu.yield
      }) : () -> ()
      %add3A_82 = arith.constant 2 : i32
      %add3A_83 = arith.addi %mul3A_75, %add3A_82 : i32
      %mul3A_84 = arith.constant 128 : i32
      %mul3A_85 = arith.muli %add3A_83, %mul3A_84 : i32
      %dma_start3A_86 = tpu.memref_slice %arg6[%mul3A_85] : memref<5120xi32, #tpu.memory_space<vmem>> -> memref<128xi32, #tpu.memory_space<vmem>>
      %dma_start3A_87 = arith.constant 0 : i32
      %dma_start3A_88 = arith.constant 0 : i32
      %dma_start3A_89 = tpu.memref_slice %arg2[%dma_start3A_87, %dma_start3A_88] : memref<10000x128xf32, #tpu.memory_space<hbm>> -> memref<10000x128xf32, #tpu.memory_space<hbm>>
      tpu.enqueue_indirect_dma source(%dma_start3A_89 : memref<10000x128xf32, #tpu.memory_space<hbm>>) target(%arg8 : memref<128x128xf32, #tpu.memory_space<vmem>>) offsets(%dma_start3A_86 : memref<128xi32, #tpu.memory_space<vmem>>) semaphore(%arg11 : memref<!tpu.dma_semaphore, #tpu.memory_space<semaphore_mem>>)
      %add3A_90 = arith.constant 1 : i32
      %add3A_91 = arith.addi %mul3A_75, %add3A_90 : i32
      %mul3A_92 = arith.constant 128 : i32
      %mul3A_93 = arith.muli %add3A_91, %mul3A_92 : i32
      %dma_wait3A_94 = tpu.memref_slice %arg6[%mul3A_93] : memref<5120xi32, #tpu.memory_space<vmem>> -> memref<128xi32, #tpu.memory_space<vmem>>
      %dma_wait3A_95 = arith.constant 0 : i32
      %dma_wait3A_96 = arith.constant 0 : i32
      %dma_wait3A_97 = tpu.memref_slice %arg2[%dma_wait3A_95, %dma_wait3A_96] : memref<10000x128xf32, #tpu.memory_space<hbm>> -> memref<10000x128xf32, #tpu.memory_space<hbm>>
      tpu.wait_indirect_dma semaphore(%arg12 : memref<!tpu.dma_semaphore, #tpu.memory_space<semaphore_mem>>) src(%dma_wait3A_97 : memref<10000x128xf32, #tpu.memory_space<hbm>>) dst(%arg9 : memref<128x128xf32, #tpu.memory_space<vmem>>)
      %add3A_98 = arith.constant 1 : i32
      %add3A_99 = arith.addi %mul3A_75, %add3A_98 : i32
      "tpu.region"() ({
        %run_scoped3A_108 = tpu.sem_alloc : memref<!tpu.dma_semaphore, #tpu.memory_space<semaphore_mem>>
        %dma_start3A_109 = arith.constant 0 : i32
        %dma_start3A_110 = tpu.memref_slice %arg7[%add3A_99, %dma_start3A_109] : memref<40x128xi32, #tpu.memory_space<vmem>> -> memref<1x128xi32, #tpu.memory_space<vmem>>
        %dma_start3A_111 = tpu.memref_squeeze %dma_start3A_110 : memref<1x128xi32, #tpu.memory_space<vmem>> -> memref<128xi32, #tpu.memory_space<vmem>>
        %dma_start3A_112 = arith.constant 0 : i32
        %dma_start3A_113 = arith.constant 0 : i32
        %dma_start3A_114 = tpu.memref_slice %arg10[%dma_start3A_112, %dma_start3A_113] : memref<10240x128xf32, #tpu.memory_space<vmem_shared>> -> memref<10240x128xf32, #tpu.memory_space<vmem_shared>>
        tpu.enqueue_indirect_dma source(%arg9 : memref<128x128xf32, #tpu.memory_space<vmem>>) target(%dma_start3A_114 : memref<10240x128xf32, #tpu.memory_space<vmem_shared>>) offsets(%dma_start3A_111 : memref<128xi32, #tpu.memory_space<vmem>>) semaphore(%run_scoped3A_108 : memref<!tpu.dma_semaphore, #tpu.memory_space<semaphore_mem>>) {add = true}
        %dma_wait3A_115 = arith.constant 0 : i32
        %dma_wait3A_116 = tpu.memref_slice %arg7[%add3A_99, %dma_wait3A_115] : memref<40x128xi32, #tpu.memory_space<vmem>> -> memref<1x128xi32, #tpu.memory_space<vmem>>
        %dma_wait3A_117 = tpu.memref_squeeze %dma_wait3A_116 : memref<1x128xi32, #tpu.memory_space<vmem>> -> memref<128xi32, #tpu.memory_space<vmem>>
        %dma_wait3A_118 = arith.constant 0 : i32
        %dma_wait3A_119 = arith.constant 0 : i32
        %dma_wait3A_120 = tpu.memref_slice %arg10[%dma_wait3A_118, %dma_wait3A_119] : memref<10240x128xf32, #tpu.memory_space<vmem_shared>> -> memref<10240x128xf32, #tpu.memory_space<vmem_shared>>
        tpu.wait_indirect_dma semaphore(%run_scoped3A_108 : memref<!tpu.dma_semaphore, #tpu.memory_space<semaphore_mem>>) src(%arg9 : memref<128x128xf32, #tpu.memory_space<vmem>>) dst(%dma_wait3A_120 : memref<10240x128xf32, #tpu.memory_space<vmem_shared>>)
        tpu.yield
      }) : () -> ()
      %add3A_100 = arith.constant 3 : i32
      %add3A_101 = arith.addi %mul3A_75, %add3A_100 : i32
      %mul3A_102 = arith.constant 128 : i32
      %mul3A_103 = arith.muli %add3A_101, %mul3A_102 : i32
      %dma_start3A_104 = tpu.memref_slice %arg6[%mul3A_103] : memref<5120xi32, #tpu.memory_space<vmem>> -> memref<128xi32, #tpu.memory_space<vmem>>
      %dma_start3A_105 = arith.constant 0 : i32
      %dma_start3A_106 = arith.constant 0 : i32
      %dma_start3A_107 = tpu.memref_slice %arg2[%dma_start3A_105, %dma_start3A_106] : memref<10000x128xf32, #tpu.memory_space<hbm>> -> memref<10000x128xf32, #tpu.memory_space<hbm>>
      tpu.enqueue_indirect_dma source(%dma_start3A_107 : memref<10000x128xf32, #tpu.memory_space<hbm>>) target(%arg9 : memref<128x128xf32, #tpu.memory_space<vmem>>) offsets(%dma_start3A_104 : memref<128xi32, #tpu.memory_space<vmem>>) semaphore(%arg12 : memref<!tpu.dma_semaphore, #tpu.memory_space<semaphore_mem>>)
    }
    %scan3A_30 = arith.constant 19 : i32
    %dma_wait3A = arith.constant 4864 : i32
    %dma_wait3A_31 = tpu.memref_slice %arg6[%dma_wait3A] : memref<5120xi32, #tpu.memory_space<vmem>> -> memref<128xi32, #tpu.memory_space<vmem>>
    %dma_wait3A_32 = arith.constant 0 : i32
    %dma_wait3A_33 = arith.constant 0 : i32
    %dma_wait3A_34 = tpu.memref_slice %arg2[%dma_wait3A_32, %dma_wait3A_33] : memref<10000x128xf32, #tpu.memory_space<hbm>> -> memref<10000x128xf32, #tpu.memory_space<hbm>>
    tpu.wait_indirect_dma semaphore(%arg11 : memref<!tpu.dma_semaphore, #tpu.memory_space<semaphore_mem>>) src(%dma_wait3A_34 : memref<10000x128xf32, #tpu.memory_space<hbm>>) dst(%arg8 : memref<128x128xf32, #tpu.memory_space<vmem>>)
    %run_scoped3A_35 = arith.constant 38 : i32
    "tpu.region"() ({
      %run_scoped3A_73 = tpu.sem_alloc : memref<!tpu.dma_semaphore, #tpu.memory_space<semaphore_mem>>
      %dma_start3A_74 = arith.constant 0 : i32
      %dma_start3A_75 = tpu.memref_slice %arg7[%run_scoped3A_35, %dma_start3A_74] : memref<40x128xi32, #tpu.memory_space<vmem>> -> memref<1x128xi32, #tpu.memory_space<vmem>>
      %dma_start3A_76 = tpu.memref_squeeze %dma_start3A_75 : memref<1x128xi32, #tpu.memory_space<vmem>> -> memref<128xi32, #tpu.memory_space<vmem>>
      %dma_start3A_77 = arith.constant 0 : i32
      %dma_start3A_78 = arith.constant 0 : i32
      %dma_start3A_79 = tpu.memref_slice %arg10[%dma_start3A_77, %dma_start3A_78] : memref<10240x128xf32, #tpu.memory_space<vmem_shared>> -> memref<10240x128xf32, #tpu.memory_space<vmem_shared>>
      tpu.enqueue_indirect_dma source(%arg8 : memref<128x128xf32, #tpu.memory_space<vmem>>) target(%dma_start3A_79 : memref<10240x128xf32, #tpu.memory_space<vmem_shared>>) offsets(%dma_start3A_76 : memref<128xi32, #tpu.memory_space<vmem>>) semaphore(%run_scoped3A_73 : memref<!tpu.dma_semaphore, #tpu.memory_space<semaphore_mem>>) {add = true}
      %dma_wait3A_80 = arith.constant 0 : i32
      %dma_wait3A_81 = tpu.memref_slice %arg7[%run_scoped3A_35, %dma_wait3A_80] : memref<40x128xi32, #tpu.memory_space<vmem>> -> memref<1x128xi32, #tpu.memory_space<vmem>>
      %dma_wait3A_82 = tpu.memref_squeeze %dma_wait3A_81 : memref<1x128xi32, #tpu.memory_space<vmem>> -> memref<128xi32, #tpu.memory_space<vmem>>
      %dma_wait3A_83 = arith.constant 0 : i32
      %dma_wait3A_84 = arith.constant 0 : i32
      %dma_wait3A_85 = tpu.memref_slice %arg10[%dma_wait3A_83, %dma_wait3A_84] : memref<10240x128xf32, #tpu.memory_space<vmem_shared>> -> memref<10240x128xf32, #tpu.memory_space<vmem_shared>>
      tpu.wait_indirect_dma semaphore(%run_scoped3A_73 : memref<!tpu.dma_semaphore, #tpu.memory_space<semaphore_mem>>) src(%arg8 : memref<128x128xf32, #tpu.memory_space<vmem>>) dst(%dma_wait3A_85 : memref<10240x128xf32, #tpu.memory_space<vmem_shared>>)
      tpu.yield
    }) : () -> ()
    %dma_wait3A_36 = arith.constant 4992 : i32
    %dma_wait3A_37 = tpu.memref_slice %arg6[%dma_wait3A_36] : memref<5120xi32, #tpu.memory_space<vmem>> -> memref<128xi32, #tpu.memory_space<vmem>>
    %dma_wait3A_38 = arith.constant 0 : i32
    %dma_wait3A_39 = arith.constant 0 : i32
    %dma_wait3A_40 = tpu.memref_slice %arg2[%dma_wait3A_38, %dma_wait3A_39] : memref<10000x128xf32, #tpu.memory_space<hbm>> -> memref<10000x128xf32, #tpu.memory_space<hbm>>
    tpu.wait_indirect_dma semaphore(%arg12 : memref<!tpu.dma_semaphore, #tpu.memory_space<semaphore_mem>>) src(%dma_wait3A_40 : memref<10000x128xf32, #tpu.memory_space<hbm>>) dst(%arg9 : memref<128x128xf32, #tpu.memory_space<vmem>>)
    %run_scoped3A_41 = arith.constant 39 : i32
    "tpu.region"() ({
      %run_scoped3A_73 = tpu.sem_alloc : memref<!tpu.dma_semaphore, #tpu.memory_space<semaphore_mem>>
      %dma_start3A_74 = arith.constant 0 : i32
      %dma_start3A_75 = tpu.memref_slice %arg7[%run_scoped3A_41, %dma_start3A_74] : memref<40x128xi32, #tpu.memory_space<vmem>> -> memref<1x128xi32, #tpu.memory_space<vmem>>
      %dma_start3A_76 = tpu.memref_squeeze %dma_start3A_75 : memref<1x128xi32, #tpu.memory_space<vmem>> -> memref<128xi32, #tpu.memory_space<vmem>>
      %dma_start3A_77 = arith.constant 0 : i32
      %dma_start3A_78 = arith.constant 0 : i32
      %dma_start3A_79 = tpu.memref_slice %arg10[%dma_start3A_77, %dma_start3A_78] : memref<10240x128xf32, #tpu.memory_space<vmem_shared>> -> memref<10240x128xf32, #tpu.memory_space<vmem_shared>>
      tpu.enqueue_indirect_dma source(%arg9 : memref<128x128xf32, #tpu.memory_space<vmem>>) target(%dma_start3A_79 : memref<10240x128xf32, #tpu.memory_space<vmem_shared>>) offsets(%dma_start3A_76 : memref<128xi32, #tpu.memory_space<vmem>>) semaphore(%run_scoped3A_73 : memref<!tpu.dma_semaphore, #tpu.memory_space<semaphore_mem>>) {add = true}
      %dma_wait3A_80 = arith.constant 0 : i32
      %dma_wait3A_81 = tpu.memref_slice %arg7[%run_scoped3A_41, %dma_wait3A_80] : memref<40x128xi32, #tpu.memory_space<vmem>> -> memref<1x128xi32, #tpu.memory_space<vmem>>
      %dma_wait3A_82 = tpu.memref_squeeze %dma_wait3A_81 : memref<1x128xi32, #tpu.memory_space<vmem>> -> memref<128xi32, #tpu.memory_space<vmem>>
      %dma_wait3A_83 = arith.constant 0 : i32
      %dma_wait3A_84 = arith.constant 0 : i32
      %dma_wait3A_85 = tpu.memref_slice %arg10[%dma_wait3A_83, %dma_wait3A_84] : memref<10240x128xf32, #tpu.memory_space<vmem_shared>> -> memref<10240x128xf32, #tpu.memory_space<vmem_shared>>
      tpu.wait_indirect_dma semaphore(%run_scoped3A_73 : memref<!tpu.dma_semaphore, #tpu.memory_space<semaphore_mem>>) src(%arg9 : memref<128x128xf32, #tpu.memory_space<vmem>>) dst(%dma_wait3A_85 : memref<10240x128xf32, #tpu.memory_space<vmem_shared>>)
      tpu.yield
    }) : () -> ()
    %run_scoped3A_42 = arith.constant 1 : i32
    "tpu.region"() ({
      %run_scoped3A_73 = tpu.sem_alloc : memref<!tpu.dma_semaphore, #tpu.memory_space<semaphore_mem>>
      %dma_start3A_74 = arith.constant 0 : i32
      %dma_start3A_75 = tpu.memref_slice %arg3[%arg0, %arg1, %run_scoped3A_42, %dma_start3A_74] : memref<2x16x2x5120xi32, #tpu.memory_space<hbm>> -> memref<1x1x1x5120xi32, #tpu.memory_space<hbm>>
      %dma_start3A_76 = tpu.memref_squeeze %dma_start3A_75 : memref<1x1x1x5120xi32, #tpu.memory_space<hbm>> -> memref<5120xi32, #tpu.memory_space<hbm>>
      %dma_start3A_77 = arith.constant 0 : i32
      %dma_start3A_78 = tpu.memref_slice %arg3[%arg0, %arg1, %run_scoped3A_42, %dma_start3A_77] : memref<2x16x2x5120xi32, #tpu.memory_space<hbm>> -> memref<1x1x1x5120xi32, #tpu.memory_space<hbm>>
      %dma_start3A_79 = tpu.memref_squeeze %dma_start3A_78 : memref<1x1x1x5120xi32, #tpu.memory_space<hbm>> -> memref<5120xi32, #tpu.memory_space<hbm>>
      tpu.enqueue_dma source(%dma_start3A_79 : memref<5120xi32, #tpu.memory_space<hbm>>) target(%arg6 : memref<5120xi32, #tpu.memory_space<vmem>>) target_semaphore(%run_scoped3A_73 : memref<!tpu.dma_semaphore, #tpu.memory_space<semaphore_mem>>)
      %dma_wait3A_80 = arith.constant 0 : i32
      %dma_wait3A_81 = tpu.memref_slice %arg3[%arg0, %arg1, %run_scoped3A_42, %dma_wait3A_80] : memref<2x16x2x5120xi32, #tpu.memory_space<hbm>> -> memref<1x1x1x5120xi32, #tpu.memory_space<hbm>>
      %dma_wait3A_82 = tpu.memref_squeeze %dma_wait3A_81 : memref<1x1x1x5120xi32, #tpu.memory_space<hbm>> -> memref<5120xi32, #tpu.memory_space<hbm>>
      %dma_wait3A_83 = arith.constant 0 : i32
      %dma_wait3A_84 = tpu.memref_slice %arg3[%arg0, %arg1, %run_scoped3A_42, %dma_wait3A_83] : memref<2x16x2x5120xi32, #tpu.memory_space<hbm>> -> memref<1x1x1x5120xi32, #tpu.memory_space<hbm>>
      %dma_wait3A_85 = tpu.memref_squeeze %dma_wait3A_84 : memref<1x1x1x5120xi32, #tpu.memory_space<hbm>> -> memref<5120xi32, #tpu.memory_space<hbm>>
      tpu.wait_dma2 semaphore(%run_scoped3A_73 : memref<!tpu.dma_semaphore, #tpu.memory_space<semaphore_mem>>) src(%dma_wait3A_85 : memref<5120xi32, #tpu.memory_space<hbm>>) dst(%arg6 : memref<5120xi32, #tpu.memory_space<vmem>>)
      tpu.yield
    }) : () -> ()
    %run_scoped3A_43 = arith.constant 1 : i32
    "tpu.region"() ({
      %run_scoped3A_73 = tpu.sem_alloc : memref<!tpu.dma_semaphore, #tpu.memory_space<semaphore_mem>>
      %dma_start3A_74 = arith.constant 0 : i32
      %dma_start3A_75 = arith.constant 0 : i32
      %dma_start3A_76 = tpu.memref_slice %arg4[%arg0, %arg1, %run_scoped3A_43, %dma_start3A_74, %dma_start3A_75] : memref<2x16x2x40x128xi32, #tpu.memory_space<hbm>> -> memref<1x1x1x40x128xi32, #tpu.memory_space<hbm>>
      %dma_start3A_77 = tpu.memref_squeeze %dma_start3A_76 : memref<1x1x1x40x128xi32, #tpu.memory_space<hbm>> -> memref<40x128xi32, #tpu.memory_space<hbm>>
      %dma_start3A_78 = arith.constant 0 : i32
      %dma_start3A_79 = arith.constant 0 : i32
      %dma_start3A_80 = tpu.memref_slice %arg4[%arg0, %arg1, %run_scoped3A_43, %dma_start3A_78, %dma_start3A_79] : memref<2x16x2x40x128xi32, #tpu.memory_space<hbm>> -> memref<1x1x1x40x128xi32, #tpu.memory_space<hbm>>
      %dma_start3A_81 = tpu.memref_squeeze %dma_start3A_80 : memref<1x1x1x40x128xi32, #tpu.memory_space<hbm>> -> memref<40x128xi32, #tpu.memory_space<hbm>>
      tpu.enqueue_dma source(%dma_start3A_81 : memref<40x128xi32, #tpu.memory_space<hbm>>) target(%arg7 : memref<40x128xi32, #tpu.memory_space<vmem>>) target_semaphore(%run_scoped3A_73 : memref<!tpu.dma_semaphore, #tpu.memory_space<semaphore_mem>>)
      %dma_wait3A_82 = arith.constant 0 : i32
      %dma_wait3A_83 = arith.constant 0 : i32
      %dma_wait3A_84 = tpu.memref_slice %arg4[%arg0, %arg1, %run_scoped3A_43, %dma_wait3A_82, %dma_wait3A_83] : memref<2x16x2x40x128xi32, #tpu.memory_space<hbm>> -> memref<1x1x1x40x128xi32, #tpu.memory_space<hbm>>
      %dma_wait3A_85 = tpu.memref_squeeze %dma_wait3A_84 : memref<1x1x1x40x128xi32, #tpu.memory_space<hbm>> -> memref<40x128xi32, #tpu.memory_space<hbm>>
      %dma_wait3A_86 = arith.constant 0 : i32
      %dma_wait3A_87 = arith.constant 0 : i32
      %dma_wait3A_88 = tpu.memref_slice %arg4[%arg0, %arg1, %run_scoped3A_43, %dma_wait3A_86, %dma_wait3A_87] : memref<2x16x2x40x128xi32, #tpu.memory_space<hbm>> -> memref<1x1x1x40x128xi32, #tpu.memory_space<hbm>>
      %dma_wait3A_89 = tpu.memref_squeeze %dma_wait3A_88 : memref<1x1x1x40x128xi32, #tpu.memory_space<hbm>> -> memref<40x128xi32, #tpu.memory_space<hbm>>
      tpu.wait_dma2 semaphore(%run_scoped3A_73 : memref<!tpu.dma_semaphore, #tpu.memory_space<semaphore_mem>>) src(%dma_wait3A_89 : memref<40x128xi32, #tpu.memory_space<hbm>>) dst(%arg7 : memref<40x128xi32, #tpu.memory_space<vmem>>)
      tpu.yield
    }) : () -> ()
    %dma_start3A_44 = arith.constant 0 : i32
    %dma_start3A_45 = tpu.memref_slice %arg6[%dma_start3A_44] : memref<5120xi32, #tpu.memory_space<vmem>> -> memref<128xi32, #tpu.memory_space<vmem>>
    %dma_start3A_46 = arith.constant 0 : i32
    %dma_start3A_47 = arith.constant 0 : i32
    %dma_start3A_48 = tpu.memref_slice %arg2[%dma_start3A_46, %dma_start3A_47] : memref<10000x128xf32, #tpu.memory_space<hbm>> -> memref<10000x128xf32, #tpu.memory_space<hbm>>
    tpu.enqueue_indirect_dma source(%dma_start3A_48 : memref<10000x128xf32, #tpu.memory_space<hbm>>) target(%arg8 : memref<128x128xf32, #tpu.memory_space<vmem>>) offsets(%dma_start3A_45 : memref<128xi32, #tpu.memory_space<vmem>>) semaphore(%arg11 : memref<!tpu.dma_semaphore, #tpu.memory_space<semaphore_mem>>)
    %dma_start3A_49 = arith.constant 128 : i32
    %dma_start3A_50 = tpu.memref_slice %arg6[%dma_start3A_49] : memref<5120xi32, #tpu.memory_space<vmem>> -> memref<128xi32, #tpu.memory_space<vmem>>
    %dma_start3A_51 = arith.constant 0 : i32
    %dma_start3A_52 = arith.constant 0 : i32
    %dma_start3A_53 = tpu.memref_slice %arg2[%dma_start3A_51, %dma_start3A_52] : memref<10000x128xf32, #tpu.memory_space<hbm>> -> memref<10000x128xf32, #tpu.memory_space<hbm>>
    tpu.enqueue_indirect_dma source(%dma_start3A_53 : memref<10000x128xf32, #tpu.memory_space<hbm>>) target(%arg9 : memref<128x128xf32, #tpu.memory_space<vmem>>) offsets(%dma_start3A_50 : memref<128xi32, #tpu.memory_space<vmem>>) semaphore(%arg12 : memref<!tpu.dma_semaphore, #tpu.memory_space<semaphore_mem>>)
    %scan3A_54 = arith.constant 0 : i32
    %scan3A_55 = arith.constant 0 : i32
    %scan3A_56 = arith.constant 19 : i32
    %scan3A_57 = arith.addi %scan3A_55, %scan3A_56 : i32
    %scan3A_58 = arith.constant 1 : i32
    scf.for %scan3A_73 = %scan3A_55 to %scan3A_57 step %scan3A_58  : i32 {
      %mul3A_74 = arith.constant 2 : i32
      %mul3A_75 = arith.muli %mul3A_74, %scan3A_73 : i32
      %mul3A_76 = arith.constant 128 : i32
      %mul3A_77 = arith.muli %mul3A_75, %mul3A_76 : i32
      %dma_wait3A_78 = tpu.memref_slice %arg6[%mul3A_77] : memref<5120xi32, #tpu.memory_space<vmem>> -> memref<128xi32, #tpu.memory_space<vmem>>
      %dma_wait3A_79 = arith.constant 0 : i32
      %dma_wait3A_80 = arith.constant 0 : i32
      %dma_wait3A_81 = tpu.memref_slice %arg2[%dma_wait3A_79, %dma_wait3A_80] : memref<10000x128xf32, #tpu.memory_space<hbm>> -> memref<10000x128xf32, #tpu.memory_space<hbm>>
      tpu.wait_indirect_dma semaphore(%arg11 : memref<!tpu.dma_semaphore, #tpu.memory_space<semaphore_mem>>) src(%dma_wait3A_81 : memref<10000x128xf32, #tpu.memory_space<hbm>>) dst(%arg8 : memref<128x128xf32, #tpu.memory_space<vmem>>)
      "tpu.region"() ({
        %run_scoped3A_108 = tpu.sem_alloc : memref<!tpu.dma_semaphore, #tpu.memory_space<semaphore_mem>>
        %dma_start3A_109 = arith.constant 0 : i32
        %dma_start3A_110 = tpu.memref_slice %arg7[%mul3A_75, %dma_start3A_109] : memref<40x128xi32, #tpu.memory_space<vmem>> -> memref<1x128xi32, #tpu.memory_space<vmem>>
        %dma_start3A_111 = tpu.memref_squeeze %dma_start3A_110 : memref<1x128xi32, #tpu.memory_space<vmem>> -> memref<128xi32, #tpu.memory_space<vmem>>
        %dma_start3A_112 = arith.constant 0 : i32
        %dma_start3A_113 = arith.constant 0 : i32
        %dma_start3A_114 = tpu.memref_slice %arg10[%dma_start3A_112, %dma_start3A_113] : memref<10240x128xf32, #tpu.memory_space<vmem_shared>> -> memref<10240x128xf32, #tpu.memory_space<vmem_shared>>
        tpu.enqueue_indirect_dma source(%arg8 : memref<128x128xf32, #tpu.memory_space<vmem>>) target(%dma_start3A_114 : memref<10240x128xf32, #tpu.memory_space<vmem_shared>>) offsets(%dma_start3A_111 : memref<128xi32, #tpu.memory_space<vmem>>) semaphore(%run_scoped3A_108 : memref<!tpu.dma_semaphore, #tpu.memory_space<semaphore_mem>>) {add = true}
        %dma_wait3A_115 = arith.constant 0 : i32
        %dma_wait3A_116 = tpu.memref_slice %arg7[%mul3A_75, %dma_wait3A_115] : memref<40x128xi32, #tpu.memory_space<vmem>> -> memref<1x128xi32, #tpu.memory_space<vmem>>
        %dma_wait3A_117 = tpu.memref_squeeze %dma_wait3A_116 : memref<1x128xi32, #tpu.memory_space<vmem>> -> memref<128xi32, #tpu.memory_space<vmem>>
        %dma_wait3A_118 = arith.constant 0 : i32
        %dma_wait3A_119 = arith.constant 0 : i32
        %dma_wait3A_120 = tpu.memref_slice %arg10[%dma_wait3A_118, %dma_wait3A_119] : memref<10240x128xf32, #tpu.memory_space<vmem_shared>> -> memref<10240x128xf32, #tpu.memory_space<vmem_shared>>
        tpu.wait_indirect_dma semaphore(%run_scoped3A_108 : memref<!tpu.dma_semaphore, #tpu.memory_space<semaphore_mem>>) src(%arg8 : memref<128x128xf32, #tpu.memory_space<vmem>>) dst(%dma_wait3A_120 : memref<10240x128xf32, #tpu.memory_space<vmem_shared>>)
        tpu.yield
      }) : () -> ()
      %add3A_82 = arith.constant 2 : i32
      %add3A_83 = arith.addi %mul3A_75, %add3A_82 : i32
      %mul3A_84 = arith.constant 128 : i32
      %mul3A_85 = arith.muli %add3A_83, %mul3A_84 : i32
      %dma_start3A_86 = tpu.memref_slice %arg6[%mul3A_85] : memref<5120xi32, #tpu.memory_space<vmem>> -> memref<128xi32, #tpu.memory_space<vmem>>
      %dma_start3A_87 = arith.constant 0 : i32
      %dma_start3A_88 = arith.constant 0 : i32
      %dma_start3A_89 = tpu.memref_slice %arg2[%dma_start3A_87, %dma_start3A_88] : memref<10000x128xf32, #tpu.memory_space<hbm>> -> memref<10000x128xf32, #tpu.memory_space<hbm>>
      tpu.enqueue_indirect_dma source(%dma_start3A_89 : memref<10000x128xf32, #tpu.memory_space<hbm>>) target(%arg8 : memref<128x128xf32, #tpu.memory_space<vmem>>) offsets(%dma_start3A_86 : memref<128xi32, #tpu.memory_space<vmem>>) semaphore(%arg11 : memref<!tpu.dma_semaphore, #tpu.memory_space<semaphore_mem>>)
      %add3A_90 = arith.constant 1 : i32
      %add3A_91 = arith.addi %mul3A_75, %add3A_90 : i32
      %mul3A_92 = arith.constant 128 : i32
      %mul3A_93 = arith.muli %add3A_91, %mul3A_92 : i32
      %dma_wait3A_94 = tpu.memref_slice %arg6[%mul3A_93] : memref<5120xi32, #tpu.memory_space<vmem>> -> memref<128xi32, #tpu.memory_space<vmem>>
      %dma_wait3A_95 = arith.constant 0 : i32
      %dma_wait3A_96 = arith.constant 0 : i32
      %dma_wait3A_97 = tpu.memref_slice %arg2[%dma_wait3A_95, %dma_wait3A_96] : memref<10000x128xf32, #tpu.memory_space<hbm>> -> memref<10000x128xf32, #tpu.memory_space<hbm>>
      tpu.wait_indirect_dma semaphore(%arg12 : memref<!tpu.dma_semaphore, #tpu.memory_space<semaphore_mem>>) src(%dma_wait3A_97 : memref<10000x128xf32, #tpu.memory_space<hbm>>) dst(%arg9 : memref<128x128xf32, #tpu.memory_space<vmem>>)
      %add3A_98 = arith.constant 1 : i32
      %add3A_99 = arith.addi %mul3A_75, %add3A_98 : i32
      "tpu.region"() ({
        %run_scoped3A_108 = tpu.sem_alloc : memref<!tpu.dma_semaphore, #tpu.memory_space<semaphore_mem>>
        %dma_start3A_109 = arith.constant 0 : i32
        %dma_start3A_110 = tpu.memref_slice %arg7[%add3A_99, %dma_start3A_109] : memref<40x128xi32, #tpu.memory_space<vmem>> -> memref<1x128xi32, #tpu.memory_space<vmem>>
        %dma_start3A_111 = tpu.memref_squeeze %dma_start3A_110 : memref<1x128xi32, #tpu.memory_space<vmem>> -> memref<128xi32, #tpu.memory_space<vmem>>
        %dma_start3A_112 = arith.constant 0 : i32
        %dma_start3A_113 = arith.constant 0 : i32
        %dma_start3A_114 = tpu.memref_slice %arg10[%dma_start3A_112, %dma_start3A_113] : memref<10240x128xf32, #tpu.memory_space<vmem_shared>> -> memref<10240x128xf32, #tpu.memory_space<vmem_shared>>
        tpu.enqueue_indirect_dma source(%arg9 : memref<128x128xf32, #tpu.memory_space<vmem>>) target(%dma_start3A_114 : memref<10240x128xf32, #tpu.memory_space<vmem_shared>>) offsets(%dma_start3A_111 : memref<128xi32, #tpu.memory_space<vmem>>) semaphore(%run_scoped3A_108 : memref<!tpu.dma_semaphore, #tpu.memory_space<semaphore_mem>>) {add = true}
        %dma_wait3A_115 = arith.constant 0 : i32
        %dma_wait3A_116 = tpu.memref_slice %arg7[%add3A_99, %dma_wait3A_115] : memref<40x128xi32, #tpu.memory_space<vmem>> -> memref<1x128xi32, #tpu.memory_space<vmem>>
        %dma_wait3A_117 = tpu.memref_squeeze %dma_wait3A_116 : memref<1x128xi32, #tpu.memory_space<vmem>> -> memref<128xi32, #tpu.memory_space<vmem>>
        %dma_wait3A_118 = arith.constant 0 : i32
        %dma_wait3A_119 = arith.constant 0 : i32
        %dma_wait3A_120 = tpu.memref_slice %arg10[%dma_wait3A_118, %dma_wait3A_119] : memref<10240x128xf32, #tpu.memory_space<vmem_shared>> -> memref<10240x128xf32, #tpu.memory_space<vmem_shared>>
        tpu.wait_indirect_dma semaphore(%run_scoped3A_108 : memref<!tpu.dma_semaphore, #tpu.memory_space<semaphore_mem>>) src(%arg9 : memref<128x128xf32, #tpu.memory_space<vmem>>) dst(%dma_wait3A_120 : memref<10240x128xf32, #tpu.memory_space<vmem_shared>>)
        tpu.yield
      }) : () -> ()
      %add3A_100 = arith.constant 3 : i32
      %add3A_101 = arith.addi %mul3A_75, %add3A_100 : i32
      %mul3A_102 = arith.constant 128 : i32
      %mul3A_103 = arith.muli %add3A_101, %mul3A_102 : i32
      %dma_start3A_104 = tpu.memref_slice %arg6[%mul3A_103] : memref<5120xi32, #tpu.memory_space<vmem>> -> memref<128xi32, #tpu.memory_space<vmem>>
      %dma_start3A_105 = arith.constant 0 : i32
      %dma_start3A_106 = arith.constant 0 : i32
      %dma_start3A_107 = tpu.memref_slice %arg2[%dma_start3A_105, %dma_start3A_106] : memref<10000x128xf32, #tpu.memory_space<hbm>> -> memref<10000x128xf32, #tpu.memory_space<hbm>>
      tpu.enqueue_indirect_dma source(%dma_start3A_107 : memref<10000x128xf32, #tpu.memory_space<hbm>>) target(%arg9 : memref<128x128xf32, #tpu.memory_space<vmem>>) offsets(%dma_start3A_104 : memref<128xi32, #tpu.memory_space<vmem>>) semaphore(%arg12 : memref<!tpu.dma_semaphore, #tpu.memory_space<semaphore_mem>>)
    }
    %scan3A_59 = arith.constant 19 : i32
    %dma_wait3A_60 = arith.constant 4864 : i32
    %dma_wait3A_61 = tpu.memref_slice %arg6[%dma_wait3A_60] : memref<5120xi32, #tpu.memory_space<vmem>> -> memref<128xi32, #tpu.memory_space<vmem>>
    %dma_wait3A_62 = arith.constant 0 : i32
    %dma_wait3A_63 = arith.constant 0 : i32
    %dma_wait3A_64 = tpu.memref_slice %arg2[%dma_wait3A_62, %dma_wait3A_63] : memref<10000x128xf32, #tpu.memory_space<hbm>> -> memref<10000x128xf32, #tpu.memory_space<hbm>>
    tpu.wait_indirect_dma semaphore(%arg11 : memref<!tpu.dma_semaphore, #tpu.memory_space<semaphore_mem>>) src(%dma_wait3A_64 : memref<10000x128xf32, #tpu.memory_space<hbm>>) dst(%arg8 : memref<128x128xf32, #tpu.memory_space<vmem>>)
    %run_scoped3A_65 = arith.constant 38 : i32
    "tpu.region"() ({
      %run_scoped3A_73 = tpu.sem_alloc : memref<!tpu.dma_semaphore, #tpu.memory_space<semaphore_mem>>
      %dma_start3A_74 = arith.constant 0 : i32
      %dma_start3A_75 = tpu.memref_slice %arg7[%run_scoped3A_65, %dma_start3A_74] : memref<40x128xi32, #tpu.memory_space<vmem>> -> memref<1x128xi32, #tpu.memory_space<vmem>>
      %dma_start3A_76 = tpu.memref_squeeze %dma_start3A_75 : memref<1x128xi32, #tpu.memory_space<vmem>> -> memref<128xi32, #tpu.memory_space<vmem>>
      %dma_start3A_77 = arith.constant 0 : i32
      %dma_start3A_78 = arith.constant 0 : i32
      %dma_start3A_79 = tpu.memref_slice %arg10[%dma_start3A_77, %dma_start3A_78] : memref<10240x128xf32, #tpu.memory_space<vmem_shared>> -> memref<10240x128xf32, #tpu.memory_space<vmem_shared>>
      tpu.enqueue_indirect_dma source(%arg8 : memref<128x128xf32, #tpu.memory_space<vmem>>) target(%dma_start3A_79 : memref<10240x128xf32, #tpu.memory_space<vmem_shared>>) offsets(%dma_start3A_76 : memref<128xi32, #tpu.memory_space<vmem>>) semaphore(%run_scoped3A_73 : memref<!tpu.dma_semaphore, #tpu.memory_space<semaphore_mem>>) {add = true}
      %dma_wait3A_80 = arith.constant 0 : i32
      %dma_wait3A_81 = tpu.memref_slice %arg7[%run_scoped3A_65, %dma_wait3A_80] : memref<40x128xi32, #tpu.memory_space<vmem>> -> memref<1x128xi32, #tpu.memory_space<vmem>>
      %dma_wait3A_82 = tpu.memref_squeeze %dma_wait3A_81 : memref<1x128xi32, #tpu.memory_space<vmem>> -> memref<128xi32, #tpu.memory_space<vmem>>
      %dma_wait3A_83 = arith.constant 0 : i32
      %dma_wait3A_84 = arith.constant 0 : i32
      %dma_wait3A_85 = tpu.memref_slice %arg10[%dma_wait3A_83, %dma_wait3A_84] : memref<10240x128xf32, #tpu.memory_space<vmem_shared>> -> memref<10240x128xf32, #tpu.memory_space<vmem_shared>>
      tpu.wait_indirect_dma semaphore(%run_scoped3A_73 : memref<!tpu.dma_semaphore, #tpu.memory_space<semaphore_mem>>) src(%arg8 : memref<128x128xf32, #tpu.memory_space<vmem>>) dst(%dma_wait3A_85 : memref<10240x128xf32, #tpu.memory_space<vmem_shared>>)
      tpu.yield
    }) : () -> ()
    %dma_wait3A_66 = arith.constant 4992 : i32
    %dma_wait3A_67 = tpu.memref_slice %arg6[%dma_wait3A_66] : memref<5120xi32, #tpu.memory_space<vmem>> -> memref<128xi32, #tpu.memory_space<vmem>>
    %dma_wait3A_68 = arith.constant 0 : i32
    %dma_wait3A_69 = arith.constant 0 : i32
    %dma_wait3A_70 = tpu.memref_slice %arg2[%dma_wait3A_68, %dma_wait3A_69] : memref<10000x128xf32, #tpu.memory_space<hbm>> -> memref<10000x128xf32, #tpu.memory_space<hbm>>
    tpu.wait_indirect_dma semaphore(%arg12 : memref<!tpu.dma_semaphore, #tpu.memory_space<semaphore_mem>>) src(%dma_wait3A_70 : memref<10000x128xf32, #tpu.memory_space<hbm>>) dst(%arg9 : memref<128x128xf32, #tpu.memory_space<vmem>>)
    %run_scoped3A_71 = arith.constant 39 : i32
    "tpu.region"() ({
      %run_scoped3A_73 = tpu.sem_alloc : memref<!tpu.dma_semaphore, #tpu.memory_space<semaphore_mem>>
      %dma_start3A_74 = arith.constant 0 : i32
      %dma_start3A_75 = tpu.memref_slice %arg7[%run_scoped3A_71, %dma_start3A_74] : memref<40x128xi32, #tpu.memory_space<vmem>> -> memref<1x128xi32, #tpu.memory_space<vmem>>
      %dma_start3A_76 = tpu.memref_squeeze %dma_start3A_75 : memref<1x128xi32, #tpu.memory_space<vmem>> -> memref<128xi32, #tpu.memory_space<vmem>>
      %dma_start3A_77 = arith.constant 0 : i32
      %dma_start3A_78 = arith.constant 0 : i32
      %dma_start3A_79 = tpu.memref_slice %arg10[%dma_start3A_77, %dma_start3A_78] : memref<10240x128xf32, #tpu.memory_space<vmem_shared>> -> memref<10240x128xf32, #tpu.memory_space<vmem_shared>>
      tpu.enqueue_indirect_dma source(%arg9 : memref<128x128xf32, #tpu.memory_space<vmem>>) target(%dma_start3A_79 : memref<10240x128xf32, #tpu.memory_space<vmem_shared>>) offsets(%dma_start3A_76 : memref<128xi32, #tpu.memory_space<vmem>>) semaphore(%run_scoped3A_73 : memref<!tpu.dma_semaphore, #tpu.memory_space<semaphore_mem>>) {add = true}
      %dma_wait3A_80 = arith.constant 0 : i32
      %dma_wait3A_81 = tpu.memref_slice %arg7[%run_scoped3A_71, %dma_wait3A_80] : memref<40x128xi32, #tpu.memory_space<vmem>> -> memref<1x128xi32, #tpu.memory_space<vmem>>
      %dma_wait3A_82 = tpu.memref_squeeze %dma_wait3A_81 : memref<1x128xi32, #tpu.memory_space<vmem>> -> memref<128xi32, #tpu.memory_space<vmem>>
      %dma_wait3A_83 = arith.constant 0 : i32
      %dma_wait3A_84 = arith.constant 0 : i32
      %dma_wait3A_85 = tpu.memref_slice %arg10[%dma_wait3A_83, %dma_wait3A_84] : memref<10240x128xf32, #tpu.memory_space<vmem_shared>> -> memref<10240x128xf32, #tpu.memory_space<vmem_shared>>
      tpu.wait_indirect_dma semaphore(%run_scoped3A_73 : memref<!tpu.dma_semaphore, #tpu.memory_space<semaphore_mem>>) src(%arg9 : memref<128x128xf32, #tpu.memory_space<vmem>>) dst(%dma_wait3A_85 : memref<10240x128xf32, #tpu.memory_space<vmem_shared>>)
      tpu.yield
    }) : () -> ()
    %barrier3A_72 = arith.constant 0 : index
    tpu.barrier barrier_id(%barrier3A_72)
    "tpu.region"() ({
      %run_scoped3A_73 = tpu.sem_alloc : memref<!tpu.dma_semaphore, #tpu.memory_space<semaphore_mem>>
      %dma_start3A_74 = arith.constant 0 : i32
      %dma_start3A_75 = tpu.memref_slice %arg5[%arg0, %mul3A_5, %dma_start3A_74] : memref<2x10240x128xf32, #tpu.memory_space<hbm>> -> memref<1x640x128xf32, #tpu.memory_space<hbm>>
      %dma_start3A_76 = tpu.memref_squeeze %dma_start3A_75 : memref<1x640x128xf32, #tpu.memory_space<hbm>> -> memref<640x128xf32, #tpu.memory_space<hbm>>
      %dma_start3A_77 = arith.constant 0 : i32
      %dma_start3A_78 = tpu.memref_slice %arg10[%mul3A_5, %dma_start3A_77] : memref<10240x128xf32, #tpu.memory_space<vmem_shared>> -> memref<640x128xf32, #tpu.memory_space<vmem_shared>>
      tpu.enqueue_dma source(%dma_start3A_78 : memref<640x128xf32, #tpu.memory_space<vmem_shared>>) target(%dma_start3A_76 : memref<640x128xf32, #tpu.memory_space<hbm>>) target_semaphore(%run_scoped3A_73 : memref<!tpu.dma_semaphore, #tpu.memory_space<semaphore_mem>>)
      %dma_wait3A_79 = arith.constant 0 : i32
      %dma_wait3A_80 = tpu.memref_slice %arg5[%arg0, %mul3A_5, %dma_wait3A_79] : memref<2x10240x128xf32, #tpu.memory_space<hbm>> -> memref<1x640x128xf32, #tpu.memory_space<hbm>>
      %dma_wait3A_81 = tpu.memref_squeeze %dma_wait3A_80 : memref<1x640x128xf32, #tpu.memory_space<hbm>> -> memref<640x128xf32, #tpu.memory_space<hbm>>
      %dma_wait3A_82 = arith.constant 0 : i32
      %dma_wait3A_83 = tpu.memref_slice %arg10[%mul3A_5, %dma_wait3A_82] : memref<10240x128xf32, #tpu.memory_space<vmem_shared>> -> memref<640x128xf32, #tpu.memory_space<vmem_shared>>
      tpu.wait_dma2 semaphore(%run_scoped3A_73 : memref<!tpu.dma_semaphore, #tpu.memory_space<semaphore_mem>>) src(%dma_wait3A_83 : memref<640x128xf32, #tpu.memory_space<vmem_shared>>) dst(%dma_wait3A_81 : memref<640x128xf32, #tpu.memory_space<hbm>>)
      tpu.yield
    }) : () -> ()
    return
  }
}

#map = affine_map<(d0, d1) -> (0, 0)>
#map1 = affine_map<(d0, d1) -> (0, 0, 0, 0)>
#map2 = affine_map<(d0, d1) -> (0, 0, 0, 0, 0)>
#map3 = affine_map<(d0, d1) -> (0, 0, 0)>
module attributes {stable_mosaic.version = 14 : i64} {
  func.func @seg(%arg0: i32, %arg1: i32, %arg2: memref<10000x128xf32, #tpu.memory_space<hbm>>, %arg3: memref<2x16x2x5120xi32, #tpu.memory_space<hbm>>, %arg4: memref<2x16x2x40x128xi32, #tpu.memory_space<hbm>>, %arg5: memref<2x10240x128xf32, #tpu.memory_space<hbm>>, %arg6: memref<5120xi32, #tpu.memory_space<vmem>>, %arg7: memref<40x128xi32, #tpu.memory_space<vmem>>, %arg8: memref<128x128xf32, #tpu.memory_space<vmem>>, %arg9: memref<128x128xf32, #tpu.memory_space<vmem>>, %arg10: memref<10240x128xf32, #tpu.memory_space<vmem_shared>>, %arg11: memref<!tpu.dma_semaphore, #tpu.memory_space<semaphore_mem>>, %arg12: memref<!tpu.dma_semaphore, #tpu.memory_space<semaphore_mem>>) attributes {dimension_semantics = [#tpu.dimension_semantics<core_parallel>, #tpu.dimension_semantics<subcore_parallel>], iteration_bounds = array<i64: 2, 16>, scalar_prefetch = 0 : i64, scratch_operands = 7 : i64, tpu.core_type = #tpu.core_type<sc_vector_subcore>, window_params = [{transform_indices = #map}, {transform_indices = #map1}, {transform_indices = #map2}, {transform_indices = #map3}]} {
    %scan3A = arith.constant 0 : i32
    %scan3A_0 = arith.constant 0 : i32
    %scan3A_1 = arith.constant 1024 : i32
    %scan3A_2 = arith.addi %scan3A_0, %scan3A_1 : i32
    %scan3A_3 = arith.constant 1 : i32
    scf.for %scan3A_73 = %scan3A_0 to %scan3A_2 step %scan3A_3  : i32 {
      %broadcast_in_dim3A = arith.constant 0.000000e+00 : f32
      %broadcast_in_dim3A_74 = vector.broadcast %broadcast_in_dim3A : f32 to vector<16xf32>
      %jit3A = arith.constant 8 : i32
      %div3A = arith.divsi %scan3A_73, %jit3A : i32
      %sign3A = arith.constant 0 : i32
      %sign3A_75 = arith.cmpi sgt, %scan3A_73, %sign3A : i32
      %sign3A_76 = arith.extui %sign3A_75 : i1 to i32
      %sign3A_77 = arith.constant 0 : i32
      %sign3A_78 = arith.cmpi slt, %scan3A_73, %sign3A_77 : i32
      %sign3A_79 = arith.extui %sign3A_78 : i1 to i32
      %sign3A_80 = arith.subi %sign3A_76, %sign3A_79 : i32
      %sign3A_81 = arith.constant 0 : i32
      %sign3A_82 = arith.cmpi sgt, %jit3A, %sign3A_81 : i32
      %sign3A_83 = arith.extui %sign3A_82 : i1 to i32
      %sign3A_84 = arith.constant 0 : i32
      %sign3A_85 = arith.cmpi slt, %jit3A, %sign3A_84 : i32
      %sign3A_86 = arith.extui %sign3A_85 : i1 to i32
      %sign3A_87 = arith.subi %sign3A_83, %sign3A_86 : i32
      %ne3A = arith.cmpi ne, %sign3A_80, %sign3A_87 : i32
      %rem3A = arith.remsi %scan3A_73, %jit3A : i32
      %ne3A_88 = arith.constant 0 : i32
      %ne3A_89 = arith.cmpi ne, %rem3A, %ne3A_88 : i32
      %and3A = arith.andi %ne3A, %ne3A_89 : i1
      %sub3A = arith.constant 1 : i32
      %sub3A_90 = arith.subi %div3A, %sub3A : i32
      %select_n3A = arith.select %and3A, %sub3A_90, %div3A : i32
      %jit3A_91 = arith.constant 8 : i32
      %eq3A = arith.constant 0 : i32
      %eq3A_92 = arith.cmpi eq, %jit3A_91, %eq3A : i32
      %jit3A_93 = arith.constant 1 : i32
      %select_n3A_94 = arith.select %eq3A_92, %jit3A_93, %jit3A_91 : i32
      %rem3A_95 = arith.remsi %scan3A_73, %select_n3A_94 : i32
      %ne3A_96 = arith.constant 0 : i32
      %ne3A_97 = arith.cmpi ne, %rem3A_95, %ne3A_96 : i32
      %lt3A = arith.constant 0 : i32
      %lt3A_98 = arith.cmpi slt, %rem3A_95, %lt3A : i32
      %lt3A_99 = arith.constant 0 : i32
      %lt3A_100 = arith.cmpi slt, %select_n3A_94, %lt3A_99 : i32
      %ne3A_101 = arith.xori %lt3A_98, %lt3A_100 : i1
      %and3A_102 = arith.andi %ne3A_101, %ne3A_97 : i1
      %add3A_103 = arith.addi %rem3A_95, %select_n3A_94 : i32
      %select_n3A_104 = arith.select %and3A_102, %add3A_103, %rem3A_95 : i32
      %mul3A_105 = arith.constant 16 : i32
      %mul3A_106 = arith.muli %select_n3A_104, %mul3A_105 : i32
      %swap3A = arith.index_cast %select_n3A : i32 to index
      %swap3A_107 = arith.index_cast %mul3A_106 : i32 to index
      %swap3A_108 = tpu.vector_load %arg8[%swap3A, %swap3A_107] {strides = array<i32>} : memref<128x128xf32, #tpu.memory_space<vmem>>, vector<1x16xf32>,
      %swap3A_109 = vector.shape_cast %swap3A_108 : vector<1x16xf32> to vector<16xf32>
      %swap3A_110 = vector.shape_cast %broadcast_in_dim3A_74 : vector<16xf32> to vector<1x16xf32>
      tpu.vector_store %arg8[%swap3A, %swap3A_107], %swap3A_110 {strides = array<i32>} : memref<128x128xf32, #tpu.memory_space<vmem>>, vector<1x16xf32>,
    }
    %scan3A_4 = arith.constant 1024 : i32
    %mul3A = arith.constant 640 : i32
    %mul3A_5 = arith.muli %arg1, %mul3A : i32
    %add3A = arith.constant 0 : i32
    %add3A_6 = arith.addi %mul3A_5, %add3A : i32
    "tpu.region"() ({
      %run_scoped3A_73 = tpu.sem_alloc : memref<!tpu.dma_semaphore, #tpu.memory_space<semaphore_mem>>
      %dma_start3A_74 = arith.constant 0 : i32
      %dma_start3A_75 = tpu.memref_slice %arg10[%add3A_6, %dma_start3A_74] : memref<10240x128xf32, #tpu.memory_space<vmem_shared>> -> memref<128x128xf32, #tpu.memory_space<vmem_shared>>
      %dma_start3A_76 = arith.constant 0 : i32
      %dma_start3A_77 = tpu.memref_slice %arg10[%add3A_6, %dma_start3A_76] : memref<10240x128xf32, #tpu.memory_space<vmem_shared>> -> memref<128x128xf32, #tpu.memory_space<vmem_shared>>
      tpu.enqueue_dma source(%arg8 : memref<128x128xf32, #tpu.memory_space<vmem>>) target(%dma_start3A_77 : memref<128x128xf32, #tpu.memory_space<vmem_shared>>) target_semaphore(%run_scoped3A_73 : memref<!tpu.dma_semaphore, #tpu.memory_space<semaphore_mem>>)
      %dma_wait3A_78 = arith.constant 0 : i32
      %dma_wait3A_79 = tpu.memref_slice %arg10[%add3A_6, %dma_wait3A_78] : memref<10240x128xf32, #tpu.memory_space<vmem_shared>> -> memref<128x128xf32, #tpu.memory_space<vmem_shared>>
      %dma_wait3A_80 = arith.constant 0 : i32
      %dma_wait3A_81 = tpu.memref_slice %arg10[%add3A_6, %dma_wait3A_80] : memref<10240x128xf32, #tpu.memory_space<vmem_shared>> -> memref<128x128xf32, #tpu.memory_space<vmem_shared>>
      tpu.wait_dma2 semaphore(%run_scoped3A_73 : memref<!tpu.dma_semaphore, #tpu.memory_space<semaphore_mem>>) src(%arg8 : memref<128x128xf32, #tpu.memory_space<vmem>>) dst(%dma_wait3A_81 : memref<128x128xf32, #tpu.memory_space<vmem_shared>>)
      tpu.yield
    }) : () -> ()
    %add3A_7 = arith.constant 128 : i32
    %add3A_8 = arith.addi %mul3A_5, %add3A_7 : i32
    "tpu.region"() ({
      %run_scoped3A_73 = tpu.sem_alloc : memref<!tpu.dma_semaphore, #tpu.memory_space<semaphore_mem>>
      %dma_start3A_74 = arith.constant 0 : i32
      %dma_start3A_75 = tpu.memref_slice %arg10[%add3A_8, %dma_start3A_74] : memref<10240x128xf32, #tpu.memory_space<vmem_shared>> -> memref<128x128xf32, #tpu.memory_space<vmem_shared>>
      %dma_start3A_76 = arith.constant 0 : i32
      %dma_start3A_77 = tpu.memref_slice %arg10[%add3A_8, %dma_start3A_76] : memref<10240x128xf32, #tpu.memory_space<vmem_shared>> -> memref<128x128xf32, #tpu.memory_space<vmem_shared>>
      tpu.enqueue_dma source(%arg8 : memref<128x128xf32, #tpu.memory_space<vmem>>) target(%dma_start3A_77 : memref<128x128xf32, #tpu.memory_space<vmem_shared>>) target_semaphore(%run_scoped3A_73 : memref<!tpu.dma_semaphore, #tpu.memory_space<semaphore_mem>>)
      %dma_wait3A_78 = arith.constant 0 : i32
      %dma_wait3A_79 = tpu.memref_slice %arg10[%add3A_8, %dma_wait3A_78] : memref<10240x128xf32, #tpu.memory_space<vmem_shared>> -> memref<128x128xf32, #tpu.memory_space<vmem_shared>>
      %dma_wait3A_80 = arith.constant 0 : i32
      %dma_wait3A_81 = tpu.memref_slice %arg10[%add3A_8, %dma_wait3A_80] : memref<10240x128xf32, #tpu.memory_space<vmem_shared>> -> memref<128x128xf32, #tpu.memory_space<vmem_shared>>
      tpu.wait_dma2 semaphore(%run_scoped3A_73 : memref<!tpu.dma_semaphore, #tpu.memory_space<semaphore_mem>>) src(%arg8 : memref<128x128xf32, #tpu.memory_space<vmem>>) dst(%dma_wait3A_81 : memref<128x128xf32, #tpu.memory_space<vmem_shared>>)
      tpu.yield
    }) : () -> ()
    %add3A_9 = arith.constant 256 : i32
    %add3A_10 = arith.addi %mul3A_5, %add3A_9 : i32
    "tpu.region"() ({
      %run_scoped3A_73 = tpu.sem_alloc : memref<!tpu.dma_semaphore, #tpu.memory_space<semaphore_mem>>
      %dma_start3A_74 = arith.constant 0 : i32
      %dma_start3A_75 = tpu.memref_slice %arg10[%add3A_10, %dma_start3A_74] : memref<10240x128xf32, #tpu.memory_space<vmem_shared>> -> memref<128x128xf32, #tpu.memory_space<vmem_shared>>
      %dma_start3A_76 = arith.constant 0 : i32
      %dma_start3A_77 = tpu.memref_slice %arg10[%add3A_10, %dma_start3A_76] : memref<10240x128xf32, #tpu.memory_space<vmem_shared>> -> memref<128x128xf32, #tpu.memory_space<vmem_shared>>
      tpu.enqueue_dma source(%arg8 : memref<128x128xf32, #tpu.memory_space<vmem>>) target(%dma_start3A_77 : memref<128x128xf32, #tpu.memory_space<vmem_shared>>) target_semaphore(%run_scoped3A_73 : memref<!tpu.dma_semaphore, #tpu.memory_space<semaphore_mem>>)
      %dma_wait3A_78 = arith.constant 0 : i32
      %dma_wait3A_79 = tpu.memref_slice %arg10[%add3A_10, %dma_wait3A_78] : memref<10240x128xf32, #tpu.memory_space<vmem_shared>> -> memref<128x128xf32, #tpu.memory_space<vmem_shared>>
      %dma_wait3A_80 = arith.constant 0 : i32
      %dma_wait3A_81 = tpu.memref_slice %arg10[%add3A_10, %dma_wait3A_80] : memref<10240x128xf32, #tpu.memory_space<vmem_shared>> -> memref<128x128xf32, #tpu.memory_space<vmem_shared>>
      tpu.wait_dma2 semaphore(%run_scoped3A_73 : memref<!tpu.dma_semaphore, #tpu.memory_space<semaphore_mem>>) src(%arg8 : memref<128x128xf32, #tpu.memory_space<vmem>>) dst(%dma_wait3A_81 : memref<128x128xf32, #tpu.memory_space<vmem_shared>>)
      tpu.yield
    }) : () -> ()
    %add3A_11 = arith.constant 384 : i32
    %add3A_12 = arith.addi %mul3A_5, %add3A_11 : i32
    "tpu.region"() ({
      %run_scoped3A_73 = tpu.sem_alloc : memref<!tpu.dma_semaphore, #tpu.memory_space<semaphore_mem>>
      %dma_start3A_74 = arith.constant 0 : i32
      %dma_start3A_75 = tpu.memref_slice %arg10[%add3A_12, %dma_start3A_74] : memref<10240x128xf32, #tpu.memory_space<vmem_shared>> -> memref<128x128xf32, #tpu.memory_space<vmem_shared>>
      %dma_start3A_76 = arith.constant 0 : i32
      %dma_start3A_77 = tpu.memref_slice %arg10[%add3A_12, %dma_start3A_76] : memref<10240x128xf32, #tpu.memory_space<vmem_shared>> -> memref<128x128xf32, #tpu.memory_space<vmem_shared>>
      tpu.enqueue_dma source(%arg8 : memref<128x128xf32, #tpu.memory_space<vmem>>) target(%dma_start3A_77 : memref<128x128xf32, #tpu.memory_space<vmem_shared>>) target_semaphore(%run_scoped3A_73 : memref<!tpu.dma_semaphore, #tpu.memory_space<semaphore_mem>>)
      %dma_wait3A_78 = arith.constant 0 : i32
      %dma_wait3A_79 = tpu.memref_slice %arg10[%add3A_12, %dma_wait3A_78] : memref<10240x128xf32, #tpu.memory_space<vmem_shared>> -> memref<128x128xf32, #tpu.memory_space<vmem_shared>>
      %dma_wait3A_80 = arith.constant 0 : i32
      %dma_wait3A_81 = tpu.memref_slice %arg10[%add3A_12, %dma_wait3A_80] : memref<10240x128xf32, #tpu.memory_space<vmem_shared>> -> memref<128x128xf32, #tpu.memory_space<vmem_shared>>
      tpu.wait_dma2 semaphore(%run_scoped3A_73 : memref<!tpu.dma_semaphore, #tpu.memory_space<semaphore_mem>>) src(%arg8 : memref<128x128xf32, #tpu.memory_space<vmem>>) dst(%dma_wait3A_81 : memref<128x128xf32, #tpu.memory_space<vmem_shared>>)
      tpu.yield
    }) : () -> ()
    %add3A_13 = arith.constant 512 : i32
    %add3A_14 = arith.addi %mul3A_5, %add3A_13 : i32
    "tpu.region"() ({
      %run_scoped3A_73 = tpu.sem_alloc : memref<!tpu.dma_semaphore, #tpu.memory_space<semaphore_mem>>
      %dma_start3A_74 = arith.constant 0 : i32
      %dma_start3A_75 = tpu.memref_slice %arg10[%add3A_14, %dma_start3A_74] : memref<10240x128xf32, #tpu.memory_space<vmem_shared>> -> memref<128x128xf32, #tpu.memory_space<vmem_shared>>
      %dma_start3A_76 = arith.constant 0 : i32
      %dma_start3A_77 = tpu.memref_slice %arg10[%add3A_14, %dma_start3A_76] : memref<10240x128xf32, #tpu.memory_space<vmem_shared>> -> memref<128x128xf32, #tpu.memory_space<vmem_shared>>
      tpu.enqueue_dma source(%arg8 : memref<128x128xf32, #tpu.memory_space<vmem>>) target(%dma_start3A_77 : memref<128x128xf32, #tpu.memory_space<vmem_shared>>) target_semaphore(%run_scoped3A_73 : memref<!tpu.dma_semaphore, #tpu.memory_space<semaphore_mem>>)
      %dma_wait3A_78 = arith.constant 0 : i32
      %dma_wait3A_79 = tpu.memref_slice %arg10[%add3A_14, %dma_wait3A_78] : memref<10240x128xf32, #tpu.memory_space<vmem_shared>> -> memref<128x128xf32, #tpu.memory_space<vmem_shared>>
      %dma_wait3A_80 = arith.constant 0 : i32
      %dma_wait3A_81 = tpu.memref_slice %arg10[%add3A_14, %dma_wait3A_80] : memref<10240x128xf32, #tpu.memory_space<vmem_shared>> -> memref<128x128xf32, #tpu.memory_space<vmem_shared>>
      tpu.wait_dma2 semaphore(%run_scoped3A_73 : memref<!tpu.dma_semaphore, #tpu.memory_space<semaphore_mem>>) src(%arg8 : memref<128x128xf32, #tpu.memory_space<vmem>>) dst(%dma_wait3A_81 : memref<128x128xf32, #tpu.memory_space<vmem_shared>>)
      tpu.yield
    }) : () -> ()
    %barrier3A = arith.constant 0 : index
    tpu.barrier barrier_id(%barrier3A)
    %run_scoped3A = arith.constant 0 : i32
    "tpu.region"() ({
      %run_scoped3A_73 = tpu.sem_alloc : memref<!tpu.dma_semaphore, #tpu.memory_space<semaphore_mem>>
      %dma_start3A_74 = arith.constant 0 : i32
      %dma_start3A_75 = tpu.memref_slice %arg3[%arg0, %arg1, %run_scoped3A, %dma_start3A_74] : memref<2x16x2x5120xi32, #tpu.memory_space<hbm>> -> memref<1x1x1x5120xi32, #tpu.memory_space<hbm>>
      %dma_start3A_76 = tpu.memref_squeeze %dma_start3A_75 : memref<1x1x1x5120xi32, #tpu.memory_space<hbm>> -> memref<5120xi32, #tpu.memory_space<hbm>>
      %dma_start3A_77 = arith.constant 0 : i32
      %dma_start3A_78 = tpu.memref_slice %arg3[%arg0, %arg1, %run_scoped3A, %dma_start3A_77] : memref<2x16x2x5120xi32, #tpu.memory_space<hbm>> -> memref<1x1x1x5120xi32, #tpu.memory_space<hbm>>
      %dma_start3A_79 = tpu.memref_squeeze %dma_start3A_78 : memref<1x1x1x5120xi32, #tpu.memory_space<hbm>> -> memref<5120xi32, #tpu.memory_space<hbm>>
      tpu.enqueue_dma source(%dma_start3A_79 : memref<5120xi32, #tpu.memory_space<hbm>>) target(%arg6 : memref<5120xi32, #tpu.memory_space<vmem>>) target_semaphore(%run_scoped3A_73 : memref<!tpu.dma_semaphore, #tpu.memory_space<semaphore_mem>>)
      %dma_wait3A_80 = arith.constant 0 : i32
      %dma_wait3A_81 = tpu.memref_slice %arg3[%arg0, %arg1, %run_scoped3A, %dma_wait3A_80] : memref<2x16x2x5120xi32, #tpu.memory_space<hbm>> -> memref<1x1x1x5120xi32, #tpu.memory_space<hbm>>
      %dma_wait3A_82 = tpu.memref_squeeze %dma_wait3A_81 : memref<1x1x1x5120xi32, #tpu.memory_space<hbm>> -> memref<5120xi32, #tpu.memory_space<hbm>>
      %dma_wait3A_83 = arith.constant 0 : i32
      %dma_wait3A_84 = tpu.memref_slice %arg3[%arg0, %arg1, %run_scoped3A, %dma_wait3A_83] : memref<2x16x2x5120xi32, #tpu.memory_space<hbm>> -> memref<1x1x1x5120xi32, #tpu.memory_space<hbm>>
      %dma_wait3A_85 = tpu.memref_squeeze %dma_wait3A_84 : memref<1x1x1x5120xi32, #tpu.memory_space<hbm>> -> memref<5120xi32, #tpu.memory_space<hbm>>
      tpu.wait_dma2 semaphore(%run_scoped3A_73 : memref<!tpu.dma_semaphore, #tpu.memory_space<semaphore_mem>>) src(%dma_wait3A_85 : memref<5120xi32, #tpu.memory_space<hbm>>) dst(%arg6 : memref<5120xi32, #tpu.memory_space<vmem>>)
      tpu.yield
    }) : () -> ()
    %run_scoped3A_15 = arith.constant 0 : i32
    "tpu.region"() ({
      %run_scoped3A_73 = tpu.sem_alloc : memref<!tpu.dma_semaphore, #tpu.memory_space<semaphore_mem>>
      %dma_start3A_74 = arith.constant 0 : i32
      %dma_start3A_75 = arith.constant 0 : i32
      %dma_start3A_76 = tpu.memref_slice %arg4[%arg0, %arg1, %run_scoped3A_15, %dma_start3A_74, %dma_start3A_75] : memref<2x16x2x40x128xi32, #tpu.memory_space<hbm>> -> memref<1x1x1x40x128xi32, #tpu.memory_space<hbm>>
      %dma_start3A_77 = tpu.memref_squeeze %dma_start3A_76 : memref<1x1x1x40x128xi32, #tpu.memory_space<hbm>> -> memref<40x128xi32, #tpu.memory_space<hbm>>
      %dma_start3A_78 = arith.constant 0 : i32
      %dma_start3A_79 = arith.constant 0 : i32
      %dma_start3A_80 = tpu.memref_slice %arg4[%arg0, %arg1, %run_scoped3A_15, %dma_start3A_78, %dma_start3A_79] : memref<2x16x2x40x128xi32, #tpu.memory_space<hbm>> -> memref<1x1x1x40x128xi32, #tpu.memory_space<hbm>>
      %dma_start3A_81 = tpu.memref_squeeze %dma_start3A_80 : memref<1x1x1x40x128xi32, #tpu.memory_space<hbm>> -> memref<40x128xi32, #tpu.memory_space<hbm>>
      tpu.enqueue_dma source(%dma_start3A_81 : memref<40x128xi32, #tpu.memory_space<hbm>>) target(%arg7 : memref<40x128xi32, #tpu.memory_space<vmem>>) target_semaphore(%run_scoped3A_73 : memref<!tpu.dma_semaphore, #tpu.memory_space<semaphore_mem>>)
      %dma_wait3A_82 = arith.constant 0 : i32
      %dma_wait3A_83 = arith.constant 0 : i32
      %dma_wait3A_84 = tpu.memref_slice %arg4[%arg0, %arg1, %run_scoped3A_15, %dma_wait3A_82, %dma_wait3A_83] : memref<2x16x2x40x128xi32, #tpu.memory_space<hbm>> -> memref<1x1x1x40x128xi32, #tpu.memory_space<hbm>>
      %dma_wait3A_85 = tpu.memref_squeeze %dma_wait3A_84 : memref<1x1x1x40x128xi32, #tpu.memory_space<hbm>> -> memref<40x128xi32, #tpu.memory_space<hbm>>
      %dma_wait3A_86 = arith.constant 0 : i32
      %dma_wait3A_87 = arith.constant 0 : i32
      %dma_wait3A_88 = tpu.memref_slice %arg4[%arg0, %arg1, %run_scoped3A_15, %dma_wait3A_86, %dma_wait3A_87] : memref<2x16x2x40x128xi32, #tpu.memory_space<hbm>> -> memref<1x1x1x40x128xi32, #tpu.memory_space<hbm>>
      %dma_wait3A_89 = tpu.memref_squeeze %dma_wait3A_88 : memref<1x1x1x40x128xi32, #tpu.memory_space<hbm>> -> memref<40x128xi32, #tpu.memory_space<hbm>>
      tpu.wait_dma2 semaphore(%run_scoped3A_73 : memref<!tpu.dma_semaphore, #tpu.memory_space<semaphore_mem>>) src(%dma_wait3A_89 : memref<40x128xi32, #tpu.memory_space<hbm>>) dst(%arg7 : memref<40x128xi32, #tpu.memory_space<vmem>>)
      tpu.yield
    }) : () -> ()
    %dma_start3A = arith.constant 0 : i32
    %dma_start3A_16 = tpu.memref_slice %arg6[%dma_start3A] : memref<5120xi32, #tpu.memory_space<vmem>> -> memref<128xi32, #tpu.memory_space<vmem>>
    %dma_start3A_17 = arith.constant 0 : i32
    %dma_start3A_18 = arith.constant 0 : i32
    %dma_start3A_19 = tpu.memref_slice %arg2[%dma_start3A_17, %dma_start3A_18] : memref<10000x128xf32, #tpu.memory_space<hbm>> -> memref<10000x128xf32, #tpu.memory_space<hbm>>
    tpu.enqueue_indirect_dma source(%dma_start3A_19 : memref<10000x128xf32, #tpu.memory_space<hbm>>) target(%arg8 : memref<128x128xf32, #tpu.memory_space<vmem>>) offsets(%dma_start3A_16 : memref<128xi32, #tpu.memory_space<vmem>>) semaphore(%arg11 : memref<!tpu.dma_semaphore, #tpu.memory_space<semaphore_mem>>)
    %dma_start3A_20 = arith.constant 128 : i32
    %dma_start3A_21 = tpu.memref_slice %arg6[%dma_start3A_20] : memref<5120xi32, #tpu.memory_space<vmem>> -> memref<128xi32, #tpu.memory_space<vmem>>
    %dma_start3A_22 = arith.constant 0 : i32
    %dma_start3A_23 = arith.constant 0 : i32
    %dma_start3A_24 = tpu.memref_slice %arg2[%dma_start3A_22, %dma_start3A_23] : memref<10000x128xf32, #tpu.memory_space<hbm>> -> memref<10000x128xf32, #tpu.memory_space<hbm>>
    tpu.enqueue_indirect_dma source(%dma_start3A_24 : memref<10000x128xf32, #tpu.memory_space<hbm>>) target(%arg9 : memref<128x128xf32, #tpu.memory_space<vmem>>) offsets(%dma_start3A_21 : memref<128xi32, #tpu.memory_space<vmem>>) semaphore(%arg12 : memref<!tpu.dma_semaphore, #tpu.memory_space<semaphore_mem>>)
    %scan3A_25 = arith.constant 0 : i32
    %scan3A_26 = arith.constant 0 : i32
    %scan3A_27 = arith.constant 19 : i32
    %scan3A_28 = arith.addi %scan3A_26, %scan3A_27 : i32
    %scan3A_29 = arith.constant 1 : i32
    scf.for %scan3A_73 = %scan3A_26 to %scan3A_28 step %scan3A_29  : i32 {
      %mul3A_74 = arith.constant 2 : i32
      %mul3A_75 = arith.muli %mul3A_74, %scan3A_73 : i32
      %mul3A_76 = arith.constant 128 : i32
      %mul3A_77 = arith.muli %mul3A_75, %mul3A_76 : i32
      %dma_wait3A_78 = tpu.memref_slice %arg6[%mul3A_77] : memref<5120xi32, #tpu.memory_space<vmem>> -> memref<128xi32, #tpu.memory_space<vmem>>
      %dma_wait3A_79 = arith.constant 0 : i32
      %dma_wait3A_80 = arith.constant 0 : i32
      %dma_wait3A_81 = tpu.memref_slice %arg2[%dma_wait3A_79, %dma_wait3A_80] : memref<10000x128xf32, #tpu.memory_space<hbm>> -> memref<10000x128xf32, #tpu.memory_space<hbm>>
      tpu.wait_indirect_dma semaphore(%arg11 : memref<!tpu.dma_semaphore, #tpu.memory_space<semaphore_mem>>) src(%dma_wait3A_81 : memref<10000x128xf32, #tpu.memory_space<hbm>>) dst(%arg8 : memref<128x128xf32, #tpu.memory_space<vmem>>)
      "tpu.region"() ({
        %run_scoped3A_108 = tpu.sem_alloc : memref<!tpu.dma_semaphore, #tpu.memory_space<semaphore_mem>>
        %dma_start3A_109 = arith.constant 0 : i32
        %dma_start3A_110 = tpu.memref_slice %arg7[%mul3A_75, %dma_start3A_109] : memref<40x128xi32, #tpu.memory_space<vmem>> -> memref<1x128xi32, #tpu.memory_space<vmem>>
        %dma_start3A_111 = tpu.memref_squeeze %dma_start3A_110 : memref<1x128xi32, #tpu.memory_space<vmem>> -> memref<128xi32, #tpu.memory_space<vmem>>
        %dma_start3A_112 = arith.constant 0 : i32
        %dma_start3A_113 = arith.constant 0 : i32
        %dma_start3A_114 = tpu.memref_slice %arg10[%dma_start3A_112, %dma_start3A_113] : memref<10240x128xf32, #tpu.memory_space<vmem_shared>> -> memref<10240x128xf32, #tpu.memory_space<vmem_shared>>
        tpu.enqueue_indirect_dma source(%arg8 : memref<128x128xf32, #tpu.memory_space<vmem>>) target(%dma_start3A_114 : memref<10240x128xf32, #tpu.memory_space<vmem_shared>>) offsets(%dma_start3A_111 : memref<128xi32, #tpu.memory_space<vmem>>) semaphore(%run_scoped3A_108 : memref<!tpu.dma_semaphore, #tpu.memory_space<semaphore_mem>>) {add = true}
        %dma_wait3A_115 = arith.constant 0 : i32
        %dma_wait3A_116 = tpu.memref_slice %arg7[%mul3A_75, %dma_wait3A_115] : memref<40x128xi32, #tpu.memory_space<vmem>> -> memref<1x128xi32, #tpu.memory_space<vmem>>
        %dma_wait3A_117 = tpu.memref_squeeze %dma_wait3A_116 : memref<1x128xi32, #tpu.memory_space<vmem>> -> memref<128xi32, #tpu.memory_space<vmem>>
        %dma_wait3A_118 = arith.constant 0 : i32
        %dma_wait3A_119 = arith.constant 0 : i32
        %dma_wait3A_120 = tpu.memref_slice %arg10[%dma_wait3A_118, %dma_wait3A_119] : memref<10240x128xf32, #tpu.memory_space<vmem_shared>> -> memref<10240x128xf32, #tpu.memory_space<vmem_shared>>
        tpu.wait_indirect_dma semaphore(%run_scoped3A_108 : memref<!tpu.dma_semaphore, #tpu.memory_space<semaphore_mem>>) src(%arg8 : memref<128x128xf32, #tpu.memory_space<vmem>>) dst(%dma_wait3A_120 : memref<10240x128xf32, #tpu.memory_space<vmem_shared>>)
        tpu.yield
      }) : () -> ()
      %add3A_82 = arith.constant 2 : i32
      %add3A_83 = arith.addi %mul3A_75, %add3A_82 : i32
      %mul3A_84 = arith.constant 128 : i32
      %mul3A_85 = arith.muli %add3A_83, %mul3A_84 : i32
      %dma_start3A_86 = tpu.memref_slice %arg6[%mul3A_85] : memref<5120xi32, #tpu.memory_space<vmem>> -> memref<128xi32, #tpu.memory_space<vmem>>
      %dma_start3A_87 = arith.constant 0 : i32
      %dma_start3A_88 = arith.constant 0 : i32
      %dma_start3A_89 = tpu.memref_slice %arg2[%dma_start3A_87, %dma_start3A_88] : memref<10000x128xf32, #tpu.memory_space<hbm>> -> memref<10000x128xf32, #tpu.memory_space<hbm>>
      tpu.enqueue_indirect_dma source(%dma_start3A_89 : memref<10000x128xf32, #tpu.memory_space<hbm>>) target(%arg8 : memref<128x128xf32, #tpu.memory_space<vmem>>) offsets(%dma_start3A_86 : memref<128xi32, #tpu.memory_space<vmem>>) semaphore(%arg11 : memref<!tpu.dma_semaphore, #tpu.memory_space<semaphore_mem>>)
      %add3A_90 = arith.constant 1 : i32
      %add3A_91 = arith.addi %mul3A_75, %add3A_90 : i32
      %mul3A_92 = arith.constant 128 : i32
      %mul3A_93 = arith.muli %add3A_91, %mul3A_92 : i32
      %dma_wait3A_94 = tpu.memref_slice %arg6[%mul3A_93] : memref<5120xi32, #tpu.memory_space<vmem>> -> memref<128xi32, #tpu.memory_space<vmem>>
      %dma_wait3A_95 = arith.constant 0 : i32
      %dma_wait3A_96 = arith.constant 0 : i32
      %dma_wait3A_97 = tpu.memref_slice %arg2[%dma_wait3A_95, %dma_wait3A_96] : memref<10000x128xf32, #tpu.memory_space<hbm>> -> memref<10000x128xf32, #tpu.memory_space<hbm>>
      tpu.wait_indirect_dma semaphore(%arg12 : memref<!tpu.dma_semaphore, #tpu.memory_space<semaphore_mem>>) src(%dma_wait3A_97 : memref<10000x128xf32, #tpu.memory_space<hbm>>) dst(%arg9 : memref<128x128xf32, #tpu.memory_space<vmem>>)
      %add3A_98 = arith.constant 1 : i32
      %add3A_99 = arith.addi %mul3A_75, %add3A_98 : i32
      "tpu.region"() ({
        %run_scoped3A_108 = tpu.sem_alloc : memref<!tpu.dma_semaphore, #tpu.memory_space<semaphore_mem>>
        %dma_start3A_109 = arith.constant 0 : i32
        %dma_start3A_110 = tpu.memref_slice %arg7[%add3A_99, %dma_start3A_109] : memref<40x128xi32, #tpu.memory_space<vmem>> -> memref<1x128xi32, #tpu.memory_space<vmem>>
        %dma_start3A_111 = tpu.memref_squeeze %dma_start3A_110 : memref<1x128xi32, #tpu.memory_space<vmem>> -> memref<128xi32, #tpu.memory_space<vmem>>
        %dma_start3A_112 = arith.constant 0 : i32
        %dma_start3A_113 = arith.constant 0 : i32
        %dma_start3A_114 = tpu.memref_slice %arg10[%dma_start3A_112, %dma_start3A_113] : memref<10240x128xf32, #tpu.memory_space<vmem_shared>> -> memref<10240x128xf32, #tpu.memory_space<vmem_shared>>
        tpu.enqueue_indirect_dma source(%arg9 : memref<128x128xf32, #tpu.memory_space<vmem>>) target(%dma_start3A_114 : memref<10240x128xf32, #tpu.memory_space<vmem_shared>>) offsets(%dma_start3A_111 : memref<128xi32, #tpu.memory_space<vmem>>) semaphore(%run_scoped3A_108 : memref<!tpu.dma_semaphore, #tpu.memory_space<semaphore_mem>>) {add = true}
        %dma_wait3A_115 = arith.constant 0 : i32
        %dma_wait3A_116 = tpu.memref_slice %arg7[%add3A_99, %dma_wait3A_115] : memref<40x128xi32, #tpu.memory_space<vmem>> -> memref<1x128xi32, #tpu.memory_space<vmem>>
        %dma_wait3A_117 = tpu.memref_squeeze %dma_wait3A_116 : memref<1x128xi32, #tpu.memory_space<vmem>> -> memref<128xi32, #tpu.memory_space<vmem>>
        %dma_wait3A_118 = arith.constant 0 : i32
        %dma_wait3A_119 = arith.constant 0 : i32
        %dma_wait3A_120 = tpu.memref_slice %arg10[%dma_wait3A_118, %dma_wait3A_119] : memref<10240x128xf32, #tpu.memory_space<vmem_shared>> -> memref<10240x128xf32, #tpu.memory_space<vmem_shared>>
        tpu.wait_indirect_dma semaphore(%run_scoped3A_108 : memref<!tpu.dma_semaphore, #tpu.memory_space<semaphore_mem>>) src(%arg9 : memref<128x128xf32, #tpu.memory_space<vmem>>) dst(%dma_wait3A_120 : memref<10240x128xf32, #tpu.memory_space<vmem_shared>>)
        tpu.yield
      }) : () -> ()
      %add3A_100 = arith.constant 3 : i32
      %add3A_101 = arith.addi %mul3A_75, %add3A_100 : i32
      %mul3A_102 = arith.constant 128 : i32
      %mul3A_103 = arith.muli %add3A_101, %mul3A_102 : i32
      %dma_start3A_104 = tpu.memref_slice %arg6[%mul3A_103] : memref<5120xi32, #tpu.memory_space<vmem>> -> memref<128xi32, #tpu.memory_space<vmem>>
      %dma_start3A_105 = arith.constant 0 : i32
      %dma_start3A_106 = arith.constant 0 : i32
      %dma_start3A_107 = tpu.memref_slice %arg2[%dma_start3A_105, %dma_start3A_106] : memref<10000x128xf32, #tpu.memory_space<hbm>> -> memref<10000x128xf32, #tpu.memory_space<hbm>>
      tpu.enqueue_indirect_dma source(%dma_start3A_107 : memref<10000x128xf32, #tpu.memory_space<hbm>>) target(%arg9 : memref<128x128xf32, #tpu.memory_space<vmem>>) offsets(%dma_start3A_104 : memref<128xi32, #tpu.memory_space<vmem>>) semaphore(%arg12 : memref<!tpu.dma_semaphore, #tpu.memory_space<semaphore_mem>>)
    }
    %scan3A_30 = arith.constant 19 : i32
    %dma_wait3A = arith.constant 4864 : i32
    %dma_wait3A_31 = tpu.memref_slice %arg6[%dma_wait3A] : memref<5120xi32, #tpu.memory_space<vmem>> -> memref<128xi32, #tpu.memory_space<vmem>>
    %dma_wait3A_32 = arith.constant 0 : i32
    %dma_wait3A_33 = arith.constant 0 : i32
    %dma_wait3A_34 = tpu.memref_slice %arg2[%dma_wait3A_32, %dma_wait3A_33] : memref<10000x128xf32, #tpu.memory_space<hbm>> -> memref<10000x128xf32, #tpu.memory_space<hbm>>
    tpu.wait_indirect_dma semaphore(%arg11 : memref<!tpu.dma_semaphore, #tpu.memory_space<semaphore_mem>>) src(%dma_wait3A_34 : memref<10000x128xf32, #tpu.memory_space<hbm>>) dst(%arg8 : memref<128x128xf32, #tpu.memory_space<vmem>>)
    %run_scoped3A_35 = arith.constant 38 : i32
    "tpu.region"() ({
      %run_scoped3A_73 = tpu.sem_alloc : memref<!tpu.dma_semaphore, #tpu.memory_space<semaphore_mem>>
      %dma_start3A_74 = arith.constant 0 : i32
      %dma_start3A_75 = tpu.memref_slice %arg7[%run_scoped3A_35, %dma_start3A_74] : memref<40x128xi32, #tpu.memory_space<vmem>> -> memref<1x128xi32, #tpu.memory_space<vmem>>
      %dma_start3A_76 = tpu.memref_squeeze %dma_start3A_75 : memref<1x128xi32, #tpu.memory_space<vmem>> -> memref<128xi32, #tpu.memory_space<vmem>>
      %dma_start3A_77 = arith.constant 0 : i32
      %dma_start3A_78 = arith.constant 0 : i32
      %dma_start3A_79 = tpu.memref_slice %arg10[%dma_start3A_77, %dma_start3A_78] : memref<10240x128xf32, #tpu.memory_space<vmem_shared>> -> memref<10240x128xf32, #tpu.memory_space<vmem_shared>>
      tpu.enqueue_indirect_dma source(%arg8 : memref<128x128xf32, #tpu.memory_space<vmem>>) target(%dma_start3A_79 : memref<10240x128xf32, #tpu.memory_space<vmem_shared>>) offsets(%dma_start3A_76 : memref<128xi32, #tpu.memory_space<vmem>>) semaphore(%run_scoped3A_73 : memref<!tpu.dma_semaphore, #tpu.memory_space<semaphore_mem>>) {add = true}
      %dma_wait3A_80 = arith.constant 0 : i32
      %dma_wait3A_81 = tpu.memref_slice %arg7[%run_scoped3A_35, %dma_wait3A_80] : memref<40x128xi32, #tpu.memory_space<vmem>> -> memref<1x128xi32, #tpu.memory_space<vmem>>
      %dma_wait3A_82 = tpu.memref_squeeze %dma_wait3A_81 : memref<1x128xi32, #tpu.memory_space<vmem>> -> memref<128xi32, #tpu.memory_space<vmem>>
      %dma_wait3A_83 = arith.constant 0 : i32
      %dma_wait3A_84 = arith.constant 0 : i32
      %dma_wait3A_85 = tpu.memref_slice %arg10[%dma_wait3A_83, %dma_wait3A_84] : memref<10240x128xf32, #tpu.memory_space<vmem_shared>> -> memref<10240x128xf32, #tpu.memory_space<vmem_shared>>
      tpu.wait_indirect_dma semaphore(%run_scoped3A_73 : memref<!tpu.dma_semaphore, #tpu.memory_space<semaphore_mem>>) src(%arg8 : memref<128x128xf32, #tpu.memory_space<vmem>>) dst(%dma_wait3A_85 : memref<10240x128xf32, #tpu.memory_space<vmem_shared>>)
      tpu.yield
    }) : () -> ()
    %dma_wait3A_36 = arith.constant 4992 : i32
    %dma_wait3A_37 = tpu.memref_slice %arg6[%dma_wait3A_36] : memref<5120xi32, #tpu.memory_space<vmem>> -> memref<128xi32, #tpu.memory_space<vmem>>
    %dma_wait3A_38 = arith.constant 0 : i32
    %dma_wait3A_39 = arith.constant 0 : i32
    %dma_wait3A_40 = tpu.memref_slice %arg2[%dma_wait3A_38, %dma_wait3A_39] : memref<10000x128xf32, #tpu.memory_space<hbm>> -> memref<10000x128xf32, #tpu.memory_space<hbm>>
    tpu.wait_indirect_dma semaphore(%arg12 : memref<!tpu.dma_semaphore, #tpu.memory_space<semaphore_mem>>) src(%dma_wait3A_40 : memref<10000x128xf32, #tpu.memory_space<hbm>>) dst(%arg9 : memref<128x128xf32, #tpu.memory_space<vmem>>)
    %run_scoped3A_41 = arith.constant 39 : i32
    "tpu.region"() ({
      %run_scoped3A_73 = tpu.sem_alloc : memref<!tpu.dma_semaphore, #tpu.memory_space<semaphore_mem>>
      %dma_start3A_74 = arith.constant 0 : i32
      %dma_start3A_75 = tpu.memref_slice %arg7[%run_scoped3A_41, %dma_start3A_74] : memref<40x128xi32, #tpu.memory_space<vmem>> -> memref<1x128xi32, #tpu.memory_space<vmem>>
      %dma_start3A_76 = tpu.memref_squeeze %dma_start3A_75 : memref<1x128xi32, #tpu.memory_space<vmem>> -> memref<128xi32, #tpu.memory_space<vmem>>
      %dma_start3A_77 = arith.constant 0 : i32
      %dma_start3A_78 = arith.constant 0 : i32
      %dma_start3A_79 = tpu.memref_slice %arg10[%dma_start3A_77, %dma_start3A_78] : memref<10240x128xf32, #tpu.memory_space<vmem_shared>> -> memref<10240x128xf32, #tpu.memory_space<vmem_shared>>
      tpu.enqueue_indirect_dma source(%arg9 : memref<128x128xf32, #tpu.memory_space<vmem>>) target(%dma_start3A_79 : memref<10240x128xf32, #tpu.memory_space<vmem_shared>>) offsets(%dma_start3A_76 : memref<128xi32, #tpu.memory_space<vmem>>) semaphore(%run_scoped3A_73 : memref<!tpu.dma_semaphore, #tpu.memory_space<semaphore_mem>>) {add = true}
      %dma_wait3A_80 = arith.constant 0 : i32
      %dma_wait3A_81 = tpu.memref_slice %arg7[%run_scoped3A_41, %dma_wait3A_80] : memref<40x128xi32, #tpu.memory_space<vmem>> -> memref<1x128xi32, #tpu.memory_space<vmem>>
      %dma_wait3A_82 = tpu.memref_squeeze %dma_wait3A_81 : memref<1x128xi32, #tpu.memory_space<vmem>> -> memref<128xi32, #tpu.memory_space<vmem>>
      %dma_wait3A_83 = arith.constant 0 : i32
      %dma_wait3A_84 = arith.constant 0 : i32
      %dma_wait3A_85 = tpu.memref_slice %arg10[%dma_wait3A_83, %dma_wait3A_84] : memref<10240x128xf32, #tpu.memory_space<vmem_shared>> -> memref<10240x128xf32, #tpu.memory_space<vmem_shared>>
      tpu.wait_indirect_dma semaphore(%run_scoped3A_73 : memref<!tpu.dma_semaphore, #tpu.memory_space<semaphore_mem>>) src(%arg9 : memref<128x128xf32, #tpu.memory_space<vmem>>) dst(%dma_wait3A_85 : memref<10240x128xf32, #tpu.memory_space<vmem_shared>>)
      tpu.yield
    }) : () -> ()
    %run_scoped3A_42 = arith.constant 1 : i32
    "tpu.region"() ({
      %run_scoped3A_73 = tpu.sem_alloc : memref<!tpu.dma_semaphore, #tpu.memory_space<semaphore_mem>>
      %dma_start3A_74 = arith.constant 0 : i32
      %dma_start3A_75 = tpu.memref_slice %arg3[%arg0, %arg1, %run_scoped3A_42, %dma_start3A_74] : memref<2x16x2x5120xi32, #tpu.memory_space<hbm>> -> memref<1x1x1x5120xi32, #tpu.memory_space<hbm>>
      %dma_start3A_76 = tpu.memref_squeeze %dma_start3A_75 : memref<1x1x1x5120xi32, #tpu.memory_space<hbm>> -> memref<5120xi32, #tpu.memory_space<hbm>>
      %dma_start3A_77 = arith.constant 0 : i32
      %dma_start3A_78 = tpu.memref_slice %arg3[%arg0, %arg1, %run_scoped3A_42, %dma_start3A_77] : memref<2x16x2x5120xi32, #tpu.memory_space<hbm>> -> memref<1x1x1x5120xi32, #tpu.memory_space<hbm>>
      %dma_start3A_79 = tpu.memref_squeeze %dma_start3A_78 : memref<1x1x1x5120xi32, #tpu.memory_space<hbm>> -> memref<5120xi32, #tpu.memory_space<hbm>>
      tpu.enqueue_dma source(%dma_start3A_79 : memref<5120xi32, #tpu.memory_space<hbm>>) target(%arg6 : memref<5120xi32, #tpu.memory_space<vmem>>) target_semaphore(%run_scoped3A_73 : memref<!tpu.dma_semaphore, #tpu.memory_space<semaphore_mem>>)
      %dma_wait3A_80 = arith.constant 0 : i32
      %dma_wait3A_81 = tpu.memref_slice %arg3[%arg0, %arg1, %run_scoped3A_42, %dma_wait3A_80] : memref<2x16x2x5120xi32, #tpu.memory_space<hbm>> -> memref<1x1x1x5120xi32, #tpu.memory_space<hbm>>
      %dma_wait3A_82 = tpu.memref_squeeze %dma_wait3A_81 : memref<1x1x1x5120xi32, #tpu.memory_space<hbm>> -> memref<5120xi32, #tpu.memory_space<hbm>>
      %dma_wait3A_83 = arith.constant 0 : i32
      %dma_wait3A_84 = tpu.memref_slice %arg3[%arg0, %arg1, %run_scoped3A_42, %dma_wait3A_83] : memref<2x16x2x5120xi32, #tpu.memory_space<hbm>> -> memref<1x1x1x5120xi32, #tpu.memory_space<hbm>>
      %dma_wait3A_85 = tpu.memref_squeeze %dma_wait3A_84 : memref<1x1x1x5120xi32, #tpu.memory_space<hbm>> -> memref<5120xi32, #tpu.memory_space<hbm>>
      tpu.wait_dma2 semaphore(%run_scoped3A_73 : memref<!tpu.dma_semaphore, #tpu.memory_space<semaphore_mem>>) src(%dma_wait3A_85 : memref<5120xi32, #tpu.memory_space<hbm>>) dst(%arg6 : memref<5120xi32, #tpu.memory_space<vmem>>)
      tpu.yield
    }) : () -> ()
    %run_scoped3A_43 = arith.constant 1 : i32
    "tpu.region"() ({
      %run_scoped3A_73 = tpu.sem_alloc : memref<!tpu.dma_semaphore, #tpu.memory_space<semaphore_mem>>
      %dma_start3A_74 = arith.constant 0 : i32
      %dma_start3A_75 = arith.constant 0 : i32
      %dma_start3A_76 = tpu.memref_slice %arg4[%arg0, %arg1, %run_scoped3A_43, %dma_start3A_74, %dma_start3A_75] : memref<2x16x2x40x128xi32, #tpu.memory_space<hbm>> -> memref<1x1x1x40x128xi32, #tpu.memory_space<hbm>>
      %dma_start3A_77 = tpu.memref_squeeze %dma_start3A_76 : memref<1x1x1x40x128xi32, #tpu.memory_space<hbm>> -> memref<40x128xi32, #tpu.memory_space<hbm>>
      %dma_start3A_78 = arith.constant 0 : i32
      %dma_start3A_79 = arith.constant 0 : i32
      %dma_start3A_80 = tpu.memref_slice %arg4[%arg0, %arg1, %run_scoped3A_43, %dma_start3A_78, %dma_start3A_79] : memref<2x16x2x40x128xi32, #tpu.memory_space<hbm>> -> memref<1x1x1x40x128xi32, #tpu.memory_space<hbm>>
      %dma_start3A_81 = tpu.memref_squeeze %dma_start3A_80 : memref<1x1x1x40x128xi32, #tpu.memory_space<hbm>> -> memref<40x128xi32, #tpu.memory_space<hbm>>
      tpu.enqueue_dma source(%dma_start3A_81 : memref<40x128xi32, #tpu.memory_space<hbm>>) target(%arg7 : memref<40x128xi32, #tpu.memory_space<vmem>>) target_semaphore(%run_scoped3A_73 : memref<!tpu.dma_semaphore, #tpu.memory_space<semaphore_mem>>)
      %dma_wait3A_82 = arith.constant 0 : i32
      %dma_wait3A_83 = arith.constant 0 : i32
      %dma_wait3A_84 = tpu.memref_slice %arg4[%arg0, %arg1, %run_scoped3A_43, %dma_wait3A_82, %dma_wait3A_83] : memref<2x16x2x40x128xi32, #tpu.memory_space<hbm>> -> memref<1x1x1x40x128xi32, #tpu.memory_space<hbm>>
      %dma_wait3A_85 = tpu.memref_squeeze %dma_wait3A_84 : memref<1x1x1x40x128xi32, #tpu.memory_space<hbm>> -> memref<40x128xi32, #tpu.memory_space<hbm>>
      %dma_wait3A_86 = arith.constant 0 : i32
      %dma_wait3A_87 = arith.constant 0 : i32
      %dma_wait3A_88 = tpu.memref_slice %arg4[%arg0, %arg1, %run_scoped3A_43, %dma_wait3A_86, %dma_wait3A_87] : memref<2x16x2x40x128xi32, #tpu.memory_space<hbm>> -> memref<1x1x1x40x128xi32, #tpu.memory_space<hbm>>
      %dma_wait3A_89 = tpu.memref_squeeze %dma_wait3A_88 : memref<1x1x1x40x128xi32, #tpu.memory_space<hbm>> -> memref<40x128xi32, #tpu.memory_space<hbm>>
      tpu.wait_dma2 semaphore(%run_scoped3A_73 : memref<!tpu.dma_semaphore, #tpu.memory_space<semaphore_mem>>) src(%dma_wait3A_89 : memref<40x128xi32, #tpu.memory_space<hbm>>) dst(%arg7 : memref<40x128xi32, #tpu.memory_space<vmem>>)
      tpu.yield
    }) : () -> ()
    %dma_start3A_44 = arith.constant 0 : i32
    %dma_start3A_45 = tpu.memref_slice %arg6[%dma_start3A_44] : memref<5120xi32, #tpu.memory_space<vmem>> -> memref<128xi32, #tpu.memory_space<vmem>>
    %dma_start3A_46 = arith.constant 0 : i32
    %dma_start3A_47 = arith.constant 0 : i32
    %dma_start3A_48 = tpu.memref_slice %arg2[%dma_start3A_46, %dma_start3A_47] : memref<10000x128xf32, #tpu.memory_space<hbm>> -> memref<10000x128xf32, #tpu.memory_space<hbm>>
    tpu.enqueue_indirect_dma source(%dma_start3A_48 : memref<10000x128xf32, #tpu.memory_space<hbm>>) target(%arg8 : memref<128x128xf32, #tpu.memory_space<vmem>>) offsets(%dma_start3A_45 : memref<128xi32, #tpu.memory_space<vmem>>) semaphore(%arg11 : memref<!tpu.dma_semaphore, #tpu.memory_space<semaphore_mem>>)
    %dma_start3A_49 = arith.constant 128 : i32
    %dma_start3A_50 = tpu.memref_slice %arg6[%dma_start3A_49] : memref<5120xi32, #tpu.memory_space<vmem>> -> memref<128xi32, #tpu.memory_space<vmem>>
    %dma_start3A_51 = arith.constant 0 : i32
    %dma_start3A_52 = arith.constant 0 : i32
    %dma_start3A_53 = tpu.memref_slice %arg2[%dma_start3A_51, %dma_start3A_52] : memref<10000x128xf32, #tpu.memory_space<hbm>> -> memref<10000x128xf32, #tpu.memory_space<hbm>>
    tpu.enqueue_indirect_dma source(%dma_start3A_53 : memref<10000x128xf32, #tpu.memory_space<hbm>>) target(%arg9 : memref<128x128xf32, #tpu.memory_space<vmem>>) offsets(%dma_start3A_50 : memref<128xi32, #tpu.memory_space<vmem>>) semaphore(%arg12 : memref<!tpu.dma_semaphore, #tpu.memory_space<semaphore_mem>>)
    %scan3A_54 = arith.constant 0 : i32
    %scan3A_55 = arith.constant 0 : i32
    %scan3A_56 = arith.constant 19 : i32
    %scan3A_57 = arith.addi %scan3A_55, %scan3A_56 : i32
    %scan3A_58 = arith.constant 1 : i32
    scf.for %scan3A_73 = %scan3A_55 to %scan3A_57 step %scan3A_58  : i32 {
      %mul3A_74 = arith.constant 2 : i32
      %mul3A_75 = arith.muli %mul3A_74, %scan3A_73 : i32
      %mul3A_76 = arith.constant 128 : i32
      %mul3A_77 = arith.muli %mul3A_75, %mul3A_76 : i32
      %dma_wait3A_78 = tpu.memref_slice %arg6[%mul3A_77] : memref<5120xi32, #tpu.memory_space<vmem>> -> memref<128xi32, #tpu.memory_space<vmem>>
      %dma_wait3A_79 = arith.constant 0 : i32
      %dma_wait3A_80 = arith.constant 0 : i32
      %dma_wait3A_81 = tpu.memref_slice %arg2[%dma_wait3A_79, %dma_wait3A_80] : memref<10000x128xf32, #tpu.memory_space<hbm>> -> memref<10000x128xf32, #tpu.memory_space<hbm>>
      tpu.wait_indirect_dma semaphore(%arg11 : memref<!tpu.dma_semaphore, #tpu.memory_space<semaphore_mem>>) src(%dma_wait3A_81 : memref<10000x128xf32, #tpu.memory_space<hbm>>) dst(%arg8 : memref<128x128xf32, #tpu.memory_space<vmem>>)
      "tpu.region"() ({
        %run_scoped3A_108 = tpu.sem_alloc : memref<!tpu.dma_semaphore, #tpu.memory_space<semaphore_mem>>
        %dma_start3A_109 = arith.constant 0 : i32
        %dma_start3A_110 = tpu.memref_slice %arg7[%mul3A_75, %dma_start3A_109] : memref<40x128xi32, #tpu.memory_space<vmem>> -> memref<1x128xi32, #tpu.memory_space<vmem>>
        %dma_start3A_111 = tpu.memref_squeeze %dma_start3A_110 : memref<1x128xi32, #tpu.memory_space<vmem>> -> memref<128xi32, #tpu.memory_space<vmem>>
        %dma_start3A_112 = arith.constant 0 : i32
        %dma_start3A_113 = arith.constant 0 : i32
        %dma_start3A_114 = tpu.memref_slice %arg10[%dma_start3A_112, %dma_start3A_113] : memref<10240x128xf32, #tpu.memory_space<vmem_shared>> -> memref<10240x128xf32, #tpu.memory_space<vmem_shared>>
        tpu.enqueue_indirect_dma source(%arg8 : memref<128x128xf32, #tpu.memory_space<vmem>>) target(%dma_start3A_114 : memref<10240x128xf32, #tpu.memory_space<vmem_shared>>) offsets(%dma_start3A_111 : memref<128xi32, #tpu.memory_space<vmem>>) semaphore(%run_scoped3A_108 : memref<!tpu.dma_semaphore, #tpu.memory_space<semaphore_mem>>) {add = true}
        %dma_wait3A_115 = arith.constant 0 : i32
        %dma_wait3A_116 = tpu.memref_slice %arg7[%mul3A_75, %dma_wait3A_115] : memref<40x128xi32, #tpu.memory_space<vmem>> -> memref<1x128xi32, #tpu.memory_space<vmem>>
        %dma_wait3A_117 = tpu.memref_squeeze %dma_wait3A_116 : memref<1x128xi32, #tpu.memory_space<vmem>> -> memref<128xi32, #tpu.memory_space<vmem>>
        %dma_wait3A_118 = arith.constant 0 : i32
        %dma_wait3A_119 = arith.constant 0 : i32
        %dma_wait3A_120 = tpu.memref_slice %arg10[%dma_wait3A_118, %dma_wait3A_119] : memref<10240x128xf32, #tpu.memory_space<vmem_shared>> -> memref<10240x128xf32, #tpu.memory_space<vmem_shared>>
        tpu.wait_indirect_dma semaphore(%run_scoped3A_108 : memref<!tpu.dma_semaphore, #tpu.memory_space<semaphore_mem>>) src(%arg8 : memref<128x128xf32, #tpu.memory_space<vmem>>) dst(%dma_wait3A_120 : memref<10240x128xf32, #tpu.memory_space<vmem_shared>>)
        tpu.yield
      }) : () -> ()
      %add3A_82 = arith.constant 2 : i32
      %add3A_83 = arith.addi %mul3A_75, %add3A_82 : i32
      %mul3A_84 = arith.constant 128 : i32
      %mul3A_85 = arith.muli %add3A_83, %mul3A_84 : i32
      %dma_start3A_86 = tpu.memref_slice %arg6[%mul3A_85] : memref<5120xi32, #tpu.memory_space<vmem>> -> memref<128xi32, #tpu.memory_space<vmem>>
      %dma_start3A_87 = arith.constant 0 : i32
      %dma_start3A_88 = arith.constant 0 : i32
      %dma_start3A_89 = tpu.memref_slice %arg2[%dma_start3A_87, %dma_start3A_88] : memref<10000x128xf32, #tpu.memory_space<hbm>> -> memref<10000x128xf32, #tpu.memory_space<hbm>>
      tpu.enqueue_indirect_dma source(%dma_start3A_89 : memref<10000x128xf32, #tpu.memory_space<hbm>>) target(%arg8 : memref<128x128xf32, #tpu.memory_space<vmem>>) offsets(%dma_start3A_86 : memref<128xi32, #tpu.memory_space<vmem>>) semaphore(%arg11 : memref<!tpu.dma_semaphore, #tpu.memory_space<semaphore_mem>>)
      %add3A_90 = arith.constant 1 : i32
      %add3A_91 = arith.addi %mul3A_75, %add3A_90 : i32
      %mul3A_92 = arith.constant 128 : i32
      %mul3A_93 = arith.muli %add3A_91, %mul3A_92 : i32
      %dma_wait3A_94 = tpu.memref_slice %arg6[%mul3A_93] : memref<5120xi32, #tpu.memory_space<vmem>> -> memref<128xi32, #tpu.memory_space<vmem>>
      %dma_wait3A_95 = arith.constant 0 : i32
      %dma_wait3A_96 = arith.constant 0 : i32
      %dma_wait3A_97 = tpu.memref_slice %arg2[%dma_wait3A_95, %dma_wait3A_96] : memref<10000x128xf32, #tpu.memory_space<hbm>> -> memref<10000x128xf32, #tpu.memory_space<hbm>>
      tpu.wait_indirect_dma semaphore(%arg12 : memref<!tpu.dma_semaphore, #tpu.memory_space<semaphore_mem>>) src(%dma_wait3A_97 : memref<10000x128xf32, #tpu.memory_space<hbm>>) dst(%arg9 : memref<128x128xf32, #tpu.memory_space<vmem>>)
      %add3A_98 = arith.constant 1 : i32
      %add3A_99 = arith.addi %mul3A_75, %add3A_98 : i32
      "tpu.region"() ({
        %run_scoped3A_108 = tpu.sem_alloc : memref<!tpu.dma_semaphore, #tpu.memory_space<semaphore_mem>>
        %dma_start3A_109 = arith.constant 0 : i32
        %dma_start3A_110 = tpu.memref_slice %arg7[%add3A_99, %dma_start3A_109] : memref<40x128xi32, #tpu.memory_space<vmem>> -> memref<1x128xi32, #tpu.memory_space<vmem>>
        %dma_start3A_111 = tpu.memref_squeeze %dma_start3A_110 : memref<1x128xi32, #tpu.memory_space<vmem>> -> memref<128xi32, #tpu.memory_space<vmem>>
        %dma_start3A_112 = arith.constant 0 : i32
        %dma_start3A_113 = arith.constant 0 : i32
        %dma_start3A_114 = tpu.memref_slice %arg10[%dma_start3A_112, %dma_start3A_113] : memref<10240x128xf32, #tpu.memory_space<vmem_shared>> -> memref<10240x128xf32, #tpu.memory_space<vmem_shared>>
        tpu.enqueue_indirect_dma source(%arg9 : memref<128x128xf32, #tpu.memory_space<vmem>>) target(%dma_start3A_114 : memref<10240x128xf32, #tpu.memory_space<vmem_shared>>) offsets(%dma_start3A_111 : memref<128xi32, #tpu.memory_space<vmem>>) semaphore(%run_scoped3A_108 : memref<!tpu.dma_semaphore, #tpu.memory_space<semaphore_mem>>) {add = true}
        %dma_wait3A_115 = arith.constant 0 : i32
        %dma_wait3A_116 = tpu.memref_slice %arg7[%add3A_99, %dma_wait3A_115] : memref<40x128xi32, #tpu.memory_space<vmem>> -> memref<1x128xi32, #tpu.memory_space<vmem>>
        %dma_wait3A_117 = tpu.memref_squeeze %dma_wait3A_116 : memref<1x128xi32, #tpu.memory_space<vmem>> -> memref<128xi32, #tpu.memory_space<vmem>>
        %dma_wait3A_118 = arith.constant 0 : i32
        %dma_wait3A_119 = arith.constant 0 : i32
        %dma_wait3A_120 = tpu.memref_slice %arg10[%dma_wait3A_118, %dma_wait3A_119] : memref<10240x128xf32, #tpu.memory_space<vmem_shared>> -> memref<10240x128xf32, #tpu.memory_space<vmem_shared>>
        tpu.wait_indirect_dma semaphore(%run_scoped3A_108 : memref<!tpu.dma_semaphore, #tpu.memory_space<semaphore_mem>>) src(%arg9 : memref<128x128xf32, #tpu.memory_space<vmem>>) dst(%dma_wait3A_120 : memref<10240x128xf32, #tpu.memory_space<vmem_shared>>)
        tpu.yield
      }) : () -> ()
      %add3A_100 = arith.constant 3 : i32
      %add3A_101 = arith.addi %mul3A_75, %add3A_100 : i32
      %mul3A_102 = arith.constant 128 : i32
      %mul3A_103 = arith.muli %add3A_101, %mul3A_102 : i32
      %dma_start3A_104 = tpu.memref_slice %arg6[%mul3A_103] : memref<5120xi32, #tpu.memory_space<vmem>> -> memref<128xi32, #tpu.memory_space<vmem>>
      %dma_start3A_105 = arith.constant 0 : i32
      %dma_start3A_106 = arith.constant 0 : i32
      %dma_start3A_107 = tpu.memref_slice %arg2[%dma_start3A_105, %dma_start3A_106] : memref<10000x128xf32, #tpu.memory_space<hbm>> -> memref<10000x128xf32, #tpu.memory_space<hbm>>
      tpu.enqueue_indirect_dma source(%dma_start3A_107 : memref<10000x128xf32, #tpu.memory_space<hbm>>) target(%arg9 : memref<128x128xf32, #tpu.memory_space<vmem>>) offsets(%dma_start3A_104 : memref<128xi32, #tpu.memory_space<vmem>>) semaphore(%arg12 : memref<!tpu.dma_semaphore, #tpu.memory_space<semaphore_mem>>)
    }
    %scan3A_59 = arith.constant 19 : i32
    %dma_wait3A_60 = arith.constant 4864 : i32
    %dma_wait3A_61 = tpu.memref_slice %arg6[%dma_wait3A_60] : memref<5120xi32, #tpu.memory_space<vmem>> -> memref<128xi32, #tpu.memory_space<vmem>>
    %dma_wait3A_62 = arith.constant 0 : i32
    %dma_wait3A_63 = arith.constant 0 : i32
    %dma_wait3A_64 = tpu.memref_slice %arg2[%dma_wait3A_62, %dma_wait3A_63] : memref<10000x128xf32, #tpu.memory_space<hbm>> -> memref<10000x128xf32, #tpu.memory_space<hbm>>
    tpu.wait_indirect_dma semaphore(%arg11 : memref<!tpu.dma_semaphore, #tpu.memory_space<semaphore_mem>>) src(%dma_wait3A_64 : memref<10000x128xf32, #tpu.memory_space<hbm>>) dst(%arg8 : memref<128x128xf32, #tpu.memory_space<vmem>>)
    %run_scoped3A_65 = arith.constant 38 : i32
    "tpu.region"() ({
      %run_scoped3A_73 = tpu.sem_alloc : memref<!tpu.dma_semaphore, #tpu.memory_space<semaphore_mem>>
      %dma_start3A_74 = arith.constant 0 : i32
      %dma_start3A_75 = tpu.memref_slice %arg7[%run_scoped3A_65, %dma_start3A_74] : memref<40x128xi32, #tpu.memory_space<vmem>> -> memref<1x128xi32, #tpu.memory_space<vmem>>
      %dma_start3A_76 = tpu.memref_squeeze %dma_start3A_75 : memref<1x128xi32, #tpu.memory_space<vmem>> -> memref<128xi32, #tpu.memory_space<vmem>>
      %dma_start3A_77 = arith.constant 0 : i32
      %dma_start3A_78 = arith.constant 0 : i32
      %dma_start3A_79 = tpu.memref_slice %arg10[%dma_start3A_77, %dma_start3A_78] : memref<10240x128xf32, #tpu.memory_space<vmem_shared>> -> memref<10240x128xf32, #tpu.memory_space<vmem_shared>>
      tpu.enqueue_indirect_dma source(%arg8 : memref<128x128xf32, #tpu.memory_space<vmem>>) target(%dma_start3A_79 : memref<10240x128xf32, #tpu.memory_space<vmem_shared>>) offsets(%dma_start3A_76 : memref<128xi32, #tpu.memory_space<vmem>>) semaphore(%run_scoped3A_73 : memref<!tpu.dma_semaphore, #tpu.memory_space<semaphore_mem>>) {add = true}
      %dma_wait3A_80 = arith.constant 0 : i32
      %dma_wait3A_81 = tpu.memref_slice %arg7[%run_scoped3A_65, %dma_wait3A_80] : memref<40x128xi32, #tpu.memory_space<vmem>> -> memref<1x128xi32, #tpu.memory_space<vmem>>
      %dma_wait3A_82 = tpu.memref_squeeze %dma_wait3A_81 : memref<1x128xi32, #tpu.memory_space<vmem>> -> memref<128xi32, #tpu.memory_space<vmem>>
      %dma_wait3A_83 = arith.constant 0 : i32
      %dma_wait3A_84 = arith.constant 0 : i32
      %dma_wait3A_85 = tpu.memref_slice %arg10[%dma_wait3A_83, %dma_wait3A_84] : memref<10240x128xf32, #tpu.memory_space<vmem_shared>> -> memref<10240x128xf32, #tpu.memory_space<vmem_shared>>
      tpu.wait_indirect_dma semaphore(%run_scoped3A_73 : memref<!tpu.dma_semaphore, #tpu.memory_space<semaphore_mem>>) src(%arg8 : memref<128x128xf32, #tpu.memory_space<vmem>>) dst(%dma_wait3A_85 : memref<10240x128xf32, #tpu.memory_space<vmem_shared>>)
      tpu.yield
    }) : () -> ()
    %dma_wait3A_66 = arith.constant 4992 : i32
    %dma_wait3A_67 = tpu.memref_slice %arg6[%dma_wait3A_66] : memref<5120xi32, #tpu.memory_space<vmem>> -> memref<128xi32, #tpu.memory_space<vmem>>
    %dma_wait3A_68 = arith.constant 0 : i32
    %dma_wait3A_69 = arith.constant 0 : i32
    %dma_wait3A_70 = tpu.memref_slice %arg2[%dma_wait3A_68, %dma_wait3A_69] : memref<10000x128xf32, #tpu.memory_space<hbm>> -> memref<10000x128xf32, #tpu.memory_space<hbm>>
    tpu.wait_indirect_dma semaphore(%arg12 : memref<!tpu.dma_semaphore, #tpu.memory_space<semaphore_mem>>) src(%dma_wait3A_70 : memref<10000x128xf32, #tpu.memory_space<hbm>>) dst(%arg9 : memref<128x128xf32, #tpu.memory_space<vmem>>)
    %run_scoped3A_71 = arith.constant 39 : i32
    "tpu.region"() ({
      %run_scoped3A_73 = tpu.sem_alloc : memref<!tpu.dma_semaphore, #tpu.memory_space<semaphore_mem>>
      %dma_start3A_74 = arith.constant 0 : i32
      %dma_start3A_75 = tpu.memref_slice %arg7[%run_scoped3A_71, %dma_start3A_74] : memref<40x128xi32, #tpu.memory_space<vmem>> -> memref<1x128xi32, #tpu.memory_space<vmem>>
      %dma_start3A_76 = tpu.memref_squeeze %dma_start3A_75 : memref<1x128xi32, #tpu.memory_space<vmem>> -> memref<128xi32, #tpu.memory_space<vmem>>
      %dma_start3A_77 = arith.constant 0 : i32
      %dma_start3A_78 = arith.constant 0 : i32
      %dma_start3A_79 = tpu.memref_slice %arg10[%dma_start3A_77, %dma_start3A_78] : memref<10240x128xf32, #tpu.memory_space<vmem_shared>> -> memref<10240x128xf32, #tpu.memory_space<vmem_shared>>
      tpu.enqueue_indirect_dma source(%arg9 : memref<128x128xf32, #tpu.memory_space<vmem>>) target(%dma_start3A_79 : memref<10240x128xf32, #tpu.memory_space<vmem_shared>>) offsets(%dma_start3A_76 : memref<128xi32, #tpu.memory_space<vmem>>) semaphore(%run_scoped3A_73 : memref<!tpu.dma_semaphore, #tpu.memory_space<semaphore_mem>>) {add = true}
      %dma_wait3A_80 = arith.constant 0 : i32
      %dma_wait3A_81 = tpu.memref_slice %arg7[%run_scoped3A_71, %dma_wait3A_80] : memref<40x128xi32, #tpu.memory_space<vmem>> -> memref<1x128xi32, #tpu.memory_space<vmem>>
      %dma_wait3A_82 = tpu.memref_squeeze %dma_wait3A_81 : memref<1x128xi32, #tpu.memory_space<vmem>> -> memref<128xi32, #tpu.memory_space<vmem>>
      %dma_wait3A_83 = arith.constant 0 : i32
      %dma_wait3A_84 = arith.constant 0 : i32
      %dma_wait3A_85 = tpu.memref_slice %arg10[%dma_wait3A_83, %dma_wait3A_84] : memref<10240x128xf32, #tpu.memory_space<vmem_shared>> -> memref<10240x128xf32, #tpu.memory_space<vmem_shared>>
      tpu.wait_indirect_dma semaphore(%run_scoped3A_73 : memref<!tpu.dma_semaphore, #tpu.memory_space<semaphore_mem>>) src(%arg9 : memref<128x128xf32, #tpu.memory_space<vmem>>) dst(%dma_wait3A_85 : memref<10240x128xf32, #tpu.memory_space<vmem_shared>>)
      tpu.yield
    }) : () -> ()
    %barrier3A_72 = arith.constant 0 : index
    tpu.barrier barrier_id(%barrier3A_72)
    "tpu.region"() ({
      %run_scoped3A_73 = tpu.sem_alloc : memref<!tpu.dma_semaphore, #tpu.memory_space<semaphore_mem>>
      %dma_start3A_74 = arith.constant 0 : i32
      %dma_start3A_75 = tpu.memref_slice %arg5[%arg0, %mul3A_5, %dma_start3A_74] : memref<2x10240x128xf32, #tpu.memory_space<hbm>> -> memref<1x640x128xf32, #tpu.memory_space<hbm>>
      %dma_start3A_76 = tpu.memref_squeeze %dma_start3A_75 : memref<1x640x128xf32, #tpu.memory_space<hbm>> -> memref<640x128xf32, #tpu.memory_space<hbm>>
      %dma_start3A_77 = arith.constant 0 : i32
      %dma_start3A_78 = tpu.memref_slice %arg10[%mul3A_5, %dma_start3A_77] : memref<10240x128xf32, #tpu.memory_space<vmem_shared>> -> memref<640x128xf32, #tpu.memory_space<vmem_shared>>
      tpu.enqueue_dma source(%dma_start3A_78 : memref<640x128xf32, #tpu.memory_space<vmem_shared>>) target(%dma_start3A_76 : memref<640x128xf32, #tpu.memory_space<hbm>>) target_semaphore(%run_scoped3A_73 : memref<!tpu.dma_semaphore, #tpu.memory_space<semaphore_mem>>)
      %dma_wait3A_79 = arith.constant 0 : i32
      %dma_wait3A_80 = tpu.memref_slice %arg5[%arg0, %mul3A_5, %dma_wait3A_79] : memref<2x10240x128xf32, #tpu.memory_space<hbm>> -> memref<1x640x128xf32, #tpu.memory_space<hbm>>
      %dma_wait3A_81 = tpu.memref_squeeze %dma_wait3A_80 : memref<1x640x128xf32, #tpu.memory_space<hbm>> -> memref<640x128xf32, #tpu.memory_space<hbm>>
      %dma_wait3A_82 = arith.constant 0 : i32
      %dma_wait3A_83 = tpu.memref_slice %arg10[%mul3A_5, %dma_wait3A_82] : memref<10240x128xf32, #tpu.memory_space<vmem_shared>> -> memref<640x128xf32, #tpu.memory_space<vmem_shared>>
      tpu.wait_dma2 semaphore(%run_scoped3A_73 : memref<!tpu.dma_semaphore, #tpu.memory_space<semaphore_mem>>) src(%dma_wait3A_83 : memref<640x128xf32, #tpu.memory_space<vmem_shared>>) dst(%dma_wait3A_81 : memref<640x128xf32, #tpu.memory_space<hbm>>)
      tpu.yield
    }) : () -> ()
    return
  }
}

module attributes {stable_mosaic.version = 14 : i64} {
  func.func @_mlp_body(%arg0: memref<10000x128xf32, #tpu.memory_space<vmem>>, %arg1: memref<2x10240x128xf32, #tpu.memory_space<vmem>>, %arg2: memref<1x1xf32, #tpu.memory_space<vmem>>, %arg3: memref<128x128xf32, #tpu.memory_space<vmem>>, %arg4: memref<1x128xf32, #tpu.memory_space<vmem>>, %arg5: memref<1x128xf32, #tpu.memory_space<vmem>>, %arg6: memref<1x128xf32, #tpu.memory_space<vmem>>, %arg7: memref<128x128xf32, #tpu.memory_space<vmem>>, %arg8: memref<1x128xf32, #tpu.memory_space<vmem>>, %arg9: memref<1x128xf32, #tpu.memory_space<vmem>>, %arg10: memref<1x128xf32, #tpu.memory_space<vmem>>, %arg11: memref<10000x128xf32, #tpu.memory_space<vmem>>) attributes {dimension_semantics = [], scalar_prefetch = 0 : i64, scratch_operands = 0 : i64, tpu.core_type = #tpu.core_type<tc>} {
    %get3A = arith.constant 0 : index
    %get3A_0 = arith.constant 0 : index
    %get3A_1 = vector.load %arg2[%get3A, %get3A_0] : memref<1x1xf32, #tpu.memory_space<vmem>>, vector<1x1xf32>
    %get3A_2 = vector.extract %get3A_1[0, 0] : f32 from vector<1x1xf32>
    %add3A = arith.constant 1.000000e+00 : f32
    %add3A_3 = arith.addf %add3A, %get3A_2 : f32
    %get3A_4 = arith.constant 0 : index
    %get3A_5 = arith.constant 0 : index
    %get3A_6 = vector.load %arg0[%get3A_4, %get3A_5] : memref<10000x128xf32, #tpu.memory_space<vmem>>, vector<10000x128xf32>
    %mul3A = vector.broadcast %add3A_3 : f32 to vector<10000x128xf32>
    %mul3A_7 = arith.mulf %mul3A, %get3A_6 : vector<10000x128xf32>
    %get3A_8 = arith.constant 0 : index
    %get3A_9 = arith.constant 0 : index
    %get3A_10 = arith.constant 0 : index
    %get3A_11 = vector.load %arg1[%get3A_8, %get3A_9, %get3A_10] : memref<2x10240x128xf32, #tpu.memory_space<vmem>>, vector<1x10000x128xf32>
    %get3A_12 = vector.shape_cast %get3A_11 : vector<1x10000x128xf32> to vector<10000x128xf32>
    %add3A_13 = arith.addf %mul3A_7, %get3A_12 : vector<10000x128xf32>
    %get3A_14 = arith.constant 1 : index
    %get3A_15 = arith.constant 0 : index
    %get3A_16 = arith.constant 0 : index
    %get3A_17 = vector.load %arg1[%get3A_14, %get3A_15, %get3A_16] : memref<2x10240x128xf32, #tpu.memory_space<vmem>>, vector<1x10000x128xf32>
    %get3A_18 = vector.shape_cast %get3A_17 : vector<1x10000x128xf32> to vector<10000x128xf32>
    %add3A_19 = arith.addf %add3A_13, %get3A_18 : vector<10000x128xf32>
    %get3A_20 = arith.constant 0 : index
    %get3A_21 = arith.constant 0 : index
    %get3A_22 = vector.load %arg3[%get3A_20, %get3A_21] : memref<128x128xf32, #tpu.memory_space<vmem>>, vector<128x128xf32>
    %dot_general3A = arith.constant dense<0.000000e+00> : vector<10000x128xf32>
    %dot_general3A_23 = tpu.matmul %add3A_19, %get3A_22, %dot_general3A {dimension_numbers = #tpu.dot_dimension_numbers<[1], [0], [0], [1], [0, 0, 1, 1], [], []>, transpose_lhs_hint = false} : vector<10000x128xf32>, vector<128x128xf32>, vector<10000x128xf32> -> vector<10000x128xf32>
    %get3A_24 = arith.constant 0 : index
    %get3A_25 = arith.constant 0 : index
    %get3A_26 = vector.load %arg4[%get3A_24, %get3A_25] : memref<1x128xf32, #tpu.memory_space<vmem>>, vector<1x128xf32>
    %add3A_27 = vector.broadcast %get3A_26 : vector<1x128xf32> to vector<10000x128xf32>
    %add3A_28 = arith.addf %dot_general3A_23, %add3A_27 : vector<10000x128xf32>
    %max3A = arith.constant 0.000000e+00 : f32
    %max3A_29 = vector.broadcast %max3A : f32 to vector<10000x128xf32>
    %max3A_30 = arith.maximumf %add3A_28, %max3A_29 : vector<10000x128xf32>
    %reduce_sum3A = arith.constant dense<0.000000e+00> : vector<128xf32>
    %reduce_sum3A_31 = vector.multi_reduction <add>, %max3A_30, %reduce_sum3A [0] : vector<10000x128xf32> to vector<128xf32>
    %broadcast_in_dim3A = vector.shape_cast %reduce_sum3A_31 : vector<128xf32> to vector<1x128xf32>
    %div3A = arith.constant 1.000000e+04 : f32
    %div3A_32 = vector.broadcast %div3A : f32 to vector<1x128xf32>
    %div3A_33 = arith.divf %broadcast_in_dim3A, %div3A_32 : vector<1x128xf32>
    %sub3A = vector.broadcast %div3A_33 : vector<1x128xf32> to vector<10000x128xf32>
    %sub3A_34 = arith.subf %max3A_30, %sub3A : vector<10000x128xf32>
    %integer_pow3A = arith.mulf %sub3A_34, %sub3A_34 : vector<10000x128xf32>
    %reduce_sum3A_35 = arith.constant dense<0.000000e+00> : vector<128xf32>
    %reduce_sum3A_36 = vector.multi_reduction <add>, %integer_pow3A, %reduce_sum3A_35 [0] : vector<10000x128xf32> to vector<128xf32>
    %broadcast_in_dim3A_37 = vector.shape_cast %reduce_sum3A_36 : vector<128xf32> to vector<1x128xf32>
    %div3A_38 = arith.constant 1.000000e+04 : f32
    %div3A_39 = vector.broadcast %div3A_38 : f32 to vector<1x128xf32>
    %div3A_40 = arith.divf %broadcast_in_dim3A_37, %div3A_39 : vector<1x128xf32>
    %get3A_41 = arith.constant 0 : index
    %get3A_42 = arith.constant 0 : index
    %get3A_43 = vector.load %arg5[%get3A_41, %get3A_42] : memref<1x128xf32, #tpu.memory_space<vmem>>, vector<1x128xf32>
    %sub3A_44 = vector.broadcast %div3A_33 : vector<1x128xf32> to vector<10000x128xf32>
    %sub3A_45 = arith.subf %max3A_30, %sub3A_44 : vector<10000x128xf32>
    %mul3A_46 = vector.broadcast %get3A_43 : vector<1x128xf32> to vector<10000x128xf32>
    %mul3A_47 = arith.mulf %mul3A_46, %sub3A_45 : vector<10000x128xf32>
    %add3A_48 = arith.constant 9.99999974E-6 : f32
    %add3A_49 = vector.broadcast %add3A_48 : f32 to vector<1x128xf32>
    %add3A_50 = arith.addf %div3A_40, %add3A_49 : vector<1x128xf32>
    %rsqrt3A = math.rsqrt %add3A_50 : vector<1x128xf32>
    %mul3A_51 = vector.broadcast %rsqrt3A : vector<1x128xf32> to vector<10000x128xf32>
    %mul3A_52 = arith.mulf %mul3A_47, %mul3A_51 : vector<10000x128xf32>
    %get3A_53 = arith.constant 0 : index
    %get3A_54 = arith.constant 0 : index
    %get3A_55 = vector.load %arg6[%get3A_53, %get3A_54] : memref<1x128xf32, #tpu.memory_space<vmem>>, vector<1x128xf32>
    %add3A_56 = vector.broadcast %get3A_55 : vector<1x128xf32> to vector<10000x128xf32>
    %add3A_57 = arith.addf %mul3A_52, %add3A_56 : vector<10000x128xf32>
    %get3A_58 = arith.constant 0 : index
    %get3A_59 = arith.constant 0 : index
    %get3A_60 = vector.load %arg7[%get3A_58, %get3A_59] : memref<128x128xf32, #tpu.memory_space<vmem>>, vector<128x128xf32>
    %dot_general3A_61 = arith.constant dense<0.000000e+00> : vector<10000x128xf32>
    %dot_general3A_62 = tpu.matmul %add3A_57, %get3A_60, %dot_general3A_61 {dimension_numbers = #tpu.dot_dimension_numbers<[1], [0], [0], [1], [0, 0, 1, 1], [], []>, transpose_lhs_hint = false} : vector<10000x128xf32>, vector<128x128xf32>, vector<10000x128xf32> -> vector<10000x128xf32>
    %get3A_63 = arith.constant 0 : index
    %get3A_64 = arith.constant 0 : index
    %get3A_65 = vector.load %arg8[%get3A_63, %get3A_64] : memref<1x128xf32, #tpu.memory_space<vmem>>, vector<1x128xf32>
    %add3A_66 = vector.broadcast %get3A_65 : vector<1x128xf32> to vector<10000x128xf32>
    %add3A_67 = arith.addf %dot_general3A_62, %add3A_66 : vector<10000x128xf32>
    %max3A_68 = arith.constant 0.000000e+00 : f32
    %max3A_69 = vector.broadcast %max3A_68 : f32 to vector<10000x128xf32>
    %max3A_70 = arith.maximumf %add3A_67, %max3A_69 : vector<10000x128xf32>
    %reduce_sum3A_71 = arith.constant dense<0.000000e+00> : vector<128xf32>
    %reduce_sum3A_72 = vector.multi_reduction <add>, %max3A_70, %reduce_sum3A_71 [0] : vector<10000x128xf32> to vector<128xf32>
    %broadcast_in_dim3A_73 = vector.shape_cast %reduce_sum3A_72 : vector<128xf32> to vector<1x128xf32>
    %div3A_74 = arith.constant 1.000000e+04 : f32
    %div3A_75 = vector.broadcast %div3A_74 : f32 to vector<1x128xf32>
    %div3A_76 = arith.divf %broadcast_in_dim3A_73, %div3A_75 : vector<1x128xf32>
    %sub3A_77 = vector.broadcast %div3A_76 : vector<1x128xf32> to vector<10000x128xf32>
    %sub3A_78 = arith.subf %max3A_70, %sub3A_77 : vector<10000x128xf32>
    %integer_pow3A_79 = arith.mulf %sub3A_78, %sub3A_78 : vector<10000x128xf32>
    %reduce_sum3A_80 = arith.constant dense<0.000000e+00> : vector<128xf32>
    %reduce_sum3A_81 = vector.multi_reduction <add>, %integer_pow3A_79, %reduce_sum3A_80 [0] : vector<10000x128xf32> to vector<128xf32>
    %broadcast_in_dim3A_82 = vector.shape_cast %reduce_sum3A_81 : vector<128xf32> to vector<1x128xf32>
    %div3A_83 = arith.constant 1.000000e+04 : f32
    %div3A_84 = vector.broadcast %div3A_83 : f32 to vector<1x128xf32>
    %div3A_85 = arith.divf %broadcast_in_dim3A_82, %div3A_84 : vector<1x128xf32>
    %get3A_86 = arith.constant 0 : index
    %get3A_87 = arith.constant 0 : index
    %get3A_88 = vector.load %arg9[%get3A_86, %get3A_87] : memref<1x128xf32, #tpu.memory_space<vmem>>, vector<1x128xf32>
    %sub3A_89 = vector.broadcast %div3A_76 : vector<1x128xf32> to vector<10000x128xf32>
    %sub3A_90 = arith.subf %max3A_70, %sub3A_89 : vector<10000x128xf32>
    %mul3A_91 = vector.broadcast %get3A_88 : vector<1x128xf32> to vector<10000x128xf32>
    %mul3A_92 = arith.mulf %mul3A_91, %sub3A_90 : vector<10000x128xf32>
    %add3A_93 = arith.constant 9.99999974E-6 : f32
    %add3A_94 = vector.broadcast %add3A_93 : f32 to vector<1x128xf32>
    %add3A_95 = arith.addf %div3A_85, %add3A_94 : vector<1x128xf32>
    %rsqrt3A_96 = math.rsqrt %add3A_95 : vector<1x128xf32>
    %mul3A_97 = vector.broadcast %rsqrt3A_96 : vector<1x128xf32> to vector<10000x128xf32>
    %mul3A_98 = arith.mulf %mul3A_92, %mul3A_97 : vector<10000x128xf32>
    %get3A_99 = arith.constant 0 : index
    %get3A_100 = arith.constant 0 : index
    %get3A_101 = vector.load %arg10[%get3A_99, %get3A_100] : memref<1x128xf32, #tpu.memory_space<vmem>>, vector<1x128xf32>
    %add3A_102 = vector.broadcast %get3A_101 : vector<1x128xf32> to vector<10000x128xf32>
    %add3A_103 = arith.addf %mul3A_98, %add3A_102 : vector<10000x128xf32>
    %swap3A = arith.constant 0 : index
    %swap3A_104 = arith.constant 0 : index
    %swap3A_105 = vector.load %arg11[%swap3A, %swap3A_104] : memref<10000x128xf32, #tpu.memory_space<vmem>>, vector<10000x128xf32>
    tpu.vector_store %arg11[%swap3A, %swap3A_104], %add3A_103 {strides = array<i32>} : memref<10000x128xf32, #tpu.memory_space<vmem>>, vector<10000x128xf32>,
    return
  }
}

module attributes {stable_mosaic.version = 14 : i64} {
  func.func @_head_body(%arg0: memref<10000x128xf32, #tpu.memory_space<vmem>>, %arg1: memref<128x128xf32, #tpu.memory_space<vmem>>, %arg2: memref<1x128xf32, #tpu.memory_space<vmem>>, %arg3: memref<128x40xf32, #tpu.memory_space<vmem>>, %arg4: memref<1x40xf32, #tpu.memory_space<vmem>>, %arg5: memref<10000x40xf32, #tpu.memory_space<vmem>>) attributes {dimension_semantics = [], scalar_prefetch = 0 : i64, scratch_operands = 0 : i64, tpu.core_type = #tpu.core_type<tc>} {
    %get3A = arith.constant 0 : index
    %get3A_0 = arith.constant 0 : index
    %get3A_1 = vector.load %arg0[%get3A, %get3A_0] : memref<10000x128xf32, #tpu.memory_space<vmem>>, vector<10000x128xf32>
    %get3A_2 = arith.constant 0 : index
    %get3A_3 = arith.constant 0 : index
    %get3A_4 = vector.load %arg1[%get3A_2, %get3A_3] : memref<128x128xf32, #tpu.memory_space<vmem>>, vector<128x128xf32>
    %dot_general3A = arith.constant dense<0.000000e+00> : vector<10000x128xf32>
    %dot_general3A_5 = tpu.matmul %get3A_1, %get3A_4, %dot_general3A {dimension_numbers = #tpu.dot_dimension_numbers<[1], [0], [0], [1], [0, 0, 1, 1], [], []>, transpose_lhs_hint = false} : vector<10000x128xf32>, vector<128x128xf32>, vector<10000x128xf32> -> vector<10000x128xf32>
    %get3A_6 = arith.constant 0 : index
    %get3A_7 = arith.constant 0 : index
    %get3A_8 = vector.load %arg2[%get3A_6, %get3A_7] : memref<1x128xf32, #tpu.memory_space<vmem>>, vector<1x128xf32>
    %add3A = vector.broadcast %get3A_8 : vector<1x128xf32> to vector<10000x128xf32>
    %add3A_9 = arith.addf %dot_general3A_5, %add3A : vector<10000x128xf32>
    %max3A = arith.constant 0.000000e+00 : f32
    %max3A_10 = vector.broadcast %max3A : f32 to vector<10000x128xf32>
    %max3A_11 = arith.maximumf %add3A_9, %max3A_10 : vector<10000x128xf32>
    %get3A_12 = arith.constant 0 : index
    %get3A_13 = arith.constant 0 : index
    %get3A_14 = vector.load %arg3[%get3A_12, %get3A_13] : memref<128x40xf32, #tpu.memory_space<vmem>>, vector<128x40xf32>
    %dot_general3A_15 = arith.constant dense<0.000000e+00> : vector<10000x40xf32>
    %dot_general3A_16 = tpu.matmul %max3A_11, %get3A_14, %dot_general3A_15 {dimension_numbers = #tpu.dot_dimension_numbers<[1], [0], [0], [1], [0, 0, 1, 1], [], []>, transpose_lhs_hint = false} : vector<10000x128xf32>, vector<128x40xf32>, vector<10000x40xf32> -> vector<10000x40xf32>
    %get3A_17 = arith.constant 0 : index
    %get3A_18 = arith.constant 0 : index
    %get3A_19 = vector.load %arg4[%get3A_17, %get3A_18] : memref<1x40xf32, #tpu.memory_space<vmem>>, vector<1x40xf32>
    %add3A_20 = vector.broadcast %get3A_19 : vector<1x40xf32> to vector<10000x40xf32>
    %add3A_21 = arith.addf %dot_general3A_16, %add3A_20 : vector<10000x40xf32>
    %reduce_max3A = arith.constant dense<0xFF800000> : vector<10000xf32>
    %reduce_max3A_22 = vector.multi_reduction <maximumf>, %add3A_21, %reduce_max3A [1] : vector<10000x40xf32> to vector<10000xf32>
    %broadcast_in_dim3A = vector.shape_cast %reduce_max3A_22 : vector<10000xf32> to vector<10000x1xf32>
    %sub3A = vector.broadcast %broadcast_in_dim3A : vector<10000x1xf32> to vector<10000x40xf32>
    %sub3A_23 = arith.subf %add3A_21, %sub3A : vector<10000x40xf32>
    %exp3A = math.exp %sub3A_23 : vector<10000x40xf32>
    %reduce_sum3A = arith.constant dense<0.000000e+00> : vector<10000xf32>
    %reduce_sum3A_24 = vector.multi_reduction <add>, %exp3A, %reduce_sum3A [1] : vector<10000x40xf32> to vector<10000xf32>
    %broadcast_in_dim3A_25 = vector.shape_cast %reduce_sum3A_24 : vector<10000xf32> to vector<10000x1xf32>
    %log3A = math.log %broadcast_in_dim3A_25 : vector<10000x1xf32>
    %sub3A_26 = vector.broadcast %log3A : vector<10000x1xf32> to vector<10000x40xf32>
    %sub3A_27 = arith.subf %sub3A_23, %sub3A_26 : vector<10000x40xf32>
    %swap3A = arith.constant 0 : index
    %swap3A_28 = arith.constant 0 : index
    %swap3A_29 = vector.load %arg5[%swap3A, %swap3A_28] : memref<10000x40xf32, #tpu.memory_space<vmem>>, vector<10000x40xf32>
    tpu.vector_store %arg5[%swap3A, %swap3A_28], %sub3A_27 {strides = array<i32>} : memref<10000x40xf32, #tpu.memory_space<vmem>>, vector<10000x40xf32>,
    return
  }
}

</mosaic_0001>

<sc_bundles>
// kernel: kernel.12.cloned.1.call-start
scs
__scs_entry_jumppad:
0x0: {  	(pc) =	sbr.rel $0x88, $3  }
0x1: {  	(tag) =	ssettag $0x0;
	lr =	simm.s32 $0x1  }
0x2: {  	[smem:$0x3F80] =	sst lr;
	_ =	strace $0xD0000000  }
0x3: {  	_ = 	snop  }
0x4: {  	_ = 	snop  }
0x5: {  	_ = 	snop  }
0x6: {  	_ = 	snop  }
0x7: {  	_ = 	snop  }
__scs_overlays_trampoline_lowered:
0x8: {  	[smem:$0x3F8F] =	sst s0  }
0x9: {  	[smem:$0x3F90] =	sst s1  }
0xa: {  	[smem:$0x3F91] =	sst s2  }
0xb: {  	[smem:$0x3F92] =	sst s3  }
0xc: {  	[smem:$0x3F93] =	sst s4  }
0xd: {  	[smem:$0x3F94] =	sst s5  }
0xe: {  	[smem:$0x3F95] =	sst s6  }
0xf: {  	[smem:$0x3F96] =	sst s7  }
0x10: {  	[smem:$0x3F97] =	sst s8  }
0x11: {  	[smem:$0x3F98] =	sst s9;
	s0 =	simm.s32 @!p0 $0x0  }
0x12: {  	s1 =	sld [smem:$0x3F7E];
	s0 =	simm.s32 @p0 $0x1  }
0x13: {  	[smem:$0x3F99] =	sst s0;
	s0 =	simm.s32 @!p1 $0x0  }
0x14: {  	s2 =	sld [smem:$0x3F7D];
	s0 =	simm.s32 @p1 $0x1  }
0x15: {  	[smem:$0x3F9A] =	sst s0;
	s0 =	simm.s32 @!p2 $0x0  }
0x16: {  	s3 =	sld [smem:$0x3FDB];
	s0 =	simm.s32 @p2 $0x1  }
0x17: {  	s4 =	simm.s32 $0x1BF5;
	[smem:$0x3F9C] =	sst s0  }
0x18: {  	s0 =	sld [smem:$0x3F7F];
	_ =	swait.ge [sflag:s4], $0x0  }
0x19: {  	s7 =	sld [smem:$0x3F80]  }
0x1a: {  	s8 =	sadd.s32 $0xFFFFE003, lr  }
0x1b: {  	s9 =	sadd.s32 $0xFFFFFEF7, lr;
	s5 =	simm.s32 $0xFFFFFFFF;
	p2 =	slt.u32 s8, $0xFFFFF086  }
0x1c: {  	p1 =	slt.u32 s9, $0xF7A;
	s5 =	simm.s32 @!p2 $0x0  }
0x1d: {  	s5 =	simm.s32 @p1 $0x1;
	p0 =	seq.s32 s7, s2  }
0x1e: {  	s7 =	smul.u32 @!p0 $0xF7A, s2;
	p2 =	seq.s32 @!p0 s5, $0x0  }
0x1f: {  	s9 =	smul.u32 $0xF7A, s1;
	s8 =	simm.s32 @!p0 $0x1BF5;
	p2 =	por !p2, p0  }
0x20: {  	[sflag:s8] =	ssyncset.s32 @!p0 $0xFFFFF086;
	s6 =	sadd.s32 @!p0 s3, s7;
	s7 =	simm.s32 @!p0 $0x108  }
0x21: {  	s3 =	sadd.s32 s3, s9;
	s6 =	sadd.s32 @!p0 $0x88, s6;
	s7 =	simm.s32 @p2 $0x1082  }
0x22: {  	[simem:s7], [sflag:s8] =	dma.local @!p0 [hbm:s6], $0xF7A  }
0x23: {  	s9 =	sor.u32 $0xD0000000, s2;
	s6 =	simm.s32 $0x108;
	_ =	swait.ge @!p0 [sflag:s8], $0x0  }
0x24: {  	s3 =	sadd.s32 $0x88, s3;
	s6 =	simm.s32 @!p1 $0x1082;
	[sflag:s4] =	ssyncset.s32 $0xFFFFF086  }
0x25: {  	[simem:s6], [sflag:s4] =	dma.local [hbm:s3], $0xF7A  }
0x26: {  	[smem:$0x3F80] =	sst s1;
	(tag) =	ssettag s2;
	_ =	strace s9  }
0x27: {  	s1 =	sld [smem:$0x3F90]  }
0x28: {  	s2 =	sld [smem:$0x3F91]  }
0x29: {  	s4 =	sld [smem:$0x3F93]  }
0x2a: {  	p0 =	seq.s32 s5, $0x0;
	s5 =	sld [smem:$0x3F94]  }
0x2b: {  	s6 =	sld [smem:$0x3F95]  }
0x2c: {  	s7 =	sld [smem:$0x3F96]  }
0x2d: {  	s3 =	simm.s32 $0x108;
	s8 =	sld [smem:$0x3F97]  }
0x2e: {  	s3 =	simm.s32 @!p0 $0x1082;
	s9 =	sld [smem:$0x3F98]  }
0x2f: {  	lr =	sadd.s32 s0, s3;
	s0 =	sld [smem:$0x3F8F]  }
0x30: {  	s3 =	sld [smem:$0x3F92]  }
0x31: {  	[smem:$0x3F9B] =	sst s10  }
0x32: {  	s10 =	sld [smem:$0x3F99];
	_ =	sdelay $0x3  }
0x33: {  	p0 =	seq.s32 s10, $0x1;
	s10 =	sld [smem:$0x3F9B];
	_ =	sdelay $0x3  }
0x34: {  	[smem:$0x3F9B] =	sst s10  }
0x35: {  	s10 =	sld [smem:$0x3F9A];
	_ =	sdelay $0x3  }
0x36: {  	p1 =	seq.s32 s10, $0x1;
	s10 =	sld [smem:$0x3F9B];
	_ =	sdelay $0x3  }
0x37: {  	[smem:$0x3F9B] =	sst s10  }
0x38: {  	s10 =	sld [smem:$0x3F9C]  }
0x39: {  	_ = 	snop;
	(pc) =	sbr.ind lr, $3  }
0x3a: {  	_ = 	snop  }
0x3b: {  	_ = 	snop  }
0x3c: {  	p2 =	seq.s32 s10, $0x1;
	s10 =	sld [smem:$0x3F9B]  }
0x3d: {  	_ =	shalt  }
0x3e: {  	_ =	shalt  }
0x3f: {  	_ =	shalt  }
0x40: {  	_ =	shalt  }
0x41: {  	_ =	shalt  }
0x42: {  	_ =	shalt  }
0x43: {  	_ =	shalt  }
0x44: {  	_ =	shalt  }
0x45: {  	_ =	shalt  }
0x46: {  	_ =	shalt  }
0x47: {  	_ =	shalt  }
0x48: {  	_ =	shalt  }
0x49: {  	_ =	shalt  }
0x4a: {  	_ =	shalt  }
0x4b: {  	_ =	shalt  }
0x4c: {  	_ =	shalt  }
0x4d: {  	_ =	shalt  }
0x4e: {  	_ =	shalt  }
0x4f: {  	_ =	shalt  }
0x50: {  	_ =	shalt  }
0x51: {  	_ =	shalt  }
0x52: {  	_ =	shalt  }
0x53: {  	_ =	shalt  }
0x54: {  	_ =	shalt  }
0x55: {  	_ =	shalt  }
0x56: {  	_ =	shalt  }
0x57: {  	_ =	shalt  }
0x58: {  	_ =	shalt  }
0x59: {  	_ =	shalt  }
0x5a: {  	_ =	shalt  }
0x5b: {  	_ =	shalt  }
0x5c: {  	_ =	shalt  }
0x5d: {  	_ =	shalt  }
0x5e: {  	_ =	shalt  }
0x5f: {  	_ =	shalt  }
0x60: {  	_ =	shalt  }
0x61: {  	_ =	shalt  }
0x62: {  	_ =	shalt  }
0x63: {  	_ =	shalt  }
0x64: {  	_ =	shalt  }
0x65: {  	_ =	shalt  }
0x66: {  	_ =	shalt  }
0x67: {  	_ =	shalt  }
0x68: {  	_ =	shalt  }
0x69: {  	_ =	shalt  }
0x6a: {  	_ =	shalt  }
0x6b: {  	_ =	shalt  }
0x6c: {  	_ =	shalt  }
0x6d: {  	_ =	shalt  }
0x6e: {  	_ =	shalt  }
0x6f: {  	_ =	shalt  }
0x70: {  	_ =	shalt  }
0x71: {  	_ =	shalt  }
0x72: {  	_ =	shalt  }
0x73: {  	_ =	shalt  }
0x74: {  	_ =	shalt  }
0x75: {  	_ =	shalt  }
0x76: {  	_ =	shalt  }
0x77: {  	_ =	shalt  }
0x78: {  	_ =	shalt  }
0x79: {  	_ =	shalt  }
0x7a: {  	_ =	shalt  }
0x7b: {  	_ =	shalt  }
0x7c: {  	_ =	shalt  }
0x7d: {  	_ =	shalt  }
0x7e: {  	_ =	shalt  }
0x7f: {  	_ =	shalt  }
0x80: {  	_ =	shalt  }
0x81: {  	_ =	shalt  }
0x82: {  	_ =	shalt  }
0x83: {  	_ =	shalt  }
0x84: {  	_ =	shalt  }
0x85: {  	_ =	shalt  }
0x86: {  	_ =	shalt  }
0x87: {  	_ =	shalt  }
.Lfunc_end0:
.L_simem_size_0:
called_computation.1_lowered:
.L_overlay_start_0:
0x88: {  	s2 =	sld [smem:$0x3FD9]  }
0x89: {  	s3 =	sld [smem:$0x3FFE];
	_ =	sdelay $0x1  }
0x8a: {  	s1 =	srdreg.scid  }
0x8b: {  	s0 =	sand.u32 $0x1, s1  }
0x8c: {  	s17 =	sshll.u32 s0, $0xA;
	s2 =	sadd.s32 s3, s2  }
0x8d: {  	s2 =	sadd.s32 s2, s17  }
0x8e: {  	[smem:$0x3FA7] =	sst s2  }
0x8f: {  	_ = 	snop  }
0x90: {  	s2 =	sld [smem:$0x3FD0];
	(tm) =	ssettm $0x1  }
0x91: {  	s18 =	sld [smem:$0x3FFB];
	_ =	sdelay $0x3  }
0x92: {  	_ =	strace s18  }
0x93: {  	s3 =	sld [smem:$0x3FFC];
	_ =	sdelay $0x3  }
0x94: {  	_ =	strace s3  }
0x95: {  	s3 =	sld [smem:$0x3FFD];
	_ =	sdelay $0x3  }
0x96: {  	_ =	strace s3  }
0x97: {  	_ =	strace $0x8FFFFFFF  }
0x98: {  	s19 =	sld [smem:$0x3FDB];
	_ =	sdelay $0x1  }
0x99: {  	s4 =	simm.s32 $_scs_section_size  }
0x9a: {  	s5 =	simm.s32 $_size__tile_overlayer_lowered;
	s6 =	simm.s32 $_tile_overlayer_lowered  }
0x9b: {  	s22 =	simm.s32 $0x1BFF;
	s21 =	sshll.u32 s6, $0x1;
	s3 =	sadd.s32 s4, s19  }
0x9c: {  	s7 =	simm.s32 $0x0;
	s20 =	sshll.u32 s5, $0x1;
	s5 =	sadd.s32 s21, s3  }
0x9d: {  	[timem:s7], [sflag:s22] =	dma.local [hbm:s5], s20  }
0x9e: {  	_ =	swait.ge [sflag:s22], s20  }
0x9f: {  	s4 =	ssub.s32 $0x0, s20;
	[sflag:s22] =	ssyncset.done $0x0  }
0xa0: {  	[sflag:s22] =	ssyncadd.s32 s4;
	_ =	sdelay $0x1  }
0xa1: {  	s23 =	simm.s32 $0x1B8B  }
0xa2: {  	_ =	swait.ge [sflag:s23], $0x1  }
0xa3: {  	[sflag:s23] =	ssyncset.done $0x0  }
0xa4: {  	s25 =	simm.s32 $0x1B8E;
	s24 =	sld [smem:$0x3FFE];
	[sflag:s23] =	ssyncadd.s32 $0xFFFFFFFF  }
0xa5: {  	s26 =	simm.s32 $execute0_lowered;
	[smem:$0x3FD2] =	sst s25  }
0xa6: {  	s5 =	sshll.u32 s26, $0x1;
	_ =	strace $0x80000049;
	[dreg:$0x1] =	wrdreg $0xFFFFFFFF  }
0xa7: {  	s28 =	simm.s32 $_size_execute0_lowered;
	s3 =	sadd.s32 s3, s5;
	[dreg:$0x0] =	wrdreg $0x0  }
0xa8: {  	s5 =	sshll.u32 s28, $0x1;
	[dreg:$0x2] =	wrdreg s3  }
0xa9: {  	[dreg:$0x3] =	wrdreg s5  }
0xaa: {  	[dreg:$0x4] =	wrdreg $0xC0  }
0xab: {  	_ =	task [dreg:s7], $0x5FFFF  }
0xac: {  	[dreg:$0x1] =	wrdreg $0xFFFFFFFF  }
0xad: {  	[dreg:$0x0] =	wrdreg $0x60  }
0xae: {  	[dreg:$0x2] =	wrdreg s24  }
0xaf: {  	[dreg:$0x3] =	wrdreg s2  }
0xb0: {  	[dreg:$0x4] =	wrdreg $0xA8000  }
0xb1: {  	[dreg:$0x5] =	wrdreg $0x9  }
0xb2: {  	_ =	task.clear_ibuf [dreg:s7], $0x6FFFF;
	_ =	strace $0x90000049  }
0xb3: {  	s29 =	simm.s32 $0x9;
	_ =	strace $0x8000004B  }
0xb4: {  	_ =	swait.ge [sflag:s29], $0x1  }
0xb5: {  	[sflag:s29] =	ssyncadd.s32 $0xFFFFFFFF  }
0xb6: {  	_ =	strace $0x9000004B  }
0xb7: {  	_ =	sfence  }
0xb8: {  	s30 =	sld [smem:$0x0];
	_ =	sdelay $0x2  }
0xb9: {  	s31 =	sshll.u32 s1, $0xD;
	s1 =	sshrl.u32 s1, $0x2  }
0xba: {  	s3 =	sand.u32 $0x4000, s31;
	s1 =	sadd.s32 s1, s30  }
0xbb: {  	s0 =	sor.u32 s3, s0;
	s1 =	sshll.u32 s1, $0x11  }
0xbc: {  	s0 =	sor.u32 s1, s0  }
0xbd: {  	s0 =	sadd.s32 $0x8F2B, s0  }
0xbe: {  	[sflag:s0] =	ssyncadd.remote.s32 $0x1  }
0xbf: {  	_ =	sfence.sel $0xFFFF  }
0xc0: {  	[dreg:$0x0] =	wrdreg $0xFFFFFFFF;
	(pc) =	sbr.abs _section_cstart, $3  }
0xc1: {  	[dreg:$0x1] =	wrdreg $0xFFFFFFFF  }
0xc2: {  	_ =	task.clear_ibuf [dreg:s7], $0x2FFFF;
	_ =	strace $0x9FFFFFFF  }
0xc3: {  	(tm) =	ssettm $0x7FFFFFFF  }
tec
execute0_lowered:
.L_overlay_start_1:
0x0: {  	(tag) =	ssettag $0x1  }
0x1: {  	s5 =	rddreg [dreg:$0x0]  }
0x2: {  	s11 =	rddreg [dreg:$0x1];
	s0 =	srdreg.scid  }
0x3: {  	s2 =	rddreg [dreg:$0x2];
	s1 =	stileid.u32;
	s3 =	simm.s32 $0x0  }
0x4: {  	s16 =	simm.s32 $0x2800;
	s17 =	simm.s32 $0x3;
	s18 =	simm.s32 $0x80  }
0x5: {  	s19 =	simm.s32 $0x100;
	s20 =	simm.s32 $0x1400;
	s21 =	simm.s32 $0x6800  }
0x6: {  	s22 =	simm.s32 $0x1;
	s23 =	simm.s32 $0x2;
	s7 =	smul.u32 $0x2800, s1  }
0x7: {  	s24 =	simm.s32 $0x2700;
	s25 =	simm.s32 $0x2780;
	s9 =	smul.u32 $0x14000, s1  }
0x8: {  	s6 =	sand.u32 $0x1, s0;
	s0 =	rddreg [dreg:$0x3];
	s30 =	smul.u32 $0x50000, s1  }
0x9: {  	s26 =	simm.s32 $0x0;
	[smem:$0x7FF] =	sst s3;
	s4 =	smul.u32 $0x28000, s6  }
0xa: {  	s8 =	smul.u32 $0x140000, s6;
	_ =	strace $0x8000004A;
	s6 =	ssub.s32 $0x2, s6  }
0xb: {  	s31 =	sshrl.u32 s6, $0x1;
	s7 =	sadd.s32 s7, s4;
	s4 =	sadd.s32 $0xF400, s5  }
0xc: {  	s8 =	sadd.s32 s9, s8;
	s15 =	ssub.s32 s6, s31;
	s12 =	sshrl.u32 s7, $0x3  }
0xd: {  	s8 =	sshrl.u32 s8, $0x3;
	s7 =	sshrl.u32 s30, $0x2;
	s15 =	smax.u32 s15, $0x1  }
0xe: {  	s13 =	sadd.s32 s12, s5;
	s14 =	sadd.s32 s8, s5;
	s5 =	sadd.s32 s7, s2  }
0xf: {  	s11 =	sadd.s32 s11, s12;
	s6 =	sadd.s32 $0x4000, s5;
	s7 =	sadd.s32 $0x8000, s5  }
0x10: {  	s8 =	sadd.s32 $0xC000, s5;
	s9 =	sadd.s32 $0x10000, s5;
	s10 =	sadd.s32 $0x5400, s13  }
0x11: {  	v0 =	vimm.f32 $0.0e+00;
	s12 =	sadd.s32 $0x5410, s13;
	s13 =	sadd.s32 $0x280, s11;
	s14 =	sadd.s32 $0x36600, s14  }
.LBB2_1:
0x12: {  	s28 =	sand.u32 $0xFE00, s3  }
0x13: {  	s29 =	sand.u32 $0x70, s3;
	s30 =	sshrl.u32 s28, $0x2  }
0x14: {  	s28 =	simm.s32 $0x40;
	s30 =	sor.u32 s29, s30;
	s29 =	simm.s32 $0x0  }
.LBB2_2:
0x15: {  	p0 =	sne.s32 s28, $0xFFC0  }
0x16: {  	[tilespmem:s30+$0x2800] =	vst v0;
	s29 =	sadd.s32 $0x10, s29;
	s30 =	smov.u32 s28;
	s28 =	sadd.s32 $0x40, s28  }
.Ltmp0:
0x17: {  	(pc) =	sbr.rel @p0 .LBB2_2-.Ltmp0, $4  }
0x18: {  	_ = 	snop  }
0x19: {  	s30 =	sand.u32 $0xFE00, s30  }
0x1a: {  	s31 =	sand.u32 $0x70, s29;
	s30 =	sshrl.u32 s30, $0x2  }
0x1b: {  	s30 =	sor.u32 s31, s30  }
0x1c: {  	[tilespmem:s30+$0x2800] =	vst v0  }
0x1d: {  	[spmem:s5] =	stream.linear.scatter [tilespmem:s16], [sflag:$0x3], $0x4000, $0x38;
	[tilespmem:$0x1E800] =	vst v63  }
0x1e: {  	_ =	swait.ge [sflag:s17], $0x4000  }
0x1f: {  	[sflag:s17] =	ssyncset.done $0x0  }
0x20: {  	[sflag:s17] =	ssyncadd.s32 $0xFFFFC000  }
0x21: {  	[spmem:s6] =	stream.linear.scatter [tilespmem:s16], [sflag:$0x3], $0x4000, $0x38;
	[tilespmem:$0x1E800] =	vst v63  }
0x22: {  	_ =	swait.ge [sflag:s17], $0x4000  }
0x23: {  	[sflag:s17] =	ssyncset.done $0x0  }
0x24: {  	[sflag:s17] =	ssyncadd.s32 $0xFFFFC000  }
0x25: {  	[spmem:s7] =	stream.linear.scatter [tilespmem:s16], [sflag:$0x3], $0x4000, $0x38;
	[tilespmem:$0x1E800] =	vst v63  }
0x26: {  	_ =	swait.ge [sflag:s17], $0x4000  }
0x27: {  	[sflag:s17] =	ssyncset.done $0x0  }
0x28: {  	[sflag:s17] =	ssyncadd.s32 $0xFFFFC000  }
0x29: {  	[spmem:s8] =	stream.linear.scatter [tilespmem:s16], [sflag:$0x3], $0x4000, $0x38;
	[tilespmem:$0x1E800] =	vst v63  }
0x2a: {  	_ =	swait.ge [sflag:s17], $0x4000  }
0x2b: {  	[sflag:s17] =	ssyncset.done $0x0  }
0x2c: {  	[sflag:s17] =	ssyncadd.s32 $0xFFFFC000  }
0x2d: {  	[spmem:s9] =	stream.linear.scatter [tilespmem:s16], [sflag:$0x3], $0x4000, $0x38;
	[tilespmem:$0x1E800] =	vst v63  }
0x2e: {  	_ =	swait.ge [sflag:s17], $0x4000  }
0x2f: {  	[sflag:s17] =	ssyncset.done $0x0  }
0x30: {  	[sflag:s17] =	ssyncadd.s32 $0xFFFFC000  }
0x31: {  	s28 =	simm.s32 $0x0;
	[bflag:$0x0] =	sbarrier.arrive $0xFFFF  }
0x32: {  	[tilespmem:s28], [sflag:$0x3] =	stream.strided.gather [hbm4b:s10+s18], $0x1400, s19, s18, $0x38;
	[tilespmem:$0x1E800] =	vst v63  }
0x33: {  	_ =	swait.ge [sflag:s17], $0x1400  }
0x34: {  	[sflag:s17] =	ssyncset.done $0x0  }
0x35: {  	[sflag:s17] =	ssyncadd.s32 $0xFFFFEC00  }
0x36: {  	[tilespmem:s20], [sflag:$0x3] =	stream.linear.gather [hbm4b:s11+s28], $0x1400, $0x38;
	[tilespmem:$0x1E800] =	vst v63  }
0x37: {  	_ =	swait.ge [sflag:s17], $0x1400  }
0x38: {  	[sflag:s17] =	ssyncset.done $0x0  }
0x39: {  	[sflag:s17] =	ssyncadd.s32 $0xFFFFEC00  }
0x3a: {  	[tilespmem:s16], [sflag:$0x1] =	stream.indirect.gather [hbm4b:s4+s18], $0x80, s28, s18, $0xb8;
	[tilespmem:$0x1E800] =	vst v63  }
0x3b: {  	_ = 	snop  }
0x3c: {  	[tilespmem:s21], [sflag:$0x2] =	stream.indirect.gather [hbm4b:s4+s18], $0x80, s18, s18, $0xb8;
	[tilespmem:$0x1E800] =	vst v63  }
0x3d: {  	_ =	swait.ge [sflag:s22], $0x4000  }
0x3e: {  	[sflag:s22] =	ssyncset.done $0x0  }
0x3f: {  	s28 =	simm.s32 $0x1400;
	[sflag:s22] =	ssyncadd.s32 $0xFFFFC000  }
0x40: {  	[spmem:s2] =	stream.indirect.scatter.add.f32 [tilespmem:s16], [sflag:$0x3], $0x80, s28, s18, $0xb8;
	[tilespmem:$0x1E800] =	vst v63  }
0x41: {  	_ =	swait.ge [sflag:s17], $0x4000  }
0x42: {  	[sflag:s17] =	ssyncset.done $0x0  }
0x43: {  	s28 =	simm.s32 $0x100;
	[sflag:s17] =	ssyncadd.s32 $0xFFFFC000  }
0x44: {  	[tilespmem:s16], [sflag:$0x1] =	stream.indirect.gather [hbm4b:s4+s18], $0x80, s28, s18, $0xb8;
	[tilespmem:$0x1E800] =	vst v63  }
0x45: {  	_ =	swait.ge [sflag:s23], $0x4000  }
0x46: {  	[sflag:s23] =	ssyncset.done $0x0  }
0x47: {  	s28 =	simm.s32 $0x1480;
	[sflag:s23] =	ssyncadd.s32 $0xFFFFC000  }
0x48: {  	[spmem:s2] =	stream.indirect.scatter.add.f32 [tilespmem:s21], [sflag:$0x3], $0x80, s28, s18, $0xb8;
	[tilespmem:$0x1E800] =	vst v63  }
0x49: {  	_ =	swait.ge [sflag:s17], $0x4000  }
0x4a: {  	[sflag:s17] =	ssyncset.done $0x0  }
0x4b: {  	s29 =	simm.s32 $0x180;
	s28 =	simm.s32 $0x400;
	[sflag:s17] =	ssyncadd.s32 $0xFFFFC000  }
.LBB2_4:
0x4c: {  	[tilespmem:s21], [sflag:$0x2] =	stream.indirect.gather [hbm4b:s4+s18], $0x80, s29, s18, $0xb8;
	[tilespmem:$0x1E800] =	vst v63  }
0x4d: {  	s29 =	smov.u32 s28  }
0x4e: {  	p0 =	sne.s32 s28, $0x4800;
	s28 =	sadd.s32 $0x400, s28;
	_ =	swait.ge [sflag:s22], $0x4000  }
0x4f: {  	s29 =	sshra.s32 s29, $0x2;
	[sflag:s22] =	ssyncset.done $0x0  }
0x50: {  	s30 =	sadd.s32 $0x1400, s29;
	[sflag:s22] =	ssyncadd.s32 $0xFFFFC000  }
0x51: {  	[spmem:s2] =	stream.indirect.scatter.add.f32 [tilespmem:s16], [sflag:$0x3], $0x80, s30, s18, $0xb8;
	[tilespmem:$0x1E800] =	vst v63  }
0x52: {  	_ =	swait.ge [sflag:s17], $0x4000  }
0x53: {  	[sflag:s17] =	ssyncset.done $0x0  }
0x54: {  	s30 =	sadd.s32 $0x100, s29;
	[sflag:s17] =	ssyncadd.s32 $0xFFFFC000  }
0x55: {  	[tilespmem:s16], [sflag:$0x1] =	stream.indirect.gather [hbm4b:s4+s18], $0x80, s30, s18, $0xb8;
	[tilespmem:$0x1E800] =	vst v63  }
0x56: {  	_ =	swait.ge [sflag:s23], $0x4000  }
0x57: {  	[sflag:s23] =	ssyncset.done $0x0  }
.Ltmp1:
0x58: {  	s30 =	sadd.s32 $0x1480, s29;
	[sflag:s23] =	ssyncadd.s32 $0xFFFFC000;
	(pc) =	sbr.rel @p0 .LBB2_4-.Ltmp1, $4  }
0x59: {  	[spmem:s2] =	stream.indirect.scatter.add.f32 [tilespmem:s21], [sflag:$0x3], $0x80, s30, s18, $0xb8;
	[tilespmem:$0x1E800] =	vst v63  }
0x5a: {  	_ =	swait.ge [sflag:s17], $0x4000  }
0x5b: {  	[sflag:s17] =	ssyncset.done $0x0  }
0x5c: {  	s29 =	sadd.s32 $0x180, s29;
	[sflag:s17] =	ssyncadd.s32 $0xFFFFC000  }
0x5d: {  	[tilespmem:s21], [sflag:$0x2] =	stream.indirect.gather [hbm4b:s4+s18], $0x80, s29, s18, $0xb8;
	[tilespmem:$0x1E800] =	vst v63  }
0x5e: {  	_ =	swait.ge [sflag:s22], $0x4000  }
0x5f: {  	[sflag:s22] =	ssyncset.done $0x0  }
0x60: {  	[sflag:s22] =	ssyncadd.s32 $0xFFFFC000  }
0x61: {  	[spmem:s2] =	stream.indirect.scatter.add.f32 [tilespmem:s16], [sflag:$0x3], $0x80, s24, s18, $0xb8;
	[tilespmem:$0x1E800] =	vst v63  }
0x62: {  	_ =	swait.ge [sflag:s17], $0x4000  }
0x63: {  	[sflag:s17] =	ssyncset.done $0x0  }
0x64: {  	[sflag:s17] =	ssyncadd.s32 $0xFFFFC000  }
0x65: {  	_ =	swait.ge [sflag:s23], $0x4000  }
0x66: {  	[sflag:s23] =	ssyncset.done $0x0  }
0x67: {  	[sflag:s23] =	ssyncadd.s32 $0xFFFFC000  }
0x68: {  	[spmem:s2] =	stream.indirect.scatter.add.f32 [tilespmem:s21], [sflag:$0x3], $0x80, s25, s18, $0xb8;
	[tilespmem:$0x1E800] =	vst v63  }
0x69: {  	_ =	swait.ge [sflag:s17], $0x4000  }
0x6a: {  	[sflag:s17] =	ssyncset.done $0x0  }
0x6b: {  	s28 =	simm.s32 $0x0;
	[sflag:s17] =	ssyncadd.s32 $0xFFFFC000  }
0x6c: {  	[tilespmem:s28], [sflag:$0x3] =	stream.strided.gather [hbm4b:s12+s18], $0x1400, s19, s18, $0x38;
	[tilespmem:$0x1E800] =	vst v63  }
0x6d: {  	_ =	swait.ge [sflag:s17], $0x1400  }
0x6e: {  	[sflag:s17] =	ssyncset.done $0x0  }
0x6f: {  	[sflag:s17] =	ssyncadd.s32 $0xFFFFEC00  }
0x70: {  	[tilespmem:s20], [sflag:$0x3] =	stream.linear.gather [hbm4b:s13+s28], $0x1400, $0x38;
	[tilespmem:$0x1E800] =	vst v63  }
0x71: {  	_ =	swait.ge [sflag:s17], $0x1400  }
0x72: {  	[sflag:s17] =	ssyncset.done $0x0  }
0x73: {  	[sflag:s17] =	ssyncadd.s32 $0xFFFFEC00  }
0x74: {  	[tilespmem:s16], [sflag:$0x1] =	stream.indirect.gather [hbm4b:s4+s18], $0x80, s28, s18, $0xb8;
	[tilespmem:$0x1E800] =	vst v63  }
0x75: {  	_ = 	snop  }
0x76: {  	[tilespmem:s21], [sflag:$0x2] =	stream.indirect.gather [hbm4b:s4+s18], $0x80, s18, s18, $0xb8;
	[tilespmem:$0x1E800] =	vst v63  }
0x77: {  	_ =	swait.ge [sflag:s22], $0x4000  }
0x78: {  	[sflag:s22] =	ssyncset.done $0x0  }
0x79: {  	s28 =	simm.s32 $0x1400;
	[sflag:s22] =	ssyncadd.s32 $0xFFFFC000  }
0x7a: {  	[spmem:s2] =	stream.indirect.scatter.add.f32 [tilespmem:s16], [sflag:$0x3], $0x80, s28, s18, $0xb8;
	[tilespmem:$0x1E800] =	vst v63  }
0x7b: {  	_ =	swait.ge [sflag:s17], $0x4000  }
0x7c: {  	[sflag:s17] =	ssyncset.done $0x0  }
0x7d: {  	s28 =	simm.s32 $0x100;
	[sflag:s17] =	ssyncadd.s32 $0xFFFFC000  }
0x7e: {  	[tilespmem:s16], [sflag:$0x1] =	stream.indirect.gather [hbm4b:s4+s18], $0x80, s28, s18, $0xb8;
	[tilespmem:$0x1E800] =	vst v63  }
0x7f: {  	_ =	swait.ge [sflag:s23], $0x4000  }
0x80: {  	[sflag:s23] =	ssyncset.done $0x0  }
0x81: {  	s28 =	simm.s32 $0x1480;
	[sflag:s23] =	ssyncadd.s32 $0xFFFFC000  }
0x82: {  	[spmem:s2] =	stream.indirect.scatter.add.f32 [tilespmem:s21], [sflag:$0x3], $0x80, s28, s18, $0xb8;
	[tilespmem:$0x1E800] =	vst v63  }
0x83: {  	_ =	swait.ge [sflag:s17], $0x4000  }
0x84: {  	[sflag:s17] =	ssyncset.done $0x0  }
0x85: {  	s29 =	simm.s32 $0x180;
	s28 =	simm.s32 $0x400;
	[sflag:s17] =	ssyncadd.s32 $0xFFFFC000  }
.LBB2_6:
0x86: {  	[tilespmem:s21], [sflag:$0x2] =	stream.indirect.gather [hbm4b:s4+s18], $0x80, s29, s18, $0xb8;
	[tilespmem:$0x1E800] =	vst v63  }
0x87: {  	s29 =	smov.u32 s28  }
0x88: {  	p0 =	sne.s32 s28, $0x4800;
	s28 =	sadd.s32 $0x400, s28;
	_ =	swait.ge [sflag:s22], $0x4000  }
0x89: {  	s29 =	sshra.s32 s29, $0x2;
	[sflag:s22] =	ssyncset.done $0x0  }
0x8a: {  	s30 =	sadd.s32 $0x1400, s29;
	[sflag:s22] =	ssyncadd.s32 $0xFFFFC000  }
0x8b: {  	[spmem:s2] =	stream.indirect.scatter.add.f32 [tilespmem:s16], [sflag:$0x3], $0x80, s30, s18, $0xb8;
	[tilespmem:$0x1E800] =	vst v63  }
0x8c: {  	_ =	swait.ge [sflag:s17], $0x4000  }
0x8d: {  	[sflag:s17] =	ssyncset.done $0x0  }
0x8e: {  	s30 =	sadd.s32 $0x100, s29;
	[sflag:s17] =	ssyncadd.s32 $0xFFFFC000  }
0x8f: {  	[tilespmem:s16], [sflag:$0x1] =	stream.indirect.gather [hbm4b:s4+s18], $0x80, s30, s18, $0xb8;
	[tilespmem:$0x1E800] =	vst v63  }
0x90: {  	_ =	swait.ge [sflag:s23], $0x4000  }
0x91: {  	[sflag:s23] =	ssyncset.done $0x0  }
.Ltmp2:
0x92: {  	s30 =	sadd.s32 $0x1480, s29;
	[sflag:s23] =	ssyncadd.s32 $0xFFFFC000;
	(pc) =	sbr.rel @p0 .LBB2_6-.Ltmp2, $4  }
0x93: {  	[spmem:s2] =	stream.indirect.scatter.add.f32 [tilespmem:s21], [sflag:$0x3], $0x80, s30, s18, $0xb8;
	[tilespmem:$0x1E800] =	vst v63  }
0x94: {  	_ =	swait.ge [sflag:s17], $0x4000  }
0x95: {  	[sflag:s17] =	ssyncset.done $0x0  }
0x96: {  	s29 =	sadd.s32 $0x180, s29;
	[sflag:s17] =	ssyncadd.s32 $0xFFFFC000  }
0x97: {  	[tilespmem:s21], [sflag:$0x2] =	stream.indirect.gather [hbm4b:s4+s18], $0x80, s29, s18, $0xb8;
	[tilespmem:$0x1E800] =	vst v63  }
0x98: {  	_ =	swait.ge [sflag:s22], $0x4000  }
0x99: {  	[sflag:s22] =	ssyncset.done $0x0  }
0x9a: {  	[sflag:s22] =	ssyncadd.s32 $0xFFFFC000  }
0x9b: {  	[spmem:s2] =	stream.indirect.scatter.add.f32 [tilespmem:s16], [sflag:$0x3], $0x80, s24, s18, $0xb8;
	[tilespmem:$0x1E800] =	vst v63  }
0x9c: {  	_ =	swait.ge [sflag:s17], $0x4000  }
0x9d: {  	[sflag:s17] =	ssyncset.done $0x0  }
0x9e: {  	[sflag:s17] =	ssyncadd.s32 $0xFFFFC000  }
0x9f: {  	_ =	swait.ge [sflag:s23], $0x4000  }
0xa0: {  	[sflag:s23] =	ssyncset.done $0x0  }
0xa1: {  	[sflag:s23] =	ssyncadd.s32 $0xFFFFC000  }
0xa2: {  	[spmem:s2] =	stream.indirect.scatter.add.f32 [tilespmem:s21], [sflag:$0x3], $0x80, s25, s18, $0xb8;
	[tilespmem:$0x1E800] =	vst v63  }
0xa3: {  	_ =	swait.ge [sflag:s17], $0x4000  }
0xa4: {  	s28 =	sshll.u32 s1, $0x6;
	s26 =	sadd.s32 $0x1, s26;
	[sflag:s17] =	ssyncset.done $0x0  }
0xa5: {  	s31 =	sshrl.u32 s5, $0x3;
	p0 =	sne.s32 s26, s15;
	[sflag:s17] =	ssyncadd.s32 $0xFFFFC000  }
.Ltmp3:
0xa6: {  	s28 =	sor.u32 $0x1C03, s28;
	[bflag:$0x0] =	sbarrier.arrive $0xFFFF;
	(pc) =	sbr.rel @p0 .LBB2_1-.Ltmp3, $4  }
0xa7: {  	[hbm:s14], [sflag:s28] =	dma.local [spmem:s31], $0x2800  }
0xa8: {  	_ =	swait.ge [sflag:s17], $0x2800  }
0xa9: {  	[sflag:s17] =	ssyncset.done $0x0  }
0xaa: {  	[sflag:s17] =	ssyncadd.s32 $0xFFFFD800  }
0xab: {  	_ =	sfence.sel $0x180000  }
0xac: {  	[bflag:$0x0] =	sbarrier.arrive $0xFFFF  }
0xad: {  	p0 =	sne.s32 s1, $0x0;
	_ =	strace $0x9000004A  }
0xae: {  	s0 =	sadd.s32 @!p0 $0x100000, s0;
	[bflag:$0x2] =	sbarrier.arrive $0xFFFF  }
0xaf: {  	[sflag:s0] =	ssyncadd.tile.s32 @!p0 $0x1;
	_ =	shalt  }
.Lfunc_end2:
_tile_overlayer_lowered:
.L_overlay_start_2:
0xb0: {  	(tag) =	ssettag $0x2  }
0xb1: {  	s0 =	rddreg [dreg:$0x0];
	s2 =	stileid.u32  }
0xb2: {  	s1 =	rddreg [dreg:$0x1];
	p0 =	sne.s32 s2, $0x0  }
0xb3: {  	s3 =	rddreg [dreg:$0x2];
	[bflag:$0x3] =	sbarrier.arrive $0xFFFF;
	s2 =	simm.s32 @!p0 $0x1C03  }
0xb4: {  	[timem:s3], [sflag:s2] =	dma.local @!p0 [hbm:s0], s1  }
0xb5: {  	s0 =	simm.s32 @!p0 $0x3  }
0xb6: {  	_ =	swait.ge @!p0 [sflag:s0], s1  }
0xb7: {  	s1 =	ssub.s32 @!p0 $0x0, s1;
	[sflag:s0] =	ssyncset.done @!p0 $0x0  }
0xb8: {  	[sflag:s0] =	ssyncadd.s32 @!p0 s1  }
0xb9: {  	[bflag:$0x3] =	sbarrier.arrive $0xFFFF  }
0xba: {  	_ =	shalt  }

// kernel: kernel.15.cloned.1.call-start
scs
__scs_entry_jumppad:
0x0: {  	(pc) =	sbr.rel $0x88, $3  }
0x1: {  	(tag) =	ssettag $0x0;
	lr =	simm.s32 $0x1  }
0x2: {  	[smem:$0x3F80] =	sst lr;
	_ =	strace $0xD0000000  }
0x3: {  	_ = 	snop  }
0x4: {  	_ = 	snop  }
0x5: {  	_ = 	snop  }
0x6: {  	_ = 	snop  }
0x7: {  	_ = 	snop  }
__scs_overlays_trampoline_lowered:
0x8: {  	[smem:$0x3F8F] =	sst s0  }
0x9: {  	[smem:$0x3F90] =	sst s1  }
0xa: {  	[smem:$0x3F91] =	sst s2  }
0xb: {  	[smem:$0x3F92] =	sst s3  }
0xc: {  	[smem:$0x3F93] =	sst s4  }
0xd: {  	[smem:$0x3F94] =	sst s5  }
0xe: {  	[smem:$0x3F95] =	sst s6  }
0xf: {  	[smem:$0x3F96] =	sst s7  }
0x10: {  	[smem:$0x3F97] =	sst s8  }
0x11: {  	[smem:$0x3F98] =	sst s9;
	s0 =	simm.s32 @!p0 $0x0  }
0x12: {  	s1 =	sld [smem:$0x3F7E];
	s0 =	simm.s32 @p0 $0x1  }
0x13: {  	[smem:$0x3F99] =	sst s0;
	s0 =	simm.s32 @!p1 $0x0  }
0x14: {  	s2 =	sld [smem:$0x3F7D];
	s0 =	simm.s32 @p1 $0x1  }
0x15: {  	[smem:$0x3F9A] =	sst s0;
	s0 =	simm.s32 @!p2 $0x0  }
0x16: {  	s3 =	sld [smem:$0x3FDB];
	s0 =	simm.s32 @p2 $0x1  }
0x17: {  	s4 =	simm.s32 $0x1BF5;
	[smem:$0x3F9C] =	sst s0  }
0x18: {  	s0 =	sld [smem:$0x3F7F];
	_ =	swait.ge [sflag:s4], $0x0  }
0x19: {  	s7 =	sld [smem:$0x3F80]  }
0x1a: {  	s8 =	sadd.s32 $0xFFFFE003, lr  }
0x1b: {  	s9 =	sadd.s32 $0xFFFFFEF7, lr;
	s5 =	simm.s32 $0xFFFFFFFF;
	p2 =	slt.u32 s8, $0xFFFFF086  }
0x1c: {  	p1 =	slt.u32 s9, $0xF7A;
	s5 =	simm.s32 @!p2 $0x0  }
0x1d: {  	s5 =	simm.s32 @p1 $0x1;
	p0 =	seq.s32 s7, s2  }
0x1e: {  	s7 =	smul.u32 @!p0 $0xF7A, s2;
	p2 =	seq.s32 @!p0 s5, $0x0  }
0x1f: {  	s9 =	smul.u32 $0xF7A, s1;
	s8 =	simm.s32 @!p0 $0x1BF5;
	p2 =	por !p2, p0  }
0x20: {  	[sflag:s8] =	ssyncset.s32 @!p0 $0xFFFFF086;
	s6 =	sadd.s32 @!p0 s3, s7;
	s7 =	simm.s32 @!p0 $0x108  }
0x21: {  	s3 =	sadd.s32 s3, s9;
	s6 =	sadd.s32 @!p0 $0x88, s6;
	s7 =	simm.s32 @p2 $0x1082  }
0x22: {  	[simem:s7], [sflag:s8] =	dma.local @!p0 [hbm:s6], $0xF7A  }
0x23: {  	s9 =	sor.u32 $0xD0000000, s2;
	s6 =	simm.s32 $0x108;
	_ =	swait.ge @!p0 [sflag:s8], $0x0  }
0x24: {  	s3 =	sadd.s32 $0x88, s3;
	s6 =	simm.s32 @!p1 $0x1082;
	[sflag:s4] =	ssyncset.s32 $0xFFFFF086  }
0x25: {  	[simem:s6], [sflag:s4] =	dma.local [hbm:s3], $0xF7A  }
0x26: {  	[smem:$0x3F80] =	sst s1;
	(tag) =	ssettag s2;
	_ =	strace s9  }
0x27: {  	s1 =	sld [smem:$0x3F90]  }
0x28: {  	s2 =	sld [smem:$0x3F91]  }
0x29: {  	s4 =	sld [smem:$0x3F93]  }
0x2a: {  	p0 =	seq.s32 s5, $0x0;
	s5 =	sld [smem:$0x3F94]  }
0x2b: {  	s6 =	sld [smem:$0x3F95]  }
0x2c: {  	s7 =	sld [smem:$0x3F96]  }
0x2d: {  	s3 =	simm.s32 $0x108;
	s8 =	sld [smem:$0x3F97]  }
0x2e: {  	s3 =	simm.s32 @!p0 $0x1082;
	s9 =	sld [smem:$0x3F98]  }
0x2f: {  	lr =	sadd.s32 s0, s3;
	s0 =	sld [smem:$0x3F8F]  }
0x30: {  	s3 =	sld [smem:$0x3F92]  }
0x31: {  	[smem:$0x3F9B] =	sst s10  }
0x32: {  	s10 =	sld [smem:$0x3F99];
	_ =	sdelay $0x3  }
0x33: {  	p0 =	seq.s32 s10, $0x1;
	s10 =	sld [smem:$0x3F9B];
	_ =	sdelay $0x3  }
0x34: {  	[smem:$0x3F9B] =	sst s10  }
0x35: {  	s10 =	sld [smem:$0x3F9A];
	_ =	sdelay $0x3  }
0x36: {  	p1 =	seq.s32 s10, $0x1;
	s10 =	sld [smem:$0x3F9B];
	_ =	sdelay $0x3  }
0x37: {  	[smem:$0x3F9B] =	sst s10  }
0x38: {  	s10 =	sld [smem:$0x3F9C]  }
0x39: {  	_ = 	snop;
	(pc) =	sbr.ind lr, $3  }
0x3a: {  	_ = 	snop  }
0x3b: {  	_ = 	snop  }
0x3c: {  	p2 =	seq.s32 s10, $0x1;
	s10 =	sld [smem:$0x3F9B]  }
0x3d: {  	_ =	shalt  }
0x3e: {  	_ =	shalt  }
0x3f: {  	_ =	shalt  }
0x40: {  	_ =	shalt  }
0x41: {  	_ =	shalt  }
0x42: {  	_ =	shalt  }
0x43: {  	_ =	shalt  }
0x44: {  	_ =	shalt  }
0x45: {  	_ =	shalt  }
0x46: {  	_ =	shalt  }
0x47: {  	_ =	shalt  }
0x48: {  	_ =	shalt  }
0x49: {  	_ =	shalt  }
0x4a: {  	_ =	shalt  }
0x4b: {  	_ =	shalt  }
0x4c: {  	_ =	shalt  }
0x4d: {  	_ =	shalt  }
0x4e: {  	_ =	shalt  }
0x4f: {  	_ =	shalt  }
0x50: {  	_ =	shalt  }
0x51: {  	_ =	shalt  }
0x52: {  	_ =	shalt  }
0x53: {  	_ =	shalt  }
0x54: {  	_ =	shalt  }
0x55: {  	_ =	shalt  }
0x56: {  	_ =	shalt  }
0x57: {  	_ =	shalt  }
0x58: {  	_ =	shalt  }
0x59: {  	_ =	shalt  }
0x5a: {  	_ =	shalt  }
0x5b: {  	_ =	shalt  }
0x5c: {  	_ =	shalt  }
0x5d: {  	_ =	shalt  }
0x5e: {  	_ =	shalt  }
0x5f: {  	_ =	shalt  }
0x60: {  	_ =	shalt  }
0x61: {  	_ =	shalt  }
0x62: {  	_ =	shalt  }
0x63: {  	_ =	shalt  }
0x64: {  	_ =	shalt  }
0x65: {  	_ =	shalt  }
0x66: {  	_ =	shalt  }
0x67: {  	_ =	shalt  }
0x68: {  	_ =	shalt  }
0x69: {  	_ =	shalt  }
0x6a: {  	_ =	shalt  }
0x6b: {  	_ =	shalt  }
0x6c: {  	_ =	shalt  }
0x6d: {  	_ =	shalt  }
0x6e: {  	_ =	shalt  }
0x6f: {  	_ =	shalt  }
0x70: {  	_ =	shalt  }
0x71: {  	_ =	shalt  }
0x72: {  	_ =	shalt  }
0x73: {  	_ =	shalt  }
0x74: {  	_ =	shalt  }
0x75: {  	_ =	shalt  }
0x76: {  	_ =	shalt  }
0x77: {  	_ =	shalt  }
0x78: {  	_ =	shalt  }
0x79: {  	_ =	shalt  }
0x7a: {  	_ =	shalt  }
0x7b: {  	_ =	shalt  }
0x7c: {  	_ =	shalt  }
0x7d: {  	_ =	shalt  }
0x7e: {  	_ =	shalt  }
0x7f: {  	_ =	shalt  }
0x80: {  	_ =	shalt  }
0x81: {  	_ =	shalt  }
0x82: {  	_ =	shalt  }
0x83: {  	_ =	shalt  }
0x84: {  	_ =	shalt  }
0x85: {  	_ =	shalt  }
0x86: {  	_ =	shalt  }
0x87: {  	_ =	shalt  }
.Lfunc_end0:
.L_simem_size_0:
called_computation.2_lowered:
.L_overlay_start_0:
0x88: {  	s2 =	sld [smem:$0x3FD9]  }
0x89: {  	s3 =	sld [smem:$0x3FFE];
	_ =	sdelay $0x1  }
0x8a: {  	s1 =	srdreg.scid  }
0x8b: {  	s0 =	sand.u32 $0x1, s1  }
0x8c: {  	s17 =	sshll.u32 s0, $0xA;
	s2 =	sadd.s32 s3, s2  }
0x8d: {  	s2 =	sadd.s32 s2, s17  }
0x8e: {  	[smem:$0x3FA7] =	sst s2  }
0x8f: {  	_ = 	snop  }
0x90: {  	s2 =	sld [smem:$0x3FD0];
	(tm) =	ssettm $0x1  }
0x91: {  	s18 =	sld [smem:$0x3FFB];
	_ =	sdelay $0x3  }
0x92: {  	_ =	strace s18  }
0x93: {  	s3 =	sld [smem:$0x3FFC];
	_ =	sdelay $0x3  }
0x94: {  	_ =	strace s3  }
0x95: {  	s3 =	sld [smem:$0x3FFD];
	_ =	sdelay $0x3  }
0x96: {  	_ =	strace s3  }
0x97: {  	_ =	strace $0x8FFFFFFF  }
0x98: {  	s19 =	sld [smem:$0x3FDB];
	_ =	sdelay $0x1  }
0x99: {  	s4 =	simm.s32 $_scs_section_size  }
0x9a: {  	s5 =	simm.s32 $_size__tile_overlayer_lowered;
	s6 =	simm.s32 $_tile_overlayer_lowered  }
0x9b: {  	s22 =	simm.s32 $0x1BFF;
	s21 =	sshll.u32 s6, $0x1;
	s3 =	sadd.s32 s4, s19  }
0x9c: {  	s7 =	simm.s32 $0x0;
	s20 =	sshll.u32 s5, $0x1;
	s5 =	sadd.s32 s21, s3  }
0x9d: {  	[timem:s7], [sflag:s22] =	dma.local [hbm:s5], s20  }
0x9e: {  	_ =	swait.ge [sflag:s22], s20  }
0x9f: {  	s4 =	ssub.s32 $0x0, s20;
	[sflag:s22] =	ssyncset.done $0x0  }
0xa0: {  	[sflag:s22] =	ssyncadd.s32 s4;
	_ =	sdelay $0x1  }
0xa1: {  	s23 =	simm.s32 $0x1B8B  }
0xa2: {  	_ =	swait.ge [sflag:s23], $0x1  }
0xa3: {  	[sflag:s23] =	ssyncset.done $0x0  }
0xa4: {  	s25 =	simm.s32 $0x1B8E;
	s24 =	sld [smem:$0x3FFE];
	[sflag:s23] =	ssyncadd.s32 $0xFFFFFFFF  }
0xa5: {  	s26 =	simm.s32 $execute0_lowered;
	[smem:$0x3FD2] =	sst s25  }
0xa6: {  	s5 =	sshll.u32 s26, $0x1;
	_ =	strace $0x8000004C;
	[dreg:$0x1] =	wrdreg $0xFFFFFFFF  }
0xa7: {  	s28 =	simm.s32 $_size_execute0_lowered;
	s3 =	sadd.s32 s3, s5;
	[dreg:$0x0] =	wrdreg $0x0  }
0xa8: {  	s5 =	sshll.u32 s28, $0x1;
	[dreg:$0x2] =	wrdreg s3  }
0xa9: {  	[dreg:$0x3] =	wrdreg s5  }
0xaa: {  	[dreg:$0x4] =	wrdreg $0xC0  }
0xab: {  	_ =	task [dreg:s7], $0x5FFFF  }
0xac: {  	[dreg:$0x1] =	wrdreg $0xFFFFFFFF  }
0xad: {  	[dreg:$0x0] =	wrdreg $0x60  }
0xae: {  	[dreg:$0x2] =	wrdreg s24  }
0xaf: {  	[dreg:$0x3] =	wrdreg s2  }
0xb0: {  	[dreg:$0x4] =	wrdreg $0xA8000  }
0xb1: {  	[dreg:$0x5] =	wrdreg $0x9  }
0xb2: {  	_ =	task.clear_ibuf [dreg:s7], $0x6FFFF;
	_ =	strace $0x9000004C  }
0xb3: {  	s29 =	simm.s32 $0x9;
	_ =	strace $0x8000004E  }
0xb4: {  	_ =	swait.ge [sflag:s29], $0x1  }
0xb5: {  	[sflag:s29] =	ssyncadd.s32 $0xFFFFFFFF  }
0xb6: {  	_ =	strace $0x9000004E  }
0xb7: {  	_ =	sfence  }
0xb8: {  	s30 =	sld [smem:$0x0];
	_ =	sdelay $0x2  }
0xb9: {  	s31 =	sshll.u32 s1, $0xD;
	s1 =	sshrl.u32 s1, $0x2  }
0xba: {  	s3 =	sand.u32 $0x4000, s31;
	s1 =	sadd.s32 s1, s30  }
0xbb: {  	s0 =	sor.u32 s3, s0;
	s1 =	sshll.u32 s1, $0x11  }
0xbc: {  	s0 =	sor.u32 s1, s0  }
0xbd: {  	s0 =	sadd.s32 $0x8F2B, s0  }
0xbe: {  	[sflag:s0] =	ssyncadd.remote.s32 $0x1  }
0xbf: {  	_ =	sfence.sel $0xFFFF  }
0xc0: {  	[dreg:$0x0] =	wrdreg $0xFFFFFFFF;
	(pc) =	sbr.abs _section_cstart, $3  }
0xc1: {  	[dreg:$0x1] =	wrdreg $0xFFFFFFFF  }
0xc2: {  	_ =	task.clear_ibuf [dreg:s7], $0x2FFFF;
	_ =	strace $0x9FFFFFFF  }
0xc3: {  	(tm) =	ssettm $0x7FFFFFFF  }
tec
execute0_lowered:
.L_overlay_start_1:
0x0: {  	(tag) =	ssettag $0x1  }
0x1: {  	s5 =	rddreg [dreg:$0x0]  }
0x2: {  	s11 =	rddreg [dreg:$0x1];
	s0 =	srdreg.scid  }
0x3: {  	s2 =	rddreg [dreg:$0x2];
	s1 =	stileid.u32;
	s3 =	simm.s32 $0x0  }
0x4: {  	s16 =	simm.s32 $0x2800;
	s17 =	simm.s32 $0x3;
	s18 =	simm.s32 $0x80  }
0x5: {  	s19 =	simm.s32 $0x100;
	s20 =	simm.s32 $0x1400;
	s21 =	simm.s32 $0x6800  }
0x6: {  	s22 =	simm.s32 $0x1;
	s23 =	simm.s32 $0x2;
	s7 =	smul.u32 $0x2800, s1  }
0x7: {  	s24 =	simm.s32 $0x2700;
	s25 =	simm.s32 $0x2780;
	s9 =	smul.u32 $0x14000, s1  }
0x8: {  	s6 =	sand.u32 $0x1, s0;
	s0 =	rddreg [dreg:$0x3];
	s30 =	smul.u32 $0x50000, s1  }
0x9: {  	s26 =	simm.s32 $0x0;
	[smem:$0x7FF] =	sst s3;
	s4 =	smul.u32 $0x28000, s6  }
0xa: {  	s8 =	smul.u32 $0x140000, s6;
	_ =	strace $0x8000004D;
	s6 =	ssub.s32 $0x2, s6  }
0xb: {  	s31 =	sshrl.u32 s6, $0x1;
	s7 =	sadd.s32 s7, s4;
	s4 =	sadd.s32 $0xF400, s5  }
0xc: {  	s8 =	sadd.s32 s9, s8;
	s15 =	ssub.s32 s6, s31;
	s12 =	sshrl.u32 s7, $0x3  }
0xd: {  	s8 =	sshrl.u32 s8, $0x3;
	s7 =	sshrl.u32 s30, $0x2;
	s15 =	smax.u32 s15, $0x1  }
0xe: {  	s13 =	sadd.s32 s12, s5;
	s14 =	sadd.s32 s8, s5;
	s5 =	sadd.s32 s7, s2  }
0xf: {  	s11 =	sadd.s32 s11, s12;
	s6 =	sadd.s32 $0x4000, s5;
	s7 =	sadd.s32 $0x8000, s5  }
0x10: {  	s8 =	sadd.s32 $0xC000, s5;
	s9 =	sadd.s32 $0x10000, s5;
	s10 =	sadd.s32 $0x5400, s13  }
0x11: {  	v0 =	vimm.f32 $0.0e+00;
	s12 =	sadd.s32 $0x5410, s13;
	s13 =	sadd.s32 $0x280, s11;
	s14 =	sadd.s32 $0x36600, s14  }
.LBB2_1:
0x12: {  	s28 =	sand.u32 $0xFE00, s3  }
0x13: {  	s29 =	sand.u32 $0x70, s3;
	s30 =	sshrl.u32 s28, $0x2  }
0x14: {  	s28 =	simm.s32 $0x40;
	s30 =	sor.u32 s29, s30;
	s29 =	simm.s32 $0x0  }
.LBB2_2:
0x15: {  	p0 =	sne.s32 s28, $0xFFC0  }
0x16: {  	[tilespmem:s30+$0x2800] =	vst v0;
	s29 =	sadd.s32 $0x10, s29;
	s30 =	smov.u32 s28;
	s28 =	sadd.s32 $0x40, s28  }
.Ltmp0:
0x17: {  	(pc) =	sbr.rel @p0 .LBB2_2-.Ltmp0, $4  }
0x18: {  	_ = 	snop  }
0x19: {  	s30 =	sand.u32 $0xFE00, s30  }
0x1a: {  	s31 =	sand.u32 $0x70, s29;
	s30 =	sshrl.u32 s30, $0x2  }
0x1b: {  	s30 =	sor.u32 s31, s30  }
0x1c: {  	[tilespmem:s30+$0x2800] =	vst v0  }
0x1d: {  	[spmem:s5] =	stream.linear.scatter [tilespmem:s16], [sflag:$0x3], $0x4000, $0x38;
	[tilespmem:$0x1E800] =	vst v63  }
0x1e: {  	_ =	swait.ge [sflag:s17], $0x4000  }
0x1f: {  	[sflag:s17] =	ssyncset.done $0x0  }
0x20: {  	[sflag:s17] =	ssyncadd.s32 $0xFFFFC000  }
0x21: {  	[spmem:s6] =	stream.linear.scatter [tilespmem:s16], [sflag:$0x3], $0x4000, $0x38;
	[tilespmem:$0x1E800] =	vst v63  }
0x22: {  	_ =	swait.ge [sflag:s17], $0x4000  }
0x23: {  	[sflag:s17] =	ssyncset.done $0x0  }
0x24: {  	[sflag:s17] =	ssyncadd.s32 $0xFFFFC000  }
0x25: {  	[spmem:s7] =	stream.linear.scatter [tilespmem:s16], [sflag:$0x3], $0x4000, $0x38;
	[tilespmem:$0x1E800] =	vst v63  }
0x26: {  	_ =	swait.ge [sflag:s17], $0x4000  }
0x27: {  	[sflag:s17] =	ssyncset.done $0x0  }
0x28: {  	[sflag:s17] =	ssyncadd.s32 $0xFFFFC000  }
0x29: {  	[spmem:s8] =	stream.linear.scatter [tilespmem:s16], [sflag:$0x3], $0x4000, $0x38;
	[tilespmem:$0x1E800] =	vst v63  }
0x2a: {  	_ =	swait.ge [sflag:s17], $0x4000  }
0x2b: {  	[sflag:s17] =	ssyncset.done $0x0  }
0x2c: {  	[sflag:s17] =	ssyncadd.s32 $0xFFFFC000  }
0x2d: {  	[spmem:s9] =	stream.linear.scatter [tilespmem:s16], [sflag:$0x3], $0x4000, $0x38;
	[tilespmem:$0x1E800] =	vst v63  }
0x2e: {  	_ =	swait.ge [sflag:s17], $0x4000  }
0x2f: {  	[sflag:s17] =	ssyncset.done $0x0  }
0x30: {  	[sflag:s17] =	ssyncadd.s32 $0xFFFFC000  }
0x31: {  	s28 =	simm.s32 $0x0;
	[bflag:$0x0] =	sbarrier.arrive $0xFFFF  }
0x32: {  	[tilespmem:s28], [sflag:$0x3] =	stream.strided.gather [hbm4b:s10+s18], $0x1400, s19, s18, $0x38;
	[tilespmem:$0x1E800] =	vst v63  }
0x33: {  	_ =	swait.ge [sflag:s17], $0x1400  }
0x34: {  	[sflag:s17] =	ssyncset.done $0x0  }
0x35: {  	[sflag:s17] =	ssyncadd.s32 $0xFFFFEC00  }
0x36: {  	[tilespmem:s20], [sflag:$0x3] =	stream.linear.gather [hbm4b:s11+s28], $0x1400, $0x38;
	[tilespmem:$0x1E800] =	vst v63  }
0x37: {  	_ =	swait.ge [sflag:s17], $0x1400  }
0x38: {  	[sflag:s17] =	ssyncset.done $0x0  }
0x39: {  	[sflag:s17] =	ssyncadd.s32 $0xFFFFEC00  }
0x3a: {  	[tilespmem:s16], [sflag:$0x1] =	stream.indirect.gather [hbm4b:s4+s18], $0x80, s28, s18, $0xb8;
	[tilespmem:$0x1E800] =	vst v63  }
0x3b: {  	_ = 	snop  }
0x3c: {  	[tilespmem:s21], [sflag:$0x2] =	stream.indirect.gather [hbm4b:s4+s18], $0x80, s18, s18, $0xb8;
	[tilespmem:$0x1E800] =	vst v63  }
0x3d: {  	_ =	swait.ge [sflag:s22], $0x4000  }
0x3e: {  	[sflag:s22] =	ssyncset.done $0x0  }
0x3f: {  	s28 =	simm.s32 $0x1400;
	[sflag:s22] =	ssyncadd.s32 $0xFFFFC000  }
0x40: {  	[spmem:s2] =	stream.indirect.scatter.add.f32 [tilespmem:s16], [sflag:$0x3], $0x80, s28, s18, $0xb8;
	[tilespmem:$0x1E800] =	vst v63  }
0x41: {  	_ =	swait.ge [sflag:s17], $0x4000  }
0x42: {  	[sflag:s17] =	ssyncset.done $0x0  }
0x43: {  	s28 =	simm.s32 $0x100;
	[sflag:s17] =	ssyncadd.s32 $0xFFFFC000  }
0x44: {  	[tilespmem:s16], [sflag:$0x1] =	stream.indirect.gather [hbm4b:s4+s18], $0x80, s28, s18, $0xb8;
	[tilespmem:$0x1E800] =	vst v63  }
0x45: {  	_ =	swait.ge [sflag:s23], $0x4000  }
0x46: {  	[sflag:s23] =	ssyncset.done $0x0  }
0x47: {  	s28 =	simm.s32 $0x1480;
	[sflag:s23] =	ssyncadd.s32 $0xFFFFC000  }
0x48: {  	[spmem:s2] =	stream.indirect.scatter.add.f32 [tilespmem:s21], [sflag:$0x3], $0x80, s28, s18, $0xb8;
	[tilespmem:$0x1E800] =	vst v63  }
0x49: {  	_ =	swait.ge [sflag:s17], $0x4000  }
0x4a: {  	[sflag:s17] =	ssyncset.done $0x0  }
0x4b: {  	s29 =	simm.s32 $0x180;
	s28 =	simm.s32 $0x400;
	[sflag:s17] =	ssyncadd.s32 $0xFFFFC000  }
.LBB2_4:
0x4c: {  	[tilespmem:s21], [sflag:$0x2] =	stream.indirect.gather [hbm4b:s4+s18], $0x80, s29, s18, $0xb8;
	[tilespmem:$0x1E800] =	vst v63  }
0x4d: {  	s29 =	smov.u32 s28  }
0x4e: {  	p0 =	sne.s32 s28, $0x4800;
	s28 =	sadd.s32 $0x400, s28;
	_ =	swait.ge [sflag:s22], $0x4000  }
0x4f: {  	s29 =	sshra.s32 s29, $0x2;
	[sflag:s22] =	ssyncset.done $0x0  }
0x50: {  	s30 =	sadd.s32 $0x1400, s29;
	[sflag:s22] =	ssyncadd.s32 $0xFFFFC000  }
0x51: {  	[spmem:s2] =	stream.indirect.scatter.add.f32 [tilespmem:s16], [sflag:$0x3], $0x80, s30, s18, $0xb8;
	[tilespmem:$0x1E800] =	vst v63  }
0x52: {  	_ =	swait.ge [sflag:s17], $0x4000  }
0x53: {  	[sflag:s17] =	ssyncset.done $0x0  }
0x54: {  	s30 =	sadd.s32 $0x100, s29;
	[sflag:s17] =	ssyncadd.s32 $0xFFFFC000  }
0x55: {  	[tilespmem:s16], [sflag:$0x1] =	stream.indirect.gather [hbm4b:s4+s18], $0x80, s30, s18, $0xb8;
	[tilespmem:$0x1E800] =	vst v63  }
0x56: {  	_ =	swait.ge [sflag:s23], $0x4000  }
0x57: {  	[sflag:s23] =	ssyncset.done $0x0  }
.Ltmp1:
0x58: {  	s30 =	sadd.s32 $0x1480, s29;
	[sflag:s23] =	ssyncadd.s32 $0xFFFFC000;
	(pc) =	sbr.rel @p0 .LBB2_4-.Ltmp1, $4  }
0x59: {  	[spmem:s2] =	stream.indirect.scatter.add.f32 [tilespmem:s21], [sflag:$0x3], $0x80, s30, s18, $0xb8;
	[tilespmem:$0x1E800] =	vst v63  }
0x5a: {  	_ =	swait.ge [sflag:s17], $0x4000  }
0x5b: {  	[sflag:s17] =	ssyncset.done $0x0  }
0x5c: {  	s29 =	sadd.s32 $0x180, s29;
	[sflag:s17] =	ssyncadd.s32 $0xFFFFC000  }
0x5d: {  	[tilespmem:s21], [sflag:$0x2] =	stream.indirect.gather [hbm4b:s4+s18], $0x80, s29, s18, $0xb8;
	[tilespmem:$0x1E800] =	vst v63  }
0x5e: {  	_ =	swait.ge [sflag:s22], $0x4000  }
0x5f: {  	[sflag:s22] =	ssyncset.done $0x0  }
0x60: {  	[sflag:s22] =	ssyncadd.s32 $0xFFFFC000  }
0x61: {  	[spmem:s2] =	stream.indirect.scatter.add.f32 [tilespmem:s16], [sflag:$0x3], $0x80, s24, s18, $0xb8;
	[tilespmem:$0x1E800] =	vst v63  }
0x62: {  	_ =	swait.ge [sflag:s17], $0x4000  }
0x63: {  	[sflag:s17] =	ssyncset.done $0x0  }
0x64: {  	[sflag:s17] =	ssyncadd.s32 $0xFFFFC000  }
0x65: {  	_ =	swait.ge [sflag:s23], $0x4000  }
0x66: {  	[sflag:s23] =	ssyncset.done $0x0  }
0x67: {  	[sflag:s23] =	ssyncadd.s32 $0xFFFFC000  }
0x68: {  	[spmem:s2] =	stream.indirect.scatter.add.f32 [tilespmem:s21], [sflag:$0x3], $0x80, s25, s18, $0xb8;
	[tilespmem:$0x1E800] =	vst v63  }
0x69: {  	_ =	swait.ge [sflag:s17], $0x4000  }
0x6a: {  	[sflag:s17] =	ssyncset.done $0x0  }
0x6b: {  	s28 =	simm.s32 $0x0;
	[sflag:s17] =	ssyncadd.s32 $0xFFFFC000  }
0x6c: {  	[tilespmem:s28], [sflag:$0x3] =	stream.strided.gather [hbm4b:s12+s18], $0x1400, s19, s18, $0x38;
	[tilespmem:$0x1E800] =	vst v63  }
0x6d: {  	_ =	swait.ge [sflag:s17], $0x1400  }
0x6e: {  	[sflag:s17] =	ssyncset.done $0x0  }
0x6f: {  	[sflag:s17] =	ssyncadd.s32 $0xFFFFEC00  }
0x70: {  	[tilespmem:s20], [sflag:$0x3] =	stream.linear.gather [hbm4b:s13+s28], $0x1400, $0x38;
	[tilespmem:$0x1E800] =	vst v63  }
0x71: {  	_ =	swait.ge [sflag:s17], $0x1400  }
0x72: {  	[sflag:s17] =	ssyncset.done $0x0  }
0x73: {  	[sflag:s17] =	ssyncadd.s32 $0xFFFFEC00  }
0x74: {  	[tilespmem:s16], [sflag:$0x1] =	stream.indirect.gather [hbm4b:s4+s18], $0x80, s28, s18, $0xb8;
	[tilespmem:$0x1E800] =	vst v63  }
0x75: {  	_ = 	snop  }
0x76: {  	[tilespmem:s21], [sflag:$0x2] =	stream.indirect.gather [hbm4b:s4+s18], $0x80, s18, s18, $0xb8;
	[tilespmem:$0x1E800] =	vst v63  }
0x77: {  	_ =	swait.ge [sflag:s22], $0x4000  }
0x78: {  	[sflag:s22] =	ssyncset.done $0x0  }
0x79: {  	s28 =	simm.s32 $0x1400;
	[sflag:s22] =	ssyncadd.s32 $0xFFFFC000  }
0x7a: {  	[spmem:s2] =	stream.indirect.scatter.add.f32 [tilespmem:s16], [sflag:$0x3], $0x80, s28, s18, $0xb8;
	[tilespmem:$0x1E800] =	vst v63  }
0x7b: {  	_ =	swait.ge [sflag:s17], $0x4000  }
0x7c: {  	[sflag:s17] =	ssyncset.done $0x0  }
0x7d: {  	s28 =	simm.s32 $0x100;
	[sflag:s17] =	ssyncadd.s32 $0xFFFFC000  }
0x7e: {  	[tilespmem:s16], [sflag:$0x1] =	stream.indirect.gather [hbm4b:s4+s18], $0x80, s28, s18, $0xb8;
	[tilespmem:$0x1E800] =	vst v63  }
0x7f: {  	_ =	swait.ge [sflag:s23], $0x4000  }
0x80: {  	[sflag:s23] =	ssyncset.done $0x0  }
0x81: {  	s28 =	simm.s32 $0x1480;
	[sflag:s23] =	ssyncadd.s32 $0xFFFFC000  }
0x82: {  	[spmem:s2] =	stream.indirect.scatter.add.f32 [tilespmem:s21], [sflag:$0x3], $0x80, s28, s18, $0xb8;
	[tilespmem:$0x1E800] =	vst v63  }
0x83: {  	_ =	swait.ge [sflag:s17], $0x4000  }
0x84: {  	[sflag:s17] =	ssyncset.done $0x0  }
0x85: {  	s29 =	simm.s32 $0x180;
	s28 =	simm.s32 $0x400;
	[sflag:s17] =	ssyncadd.s32 $0xFFFFC000  }
.LBB2_6:
0x86: {  	[tilespmem:s21], [sflag:$0x2] =	stream.indirect.gather [hbm4b:s4+s18], $0x80, s29, s18, $0xb8;
	[tilespmem:$0x1E800] =	vst v63  }
0x87: {  	s29 =	smov.u32 s28  }
0x88: {  	p0 =	sne.s32 s28, $0x4800;
	s28 =	sadd.s32 $0x400, s28;
	_ =	swait.ge [sflag:s22], $0x4000  }
0x89: {  	s29 =	sshra.s32 s29, $0x2;
	[sflag:s22] =	ssyncset.done $0x0  }
0x8a: {  	s30 =	sadd.s32 $0x1400, s29;
	[sflag:s22] =	ssyncadd.s32 $0xFFFFC000  }
0x8b: {  	[spmem:s2] =	stream.indirect.scatter.add.f32 [tilespmem:s16], [sflag:$0x3], $0x80, s30, s18, $0xb8;
	[tilespmem:$0x1E800] =	vst v63  }
0x8c: {  	_ =	swait.ge [sflag:s17], $0x4000  }
0x8d: {  	[sflag:s17] =	ssyncset.done $0x0  }
0x8e: {  	s30 =	sadd.s32 $0x100, s29;
	[sflag:s17] =	ssyncadd.s32 $0xFFFFC000  }
0x8f: {  	[tilespmem:s16], [sflag:$0x1] =	stream.indirect.gather [hbm4b:s4+s18], $0x80, s30, s18, $0xb8;
	[tilespmem:$0x1E800] =	vst v63  }
0x90: {  	_ =	swait.ge [sflag:s23], $0x4000  }
0x91: {  	[sflag:s23] =	ssyncset.done $0x0  }
.Ltmp2:
0x92: {  	s30 =	sadd.s32 $0x1480, s29;
	[sflag:s23] =	ssyncadd.s32 $0xFFFFC000;
	(pc) =	sbr.rel @p0 .LBB2_6-.Ltmp2, $4  }
0x93: {  	[spmem:s2] =	stream.indirect.scatter.add.f32 [tilespmem:s21], [sflag:$0x3], $0x80, s30, s18, $0xb8;
	[tilespmem:$0x1E800] =	vst v63  }
0x94: {  	_ =	swait.ge [sflag:s17], $0x4000  }
0x95: {  	[sflag:s17] =	ssyncset.done $0x0  }
0x96: {  	s29 =	sadd.s32 $0x180, s29;
	[sflag:s17] =	ssyncadd.s32 $0xFFFFC000  }
0x97: {  	[tilespmem:s21], [sflag:$0x2] =	stream.indirect.gather [hbm4b:s4+s18], $0x80, s29, s18, $0xb8;
	[tilespmem:$0x1E800] =	vst v63  }
0x98: {  	_ =	swait.ge [sflag:s22], $0x4000  }
0x99: {  	[sflag:s22] =	ssyncset.done $0x0  }
0x9a: {  	[sflag:s22] =	ssyncadd.s32 $0xFFFFC000  }
0x9b: {  	[spmem:s2] =	stream.indirect.scatter.add.f32 [tilespmem:s16], [sflag:$0x3], $0x80, s24, s18, $0xb8;
	[tilespmem:$0x1E800] =	vst v63  }
0x9c: {  	_ =	swait.ge [sflag:s17], $0x4000  }
0x9d: {  	[sflag:s17] =	ssyncset.done $0x0  }
0x9e: {  	[sflag:s17] =	ssyncadd.s32 $0xFFFFC000  }
0x9f: {  	_ =	swait.ge [sflag:s23], $0x4000  }
0xa0: {  	[sflag:s23] =	ssyncset.done $0x0  }
0xa1: {  	[sflag:s23] =	ssyncadd.s32 $0xFFFFC000  }
0xa2: {  	[spmem:s2] =	stream.indirect.scatter.add.f32 [tilespmem:s21], [sflag:$0x3], $0x80, s25, s18, $0xb8;
	[tilespmem:$0x1E800] =	vst v63  }
0xa3: {  	_ =	swait.ge [sflag:s17], $0x4000  }
0xa4: {  	s28 =	sshll.u32 s1, $0x6;
	s26 =	sadd.s32 $0x1, s26;
	[sflag:s17] =	ssyncset.done $0x0  }
0xa5: {  	s31 =	sshrl.u32 s5, $0x3;
	p0 =	sne.s32 s26, s15;
	[sflag:s17] =	ssyncadd.s32 $0xFFFFC000  }
.Ltmp3:
0xa6: {  	s28 =	sor.u32 $0x1C03, s28;
	[bflag:$0x0] =	sbarrier.arrive $0xFFFF;
	(pc) =	sbr.rel @p0 .LBB2_1-.Ltmp3, $4  }
0xa7: {  	[hbm:s14], [sflag:s28] =	dma.local [spmem:s31], $0x2800  }
0xa8: {  	_ =	swait.ge [sflag:s17], $0x2800  }
0xa9: {  	[sflag:s17] =	ssyncset.done $0x0  }
0xaa: {  	[sflag:s17] =	ssyncadd.s32 $0xFFFFD800  }
0xab: {  	_ =	sfence.sel $0x180000  }
0xac: {  	[bflag:$0x0] =	sbarrier.arrive $0xFFFF  }
0xad: {  	p0 =	sne.s32 s1, $0x0;
	_ =	strace $0x9000004D  }
0xae: {  	s0 =	sadd.s32 @!p0 $0x100000, s0;
	[bflag:$0x2] =	sbarrier.arrive $0xFFFF  }
0xaf: {  	[sflag:s0] =	ssyncadd.tile.s32 @!p0 $0x1;
	_ =	shalt  }
.Lfunc_end2:
_tile_overlayer_lowered:
.L_overlay_start_2:
0xb0: {  	(tag) =	ssettag $0x2  }
0xb1: {  	s0 =	rddreg [dreg:$0x0];
	s2 =	stileid.u32  }
0xb2: {  	s1 =	rddreg [dreg:$0x1];
	p0 =	sne.s32 s2, $0x0  }
0xb3: {  	s3 =	rddreg [dreg:$0x2];
	[bflag:$0x3] =	sbarrier.arrive $0xFFFF;
	s2 =	simm.s32 @!p0 $0x1C03  }
0xb4: {  	[timem:s3], [sflag:s2] =	dma.local @!p0 [hbm:s0], s1  }
0xb5: {  	s0 =	simm.s32 @!p0 $0x3  }
0xb6: {  	_ =	swait.ge @!p0 [sflag:s0], s1  }
0xb7: {  	s1 =	ssub.s32 @!p0 $0x0, s1;
	[sflag:s0] =	ssyncset.done @!p0 $0x0  }
0xb8: {  	[sflag:s0] =	ssyncadd.s32 @!p0 s1  }
0xb9: {  	[bflag:$0x3] =	sbarrier.arrive $0xFFFF  }
0xba: {  	_ =	shalt  }

// kernel: kernel.9.cloned.1.call-start
scs
__scs_entry_jumppad:
0x0: {  	(pc) =	sbr.rel $0x88, $3  }
0x1: {  	(tag) =	ssettag $0x0;
	lr =	simm.s32 $0x1  }
0x2: {  	[smem:$0x3F80] =	sst lr;
	_ =	strace $0xD0000000  }
0x3: {  	_ = 	snop  }
0x4: {  	_ = 	snop  }
0x5: {  	_ = 	snop  }
0x6: {  	_ = 	snop  }
0x7: {  	_ = 	snop  }
__scs_overlays_trampoline_lowered:
0x8: {  	[smem:$0x3F8F] =	sst s0  }
0x9: {  	[smem:$0x3F90] =	sst s1  }
0xa: {  	[smem:$0x3F91] =	sst s2  }
0xb: {  	[smem:$0x3F92] =	sst s3  }
0xc: {  	[smem:$0x3F93] =	sst s4  }
0xd: {  	[smem:$0x3F94] =	sst s5  }
0xe: {  	[smem:$0x3F95] =	sst s6  }
0xf: {  	[smem:$0x3F96] =	sst s7  }
0x10: {  	[smem:$0x3F97] =	sst s8  }
0x11: {  	[smem:$0x3F98] =	sst s9;
	s0 =	simm.s32 @!p0 $0x0  }
0x12: {  	s1 =	sld [smem:$0x3F7E];
	s0 =	simm.s32 @p0 $0x1  }
0x13: {  	[smem:$0x3F99] =	sst s0;
	s0 =	simm.s32 @!p1 $0x0  }
0x14: {  	s2 =	sld [smem:$0x3F7D];
	s0 =	simm.s32 @p1 $0x1  }
0x15: {  	[smem:$0x3F9A] =	sst s0;
	s0 =	simm.s32 @!p2 $0x0  }
0x16: {  	s3 =	sld [smem:$0x3FDB];
	s0 =	simm.s32 @p2 $0x1  }
0x17: {  	s4 =	simm.s32 $0x1BF5;
	[smem:$0x3F9C] =	sst s0  }
0x18: {  	s0 =	sld [smem:$0x3F7F];
	_ =	swait.ge [sflag:s4], $0x0  }
0x19: {  	s7 =	sld [smem:$0x3F80]  }
0x1a: {  	s8 =	sadd.s32 $0xFFFFE003, lr  }
0x1b: {  	s9 =	sadd.s32 $0xFFFFFEF7, lr;
	s5 =	simm.s32 $0xFFFFFFFF;
	p2 =	slt.u32 s8, $0xFFFFF086  }
0x1c: {  	p1 =	slt.u32 s9, $0xF7A;
	s5 =	simm.s32 @!p2 $0x0  }
0x1d: {  	s5 =	simm.s32 @p1 $0x1;
	p0 =	seq.s32 s7, s2  }
0x1e: {  	s7 =	smul.u32 @!p0 $0xF7A, s2;
	p2 =	seq.s32 @!p0 s5, $0x0  }
0x1f: {  	s9 =	smul.u32 $0xF7A, s1;
	s8 =	simm.s32 @!p0 $0x1BF5;
	p2 =	por !p2, p0  }
0x20: {  	[sflag:s8] =	ssyncset.s32 @!p0 $0xFFFFF086;
	s6 =	sadd.s32 @!p0 s3, s7;
	s7 =	simm.s32 @!p0 $0x108  }
0x21: {  	s3 =	sadd.s32 s3, s9;
	s6 =	sadd.s32 @!p0 $0x88, s6;
	s7 =	simm.s32 @p2 $0x1082  }
0x22: {  	[simem:s7], [sflag:s8] =	dma.local @!p0 [hbm:s6], $0xF7A  }
0x23: {  	s9 =	sor.u32 $0xD0000000, s2;
	s6 =	simm.s32 $0x108;
	_ =	swait.ge @!p0 [sflag:s8], $0x0  }
0x24: {  	s3 =	sadd.s32 $0x88, s3;
	s6 =	simm.s32 @!p1 $0x1082;
	[sflag:s4] =	ssyncset.s32 $0xFFFFF086  }
0x25: {  	[simem:s6], [sflag:s4] =	dma.local [hbm:s3], $0xF7A  }
0x26: {  	[smem:$0x3F80] =	sst s1;
	(tag) =	ssettag s2;
	_ =	strace s9  }
0x27: {  	s1 =	sld [smem:$0x3F90]  }
0x28: {  	s2 =	sld [smem:$0x3F91]  }
0x29: {  	s4 =	sld [smem:$0x3F93]  }
0x2a: {  	p0 =	seq.s32 s5, $0x0;
	s5 =	sld [smem:$0x3F94]  }
0x2b: {  	s6 =	sld [smem:$0x3F95]  }
0x2c: {  	s7 =	sld [smem:$0x3F96]  }
0x2d: {  	s3 =	simm.s32 $0x108;
	s8 =	sld [smem:$0x3F97]  }
0x2e: {  	s3 =	simm.s32 @!p0 $0x1082;
	s9 =	sld [smem:$0x3F98]  }
0x2f: {  	lr =	sadd.s32 s0, s3;
	s0 =	sld [smem:$0x3F8F]  }
0x30: {  	s3 =	sld [smem:$0x3F92]  }
0x31: {  	[smem:$0x3F9B] =	sst s10  }
0x32: {  	s10 =	sld [smem:$0x3F99];
	_ =	sdelay $0x3  }
0x33: {  	p0 =	seq.s32 s10, $0x1;
	s10 =	sld [smem:$0x3F9B];
	_ =	sdelay $0x3  }
0x34: {  	[smem:$0x3F9B] =	sst s10  }
0x35: {  	s10 =	sld [smem:$0x3F9A];
	_ =	sdelay $0x3  }
0x36: {  	p1 =	seq.s32 s10, $0x1;
	s10 =	sld [smem:$0x3F9B];
	_ =	sdelay $0x3  }
0x37: {  	[smem:$0x3F9B] =	sst s10  }
0x38: {  	s10 =	sld [smem:$0x3F9C]  }
0x39: {  	_ = 	snop;
	(pc) =	sbr.ind lr, $3  }
0x3a: {  	_ = 	snop  }
0x3b: {  	_ = 	snop  }
0x3c: {  	p2 =	seq.s32 s10, $0x1;
	s10 =	sld [smem:$0x3F9B]  }
0x3d: {  	_ =	shalt  }
0x3e: {  	_ =	shalt  }
0x3f: {  	_ =	shalt  }
0x40: {  	_ =	shalt  }
0x41: {  	_ =	shalt  }
0x42: {  	_ =	shalt  }
0x43: {  	_ =	shalt  }
0x44: {  	_ =	shalt  }
0x45: {  	_ =	shalt  }
0x46: {  	_ =	shalt  }
0x47: {  	_ =	shalt  }
0x48: {  	_ =	shalt  }
0x49: {  	_ =	shalt  }
0x4a: {  	_ =	shalt  }
0x4b: {  	_ =	shalt  }
0x4c: {  	_ =	shalt  }
0x4d: {  	_ =	shalt  }
0x4e: {  	_ =	shalt  }
0x4f: {  	_ =	shalt  }
0x50: {  	_ =	shalt  }
0x51: {  	_ =	shalt  }
0x52: {  	_ =	shalt  }
0x53: {  	_ =	shalt  }
0x54: {  	_ =	shalt  }
0x55: {  	_ =	shalt  }
0x56: {  	_ =	shalt  }
0x57: {  	_ =	shalt  }
0x58: {  	_ =	shalt  }
0x59: {  	_ =	shalt  }
0x5a: {  	_ =	shalt  }
0x5b: {  	_ =	shalt  }
0x5c: {  	_ =	shalt  }
0x5d: {  	_ =	shalt  }
0x5e: {  	_ =	shalt  }
0x5f: {  	_ =	shalt  }
0x60: {  	_ =	shalt  }
0x61: {  	_ =	shalt  }
0x62: {  	_ =	shalt  }
0x63: {  	_ =	shalt  }
0x64: {  	_ =	shalt  }
0x65: {  	_ =	shalt  }
0x66: {  	_ =	shalt  }
0x67: {  	_ =	shalt  }
0x68: {  	_ =	shalt  }
0x69: {  	_ =	shalt  }
0x6a: {  	_ =	shalt  }
0x6b: {  	_ =	shalt  }
0x6c: {  	_ =	shalt  }
0x6d: {  	_ =	shalt  }
0x6e: {  	_ =	shalt  }
0x6f: {  	_ =	shalt  }
0x70: {  	_ =	shalt  }
0x71: {  	_ =	shalt  }
0x72: {  	_ =	shalt  }
0x73: {  	_ =	shalt  }
0x74: {  	_ =	shalt  }
0x75: {  	_ =	shalt  }
0x76: {  	_ =	shalt  }
0x77: {  	_ =	shalt  }
0x78: {  	_ =	shalt  }
0x79: {  	_ =	shalt  }
0x7a: {  	_ =	shalt  }
0x7b: {  	_ =	shalt  }
0x7c: {  	_ =	shalt  }
0x7d: {  	_ =	shalt  }
0x7e: {  	_ =	shalt  }
0x7f: {  	_ =	shalt  }
0x80: {  	_ =	shalt  }
0x81: {  	_ =	shalt  }
0x82: {  	_ =	shalt  }
0x83: {  	_ =	shalt  }
0x84: {  	_ =	shalt  }
0x85: {  	_ =	shalt  }
0x86: {  	_ =	shalt  }
0x87: {  	_ =	shalt  }
.Lfunc_end0:
.L_simem_size_0:
called_computation_lowered:
.L_overlay_start_0:
0x88: {  	s2 =	sld [smem:$0x3FD9]  }
0x89: {  	s3 =	sld [smem:$0x3FFE];
	_ =	sdelay $0x1  }
0x8a: {  	s1 =	srdreg.scid  }
0x8b: {  	s0 =	sand.u32 $0x1, s1  }
0x8c: {  	s17 =	sshll.u32 s0, $0xA;
	s2 =	sadd.s32 s3, s2  }
0x8d: {  	s2 =	sadd.s32 s2, s17  }
0x8e: {  	[smem:$0x3FA7] =	sst s2  }
0x8f: {  	_ = 	snop  }
0x90: {  	s2 =	sld [smem:$0x3FC9]  }
0x91: {  	s18 =	sld [smem:$0x3FD0];
	(tm) =	ssettm $0x1  }
0x92: {  	s4 =	sld [smem:$0x3FFB];
	_ =	sdelay $0x3  }
0x93: {  	_ =	strace s4  }
0x94: {  	s4 =	sld [smem:$0x3FFC];
	_ =	sdelay $0x3  }
0x95: {  	_ =	strace s4  }
0x96: {  	s4 =	sld [smem:$0x3FFD];
	_ =	sdelay $0x3  }
0x97: {  	_ =	strace s4  }
0x98: {  	_ =	strace $0x8FFFFFFF  }
0x99: {  	s19 =	sld [smem:$0x3FDB];
	_ =	sdelay $0x1  }
0x9a: {  	s5 =	simm.s32 $_scs_section_size  }
0x9b: {  	s6 =	simm.s32 $_size__tile_overlayer_lowered;
	s7 =	simm.s32 $_tile_overlayer_lowered  }
0x9c: {  	s22 =	simm.s32 $0x1BFF;
	s21 =	sshll.u32 s7, $0x1;
	s4 =	sadd.s32 s5, s19  }
0x9d: {  	s8 =	simm.s32 $0x0;
	s20 =	sshll.u32 s6, $0x1;
	s6 =	sadd.s32 s21, s4  }
0x9e: {  	[timem:s8], [sflag:s22] =	dma.local [hbm:s6], s20  }
0x9f: {  	_ =	swait.ge [sflag:s22], s20  }
0xa0: {  	s5 =	ssub.s32 $0x0, s20;
	[sflag:s22] =	ssyncset.done $0x0  }
0xa1: {  	[sflag:s22] =	ssyncadd.s32 s5;
	_ =	sdelay $0x1  }
0xa2: {  	s23 =	simm.s32 $0x1B8B  }
0xa3: {  	_ =	swait.ge [sflag:s23], $0x1  }
0xa4: {  	[sflag:s23] =	ssyncset.done $0x0  }
0xa5: {  	s25 =	simm.s32 $0x1B8E;
	s24 =	sld [smem:$0x3FFE];
	[sflag:s23] =	ssyncadd.s32 $0xFFFFFFFF  }
0xa6: {  	s26 =	simm.s32 $execute0_lowered;
	[smem:$0x3FD2] =	sst s25  }
0xa7: {  	s6 =	sshll.u32 s26, $0x1;
	_ =	strace $0x80000046;
	[dreg:$0x1] =	wrdreg $0xFFFFFFFF  }
0xa8: {  	s28 =	simm.s32 $_size_execute0_lowered;
	s4 =	sadd.s32 s4, s6;
	[dreg:$0x0] =	wrdreg $0x0  }
0xa9: {  	s6 =	sshll.u32 s28, $0x1;
	[dreg:$0x2] =	wrdreg s4  }
0xaa: {  	[dreg:$0x3] =	wrdreg s6  }
0xab: {  	[dreg:$0x4] =	wrdreg $0xC0  }
0xac: {  	_ =	task [dreg:s8], $0x5FFFF  }
0xad: {  	[dreg:$0x1] =	wrdreg $0xFFFFFFFF  }
0xae: {  	[dreg:$0x0] =	wrdreg $0x60  }
0xaf: {  	[dreg:$0x2] =	wrdreg s2  }
0xb0: {  	[dreg:$0x3] =	wrdreg s24  }
0xb1: {  	[dreg:$0x4] =	wrdreg s18  }
0xb2: {  	[dreg:$0x5] =	wrdreg $0xA8000  }
0xb3: {  	[dreg:$0x6] =	wrdreg $0x9  }
0xb4: {  	_ =	task.clear_ibuf [dreg:s8], $0x7FFFF;
	_ =	strace $0x90000046  }
0xb5: {  	s29 =	simm.s32 $0x9;
	_ =	strace $0x80000048  }
0xb6: {  	_ =	swait.ge [sflag:s29], $0x1  }
0xb7: {  	[sflag:s29] =	ssyncadd.s32 $0xFFFFFFFF  }
0xb8: {  	_ =	strace $0x90000048  }
0xb9: {  	_ =	sfence  }
0xba: {  	s30 =	sld [smem:$0x0];
	_ =	sdelay $0x2  }
0xbb: {  	s31 =	sshll.u32 s1, $0xD;
	s1 =	sshrl.u32 s1, $0x2  }
0xbc: {  	s3 =	sand.u32 $0x4000, s31;
	s1 =	sadd.s32 s1, s30  }
0xbd: {  	s0 =	sor.u32 s3, s0;
	s1 =	sshll.u32 s1, $0x11  }
0xbe: {  	s0 =	sor.u32 s1, s0  }
0xbf: {  	s0 =	sadd.s32 $0x8F2B, s0  }
0xc0: {  	[sflag:s0] =	ssyncadd.remote.s32 $0x1  }
0xc1: {  	_ =	sfence.sel $0xFFFF  }
0xc2: {  	[dreg:$0x0] =	wrdreg $0xFFFFFFFF;
	(pc) =	sbr.abs _section_cstart, $3  }
0xc3: {  	[dreg:$0x1] =	wrdreg $0xFFFFFFFF  }
0xc4: {  	_ =	task.clear_ibuf [dreg:s8], $0x2FFFF;
	_ =	strace $0x9FFFFFFF  }
0xc5: {  	(tm) =	ssettm $0x7FFFFFFF  }
tec
execute0_lowered:
.L_overlay_start_1:
0x0: {  	(tag) =	ssettag $0x1  }
0x1: {  	s0 =	rddreg [dreg:$0x0]  }
0x2: {  	s5 =	rddreg [dreg:$0x1]  }
0x3: {  	s11 =	rddreg [dreg:$0x2]  }
0x4: {  	s3 =	rddreg [dreg:$0x3]  }
0x5: {  	s1 =	srdreg.scid;
	s2 =	rddreg [dreg:$0x4]  }
0x6: {  	s4 =	simm.s32 $0x0;
	s16 =	simm.s32 $0x2800;
	s17 =	simm.s32 $0x3  }
0x7: {  	s18 =	simm.s32 $0x80;
	s19 =	simm.s32 $0x100;
	s20 =	simm.s32 $0x1400  }
0x8: {  	s21 =	simm.s32 $0x6800;
	s22 =	simm.s32 $0x1;
	s6 =	sand.u32 $0x1, s1  }
0x9: {  	s23 =	simm.s32 $0x2;
	s1 =	stileid.u32;
	s7 =	smul.u32 $0x28000, s6  }
0xa: {  	s24 =	simm.s32 $0x2700;
	s25 =	simm.s32 $0x2780;
	s8 =	smul.u32 $0x2800, s1  }
0xb: {  	s26 =	simm.s32 $0x0;
	[smem:$0x7FF] =	sst s4;
	s9 =	smul.u32 $0x140000, s6  }
0xc: {  	s29 =	smul.u32 $0x14000, s1;
	_ =	strace $0x80000047;
	s6 =	ssub.s32 $0x2, s6  }
0xd: {  	s30 =	smul.u32 $0x50000, s1;
	s31 =	sshrl.u32 s6, $0x1;
	s7 =	sadd.s32 s8, s7  }
0xe: {  	s8 =	sadd.s32 s29, s9;
	s15 =	ssub.s32 s6, s31;
	s12 =	sshrl.u32 s7, $0x3  }
0xf: {  	s8 =	sshrl.u32 s8, $0x3;
	s7 =	sshrl.u32 s30, $0x2;
	s15 =	smax.u32 s15, $0x1  }
0x10: {  	s13 =	sadd.s32 s12, s5;
	s14 =	sadd.s32 s8, s5;
	s5 =	sadd.s32 s7, s3  }
0x11: {  	s11 =	sadd.s32 s11, s12;
	s6 =	sadd.s32 $0x4000, s5;
	s7 =	sadd.s32 $0x8000, s5  }
0x12: {  	s8 =	sadd.s32 $0xC000, s5;
	s9 =	sadd.s32 $0x10000, s5;
	s10 =	sadd.s32 $0x5400, s13  }
0x13: {  	v0 =	vimm.f32 $0.0e+00;
	s12 =	sadd.s32 $0x5410, s13;
	s13 =	sadd.s32 $0x280, s11;
	s14 =	sadd.s32 $0xF400, s14  }
.LBB2_1:
0x14: {  	s28 =	sand.u32 $0xFE00, s4  }
0x15: {  	s29 =	sand.u32 $0x70, s4;
	s30 =	sshrl.u32 s28, $0x2  }
0x16: {  	s28 =	simm.s32 $0x40;
	s30 =	sor.u32 s29, s30;
	s29 =	simm.s32 $0x0  }
.LBB2_2:
0x17: {  	p0 =	sne.s32 s28, $0xFFC0  }
0x18: {  	[tilespmem:s30+$0x2800] =	vst v0;
	s29 =	sadd.s32 $0x10, s29;
	s30 =	smov.u32 s28;
	s28 =	sadd.s32 $0x40, s28  }
.Ltmp0:
0x19: {  	(pc) =	sbr.rel @p0 .LBB2_2-.Ltmp0, $4  }
0x1a: {  	_ = 	snop  }
0x1b: {  	s30 =	sand.u32 $0xFE00, s30  }
0x1c: {  	s31 =	sand.u32 $0x70, s29;
	s30 =	sshrl.u32 s30, $0x2  }
0x1d: {  	s30 =	sor.u32 s31, s30  }
0x1e: {  	[tilespmem:s30+$0x2800] =	vst v0  }
0x1f: {  	[spmem:s5] =	stream.linear.scatter [tilespmem:s16], [sflag:$0x3], $0x4000, $0x38;
	[tilespmem:$0x1E800] =	vst v63  }
0x20: {  	_ =	swait.ge [sflag:s17], $0x4000  }
0x21: {  	[sflag:s17] =	ssyncset.done $0x0  }
0x22: {  	[sflag:s17] =	ssyncadd.s32 $0xFFFFC000  }
0x23: {  	[spmem:s6] =	stream.linear.scatter [tilespmem:s16], [sflag:$0x3], $0x4000, $0x38;
	[tilespmem:$0x1E800] =	vst v63  }
0x24: {  	_ =	swait.ge [sflag:s17], $0x4000  }
0x25: {  	[sflag:s17] =	ssyncset.done $0x0  }
0x26: {  	[sflag:s17] =	ssyncadd.s32 $0xFFFFC000  }
0x27: {  	[spmem:s7] =	stream.linear.scatter [tilespmem:s16], [sflag:$0x3], $0x4000, $0x38;
	[tilespmem:$0x1E800] =	vst v63  }
0x28: {  	_ =	swait.ge [sflag:s17], $0x4000  }
0x29: {  	[sflag:s17] =	ssyncset.done $0x0  }
0x2a: {  	[sflag:s17] =	ssyncadd.s32 $0xFFFFC000  }
0x2b: {  	[spmem:s8] =	stream.linear.scatter [tilespmem:s16], [sflag:$0x3], $0x4000, $0x38;
	[tilespmem:$0x1E800] =	vst v63  }
0x2c: {  	_ =	swait.ge [sflag:s17], $0x4000  }
0x2d: {  	[sflag:s17] =	ssyncset.done $0x0  }
0x2e: {  	[sflag:s17] =	ssyncadd.s32 $0xFFFFC000  }
0x2f: {  	[spmem:s9] =	stream.linear.scatter [tilespmem:s16], [sflag:$0x3], $0x4000, $0x38;
	[tilespmem:$0x1E800] =	vst v63  }
0x30: {  	_ =	swait.ge [sflag:s17], $0x4000  }
0x31: {  	[sflag:s17] =	ssyncset.done $0x0  }
0x32: {  	[sflag:s17] =	ssyncadd.s32 $0xFFFFC000  }
0x33: {  	s28 =	simm.s32 $0x0;
	[bflag:$0x0] =	sbarrier.arrive $0xFFFF  }
0x34: {  	[tilespmem:s28], [sflag:$0x3] =	stream.strided.gather [hbm4b:s10+s18], $0x1400, s19, s18, $0x38;
	[tilespmem:$0x1E800] =	vst v63  }
0x35: {  	_ =	swait.ge [sflag:s17], $0x1400  }
0x36: {  	[sflag:s17] =	ssyncset.done $0x0  }
0x37: {  	[sflag:s17] =	ssyncadd.s32 $0xFFFFEC00  }
0x38: {  	[tilespmem:s20], [sflag:$0x3] =	stream.linear.gather [hbm4b:s11+s28], $0x1400, $0x38;
	[tilespmem:$0x1E800] =	vst v63  }
0x39: {  	_ =	swait.ge [sflag:s17], $0x1400  }
0x3a: {  	[sflag:s17] =	ssyncset.done $0x0  }
0x3b: {  	[sflag:s17] =	ssyncadd.s32 $0xFFFFEC00  }
0x3c: {  	[tilespmem:s16], [sflag:$0x1] =	stream.indirect.gather [hbm4b:s0+s18], $0x80, s28, s18, $0xb8;
	[tilespmem:$0x1E800] =	vst v63  }
0x3d: {  	_ = 	snop  }
0x3e: {  	[tilespmem:s21], [sflag:$0x2] =	stream.indirect.gather [hbm4b:s0+s18], $0x80, s18, s18, $0xb8;
	[tilespmem:$0x1E800] =	vst v63  }
0x3f: {  	_ =	swait.ge [sflag:s22], $0x4000  }
0x40: {  	[sflag:s22] =	ssyncset.done $0x0  }
0x41: {  	s28 =	simm.s32 $0x1400;
	[sflag:s22] =	ssyncadd.s32 $0xFFFFC000  }
0x42: {  	[spmem:s3] =	stream.indirect.scatter.add.f32 [tilespmem:s16], [sflag:$0x3], $0x80, s28, s18, $0xb8;
	[tilespmem:$0x1E800] =	vst v63  }
0x43: {  	_ =	swait.ge [sflag:s17], $0x4000  }
0x44: {  	[sflag:s17] =	ssyncset.done $0x0  }
0x45: {  	s28 =	simm.s32 $0x100;
	[sflag:s17] =	ssyncadd.s32 $0xFFFFC000  }
0x46: {  	[tilespmem:s16], [sflag:$0x1] =	stream.indirect.gather [hbm4b:s0+s18], $0x80, s28, s18, $0xb8;
	[tilespmem:$0x1E800] =	vst v63  }
0x47: {  	_ =	swait.ge [sflag:s23], $0x4000  }
0x48: {  	[sflag:s23] =	ssyncset.done $0x0  }
0x49: {  	s28 =	simm.s32 $0x1480;
	[sflag:s23] =	ssyncadd.s32 $0xFFFFC000  }
0x4a: {  	[spmem:s3] =	stream.indirect.scatter.add.f32 [tilespmem:s21], [sflag:$0x3], $0x80, s28, s18, $0xb8;
	[tilespmem:$0x1E800] =	vst v63  }
0x4b: {  	_ =	swait.ge [sflag:s17], $0x4000  }
0x4c: {  	[sflag:s17] =	ssyncset.done $0x0  }
0x4d: {  	s29 =	simm.s32 $0x180;
	s28 =	simm.s32 $0x400;
	[sflag:s17] =	ssyncadd.s32 $0xFFFFC000  }
.LBB2_4:
0x4e: {  	[tilespmem:s21], [sflag:$0x2] =	stream.indirect.gather [hbm4b:s0+s18], $0x80, s29, s18, $0xb8;
	[tilespmem:$0x1E800] =	vst v63  }
0x4f: {  	s29 =	smov.u32 s28  }
0x50: {  	p0 =	sne.s32 s28, $0x4800;
	s28 =	sadd.s32 $0x400, s28;
	_ =	swait.ge [sflag:s22], $0x4000  }
0x51: {  	s29 =	sshra.s32 s29, $0x2;
	[sflag:s22] =	ssyncset.done $0x0  }
0x52: {  	s30 =	sadd.s32 $0x1400, s29;
	[sflag:s22] =	ssyncadd.s32 $0xFFFFC000  }
0x53: {  	[spmem:s3] =	stream.indirect.scatter.add.f32 [tilespmem:s16], [sflag:$0x3], $0x80, s30, s18, $0xb8;
	[tilespmem:$0x1E800] =	vst v63  }
0x54: {  	_ =	swait.ge [sflag:s17], $0x4000  }
0x55: {  	[sflag:s17] =	ssyncset.done $0x0  }
0x56: {  	s30 =	sadd.s32 $0x100, s29;
	[sflag:s17] =	ssyncadd.s32 $0xFFFFC000  }
0x57: {  	[tilespmem:s16], [sflag:$0x1] =	stream.indirect.gather [hbm4b:s0+s18], $0x80, s30, s18, $0xb8;
	[tilespmem:$0x1E800] =	vst v63  }
0x58: {  	_ =	swait.ge [sflag:s23], $0x4000  }
0x59: {  	[sflag:s23] =	ssyncset.done $0x0  }
.Ltmp1:
0x5a: {  	s30 =	sadd.s32 $0x1480, s29;
	[sflag:s23] =	ssyncadd.s32 $0xFFFFC000;
	(pc) =	sbr.rel @p0 .LBB2_4-.Ltmp1, $4  }
0x5b: {  	[spmem:s3] =	stream.indirect.scatter.add.f32 [tilespmem:s21], [sflag:$0x3], $0x80, s30, s18, $0xb8;
	[tilespmem:$0x1E800] =	vst v63  }
0x5c: {  	_ =	swait.ge [sflag:s17], $0x4000  }
0x5d: {  	[sflag:s17] =	ssyncset.done $0x0  }
0x5e: {  	s29 =	sadd.s32 $0x180, s29;
	[sflag:s17] =	ssyncadd.s32 $0xFFFFC000  }
0x5f: {  	[tilespmem:s21], [sflag:$0x2] =	stream.indirect.gather [hbm4b:s0+s18], $0x80, s29, s18, $0xb8;
	[tilespmem:$0x1E800] =	vst v63  }
0x60: {  	_ =	swait.ge [sflag:s22], $0x4000  }
0x61: {  	[sflag:s22] =	ssyncset.done $0x0  }
0x62: {  	[sflag:s22] =	ssyncadd.s32 $0xFFFFC000  }
0x63: {  	[spmem:s3] =	stream.indirect.scatter.add.f32 [tilespmem:s16], [sflag:$0x3], $0x80, s24, s18, $0xb8;
	[tilespmem:$0x1E800] =	vst v63  }
0x64: {  	_ =	swait.ge [sflag:s17], $0x4000  }
0x65: {  	[sflag:s17] =	ssyncset.done $0x0  }
0x66: {  	[sflag:s17] =	ssyncadd.s32 $0xFFFFC000  }
0x67: {  	_ =	swait.ge [sflag:s23], $0x4000  }
0x68: {  	[sflag:s23] =	ssyncset.done $0x0  }
0x69: {  	[sflag:s23] =	ssyncadd.s32 $0xFFFFC000  }
0x6a: {  	[spmem:s3] =	stream.indirect.scatter.add.f32 [tilespmem:s21], [sflag:$0x3], $0x80, s25, s18, $0xb8;
	[tilespmem:$0x1E800] =	vst v63  }
0x6b: {  	_ =	swait.ge [sflag:s17], $0x4000  }
0x6c: {  	[sflag:s17] =	ssyncset.done $0x0  }
0x6d: {  	s28 =	simm.s32 $0x0;
	[sflag:s17] =	ssyncadd.s32 $0xFFFFC000  }
0x6e: {  	[tilespmem:s28], [sflag:$0x3] =	stream.strided.gather [hbm4b:s12+s18], $0x1400, s19, s18, $0x38;
	[tilespmem:$0x1E800] =	vst v63  }
0x6f: {  	_ =	swait.ge [sflag:s17], $0x1400  }
0x70: {  	[sflag:s17] =	ssyncset.done $0x0  }
0x71: {  	[sflag:s17] =	ssyncadd.s32 $0xFFFFEC00  }
0x72: {  	[tilespmem:s20], [sflag:$0x3] =	stream.linear.gather [hbm4b:s13+s28], $0x1400, $0x38;
	[tilespmem:$0x1E800] =	vst v63  }
0x73: {  	_ =	swait.ge [sflag:s17], $0x1400  }
0x74: {  	[sflag:s17] =	ssyncset.done $0x0  }
0x75: {  	[sflag:s17] =	ssyncadd.s32 $0xFFFFEC00  }
0x76: {  	[tilespmem:s16], [sflag:$0x1] =	stream.indirect.gather [hbm4b:s0+s18], $0x80, s28, s18, $0xb8;
	[tilespmem:$0x1E800] =	vst v63  }
0x77: {  	_ = 	snop  }
0x78: {  	[tilespmem:s21], [sflag:$0x2] =	stream.indirect.gather [hbm4b:s0+s18], $0x80, s18, s18, $0xb8;
	[tilespmem:$0x1E800] =	vst v63  }
0x79: {  	_ =	swait.ge [sflag:s22], $0x4000  }
0x7a: {  	[sflag:s22] =	ssyncset.done $0x0  }
0x7b: {  	s28 =	simm.s32 $0x1400;
	[sflag:s22] =	ssyncadd.s32 $0xFFFFC000  }
0x7c: {  	[spmem:s3] =	stream.indirect.scatter.add.f32 [tilespmem:s16], [sflag:$0x3], $0x80, s28, s18, $0xb8;
	[tilespmem:$0x1E800] =	vst v63  }
0x7d: {  	_ =	swait.ge [sflag:s17], $0x4000  }
0x7e: {  	[sflag:s17] =	ssyncset.done $0x0  }
0x7f: {  	s28 =	simm.s32 $0x100;
	[sflag:s17] =	ssyncadd.s32 $0xFFFFC000  }
0x80: {  	[tilespmem:s16], [sflag:$0x1] =	stream.indirect.gather [hbm4b:s0+s18], $0x80, s28, s18, $0xb8;
	[tilespmem:$0x1E800] =	vst v63  }
0x81: {  	_ =	swait.ge [sflag:s23], $0x4000  }
0x82: {  	[sflag:s23] =	ssyncset.done $0x0  }
0x83: {  	s28 =	simm.s32 $0x1480;
	[sflag:s23] =	ssyncadd.s32 $0xFFFFC000  }
0x84: {  	[spmem:s3] =	stream.indirect.scatter.add.f32 [tilespmem:s21], [sflag:$0x3], $0x80, s28, s18, $0xb8;
	[tilespmem:$0x1E800] =	vst v63  }
0x85: {  	_ =	swait.ge [sflag:s17], $0x4000  }
0x86: {  	[sflag:s17] =	ssyncset.done $0x0  }
0x87: {  	s29 =	simm.s32 $0x180;
	s28 =	simm.s32 $0x400;
	[sflag:s17] =	ssyncadd.s32 $0xFFFFC000  }
.LBB2_6:
0x88: {  	[tilespmem:s21], [sflag:$0x2] =	stream.indirect.gather [hbm4b:s0+s18], $0x80, s29, s18, $0xb8;
	[tilespmem:$0x1E800] =	vst v63  }
0x89: {  	s29 =	smov.u32 s28  }
0x8a: {  	p0 =	sne.s32 s28, $0x4800;
	s28 =	sadd.s32 $0x400, s28;
	_ =	swait.ge [sflag:s22], $0x4000  }
0x8b: {  	s29 =	sshra.s32 s29, $0x2;
	[sflag:s22] =	ssyncset.done $0x0  }
0x8c: {  	s30 =	sadd.s32 $0x1400, s29;
	[sflag:s22] =	ssyncadd.s32 $0xFFFFC000  }
0x8d: {  	[spmem:s3] =	stream.indirect.scatter.add.f32 [tilespmem:s16], [sflag:$0x3], $0x80, s30, s18, $0xb8;
	[tilespmem:$0x1E800] =	vst v63  }
0x8e: {  	_ =	swait.ge [sflag:s17], $0x4000  }
0x8f: {  	[sflag:s17] =	ssyncset.done $0x0  }
0x90: {  	s30 =	sadd.s32 $0x100, s29;
	[sflag:s17] =	ssyncadd.s32 $0xFFFFC000  }
0x91: {  	[tilespmem:s16], [sflag:$0x1] =	stream.indirect.gather [hbm4b:s0+s18], $0x80, s30, s18, $0xb8;
	[tilespmem:$0x1E800] =	vst v63  }
0x92: {  	_ =	swait.ge [sflag:s23], $0x4000  }
0x93: {  	[sflag:s23] =	ssyncset.done $0x0  }
.Ltmp2:
0x94: {  	s30 =	sadd.s32 $0x1480, s29;
	[sflag:s23] =	ssyncadd.s32 $0xFFFFC000;
	(pc) =	sbr.rel @p0 .LBB2_6-.Ltmp2, $4  }
0x95: {  	[spmem:s3] =	stream.indirect.scatter.add.f32 [tilespmem:s21], [sflag:$0x3], $0x80, s30, s18, $0xb8;
	[tilespmem:$0x1E800] =	vst v63  }
0x96: {  	_ =	swait.ge [sflag:s17], $0x4000  }
0x97: {  	[sflag:s17] =	ssyncset.done $0x0  }
0x98: {  	s29 =	sadd.s32 $0x180, s29;
	[sflag:s17] =	ssyncadd.s32 $0xFFFFC000  }
0x99: {  	[tilespmem:s21], [sflag:$0x2] =	stream.indirect.gather [hbm4b:s0+s18], $0x80, s29, s18, $0xb8;
	[tilespmem:$0x1E800] =	vst v63  }
0x9a: {  	_ =	swait.ge [sflag:s22], $0x4000  }
0x9b: {  	[sflag:s22] =	ssyncset.done $0x0  }
0x9c: {  	[sflag:s22] =	ssyncadd.s32 $0xFFFFC000  }
0x9d: {  	[spmem:s3] =	stream.indirect.scatter.add.f32 [tilespmem:s16], [sflag:$0x3], $0x80, s24, s18, $0xb8;
	[tilespmem:$0x1E800] =	vst v63  }
0x9e: {  	_ =	swait.ge [sflag:s17], $0x4000  }
0x9f: {  	[sflag:s17] =	ssyncset.done $0x0  }
0xa0: {  	[sflag:s17] =	ssyncadd.s32 $0xFFFFC000  }
0xa1: {  	_ =	swait.ge [sflag:s23], $0x4000  }
0xa2: {  	[sflag:s23] =	ssyncset.done $0x0  }
0xa3: {  	[sflag:s23] =	ssyncadd.s32 $0xFFFFC000  }
0xa4: {  	[spmem:s3] =	stream.indirect.scatter.add.f32 [tilespmem:s21], [sflag:$0x3], $0x80, s25, s18, $0xb8;
	[tilespmem:$0x1E800] =	vst v63  }
0xa5: {  	_ =	swait.ge [sflag:s17], $0x4000  }
0xa6: {  	s28 =	sshll.u32 s1, $0x6;
	s26 =	sadd.s32 $0x1, s26;
	[sflag:s17] =	ssyncset.done $0x0  }
0xa7: {  	s31 =	sshrl.u32 s5, $0x3;
	p0 =	sne.s32 s26, s15;
	[sflag:s17] =	ssyncadd.s32 $0xFFFFC000  }
.Ltmp3:
0xa8: {  	s28 =	sor.u32 $0x1C03, s28;
	[bflag:$0x0] =	sbarrier.arrive $0xFFFF;
	(pc) =	sbr.rel @p0 .LBB2_1-.Ltmp3, $4  }
0xa9: {  	[hbm:s14], [sflag:s28] =	dma.local [spmem:s31], $0x2800  }
0xaa: {  	_ =	swait.ge [sflag:s17], $0x2800  }
0xab: {  	[sflag:s17] =	ssyncset.done $0x0  }
0xac: {  	[sflag:s17] =	ssyncadd.s32 $0xFFFFD800  }
0xad: {  	_ =	sfence.sel $0x180000  }
0xae: {  	[bflag:$0x0] =	sbarrier.arrive $0xFFFF  }
0xaf: {  	p0 =	sne.s32 s1, $0x0;
	_ =	strace $0x90000047  }
0xb0: {  	s0 =	sadd.s32 @!p0 $0x100000, s2;
	[bflag:$0x2] =	sbarrier.arrive $0xFFFF  }
0xb1: {  	[sflag:s0] =	ssyncadd.tile.s32 @!p0 $0x1;
	_ =	shalt  }
.Lfunc_end2:
_tile_overlayer_lowered:
.L_overlay_start_2:
0xb2: {  	(tag) =	ssettag $0x2  }
0xb3: {  	s0 =	rddreg [dreg:$0x0];
	s2 =	stileid.u32  }
0xb4: {  	s1 =	rddreg [dreg:$0x1];
	p0 =	sne.s32 s2, $0x0  }
0xb5: {  	s3 =	rddreg [dreg:$0x2];
	[bflag:$0x3] =	sbarrier.arrive $0xFFFF;
	s2 =	simm.s32 @!p0 $0x1C03  }
0xb6: {  	[timem:s3], [sflag:s2] =	dma.local @!p0 [hbm:s0], s1  }
0xb7: {  	s0 =	simm.s32 @!p0 $0x3  }
0xb8: {  	_ =	swait.ge @!p0 [sflag:s0], s1  }
0xb9: {  	s1 =	ssub.s32 @!p0 $0x0, s1;
	[sflag:s0] =	ssyncset.done @!p0 $0x0  }
0xba: {  	[sflag:s0] =	ssyncadd.s32 @!p0 s1  }
0xbb: {  	[bflag:$0x3] =	sbarrier.arrive $0xFFFF  }
0xbc: {  	_ =	shalt  }

</sc_bundles>
